<compile_context>
chip_gen: v7x
topology: tpu7x:2x2x1
jax: 0.10.2.dev20260603
libtpu: 0.0.44.dev20260713+nightly
codegen_flags: <defaults>
</compile_context>

<pallas_src>
import functools

import jax
import jax.numpy as jnp
from jax import lax
from jax.experimental import pallas as pl
from jax.experimental.pallas import tpu as pltpu
from jax.experimental.pallas import tpu_sc as plsc

N_NODES = 10000
N_EDGES = 320000
D_FEAT = 128
N_REL = 4

NC = 2
HW = D_FEAT // NC
NS = 16
KB = 128
NB = 160
NR = 4
NSTAGE = 4
SB = NB // NSTAGE
EPW = NB * KB
E_PAD = NS * EPW
ACC_ROWS = 40448
TRASH_ROW = N_REL * N_NODES
ZROWS = ACC_ROWS // NS

BN = 1000


XROWS = N_NODES // NS


def _sc_body(xh_hbm, src_hbm, scat_hbm, zeros_hbm, acc_hbm,
             sidx, didx, rows, accs, x_sh, semg):
    c = lax.axis_index("c")
    s = lax.axis_index("s")

    def gat(b, t):
        pltpu.async_copy(x_sh.at[sidx.at[b]], rows.at[t], semg[t])

    def gat_wait(b, t):
        pltpu.make_async_copy(x_sh.at[sidx.at[b]], rows.at[t],
                              semg[t]).wait()

    pltpu.sync_copy(xh_hbm.at[pl.ds(s * XROWS, XROWS), pl.ds(c * HW, HW)],
                    x_sh.at[pl.ds(s * XROWS, XROWS)])
    pltpu.sync_copy(zeros_hbm, accs.at[pl.ds(s * ZROWS, ZROWS)])
    plsc.subcore_barrier()

    for h in range(NSTAGE):
        pltpu.sync_copy(src_hbm.at[s, h], sidx)
        pltpu.sync_copy(scat_hbm.at[s, h], didx)

        for t in range(NR):
            gat(t, t)

        def body(g, carry):
            b = NR * g
            for t in range(NR):
                gat_wait(b + t, t)
                pltpu.sync_copy(rows.at[t], accs.at[didx.at[b + t]],
                                add=True)

                @pl.when(b + t + NR < SB)
                def _():
                    gat(b + t + NR, t)
            return carry

        lax.fori_loop(0, SB // NR, body, 0)

    plsc.subcore_barrier()
    pltpu.sync_copy(accs.at[pl.ds(s * ZROWS, ZROWS)],
                    acc_hbm.at[pl.ds(s * ZROWS, ZROWS), pl.ds(c * HW, HW)])


@functools.cache
def _sc_scatter():
    return pl.kernel(
        _sc_body,
        out_type=jax.ShapeDtypeStruct((ACC_ROWS, D_FEAT), jnp.bfloat16),
        mesh=plsc.VectorSubcoreMesh(core_axis_name="c", subcore_axis_name="s"),
        scratch_types=[
            pltpu.VMEM((SB, KB), jnp.int32),
            pltpu.VMEM((SB, KB), jnp.int32),
            pltpu.VMEM((NR, KB, HW), jnp.bfloat16),
            pltpu.VMEM_SHARED((ACC_ROWS, HW), jnp.bfloat16),
            pltpu.VMEM_SHARED((N_NODES, HW), jnp.bfloat16),
            [pltpu.SemaphoreType.DMA] * NR,
        ],
        compiler_params=pltpu.CompilerParams(use_tc_tiling_on_sc=False),
    )


def _tc_body(x_ref, acc_ref, ws_ref, wn_ref, b_ref, out_ref):
    r = pl.program_id(1)

    @pl.when(r == 0)
    def _():
        out_ref[...] = jnp.zeros_like(out_ref)

    conv = (jnp.dot(x_ref[...], ws_ref[0], preferred_element_type=jnp.float32)
            + jnp.dot(acc_ref[...], wn_ref[0],
                      preferred_element_type=jnp.float32)
            + b_ref[0])
    out_ref[...] += jnp.tanh(conv)


_tc_dense = pl.pallas_call(
    _tc_body,
    grid=(N_NODES // BN, N_REL),
    in_specs=[
        pl.BlockSpec((BN, D_FEAT), lambda nb, r: (nb, 0)),
        pl.BlockSpec((BN, D_FEAT),
                     lambda nb, r: (r * (N_NODES // BN) + nb, 0)),
        pl.BlockSpec((1, D_FEAT, D_FEAT), lambda nb, r: (r, 0, 0)),
        pl.BlockSpec((1, D_FEAT, D_FEAT), lambda nb, r: (r, 0, 0)),
        pl.BlockSpec((1, 1, D_FEAT), lambda nb, r: (r, 0, 0)),
    ],
    out_specs=pl.BlockSpec((BN, D_FEAT), lambda nb, r: (nb, 0)),
    out_shape=jax.ShapeDtypeStruct((N_NODES, D_FEAT), jnp.float32),
    compiler_params=pltpu.CompilerParams(
        dimension_semantics=("arbitrary", "arbitrary")),
)


def kernel(x, edge_index, edge_attr, W_self, W_neigh, b):
    src = edge_index[0]
    dst = edge_index[1]
    xh = x.astype(jnp.bfloat16)
    pad = E_PAD - N_EDGES
    srcp = jnp.concatenate([src, jnp.zeros((pad,), jnp.int32)])
    srcp = srcp.reshape(NS, NSTAGE, SB, KB)
    scat = jnp.concatenate(
        [edge_attr * N_NODES + dst,
         jnp.full((pad,), TRASH_ROW, jnp.int32)]).reshape(NS, NSTAGE, SB, KB)
    zeros_z = jnp.zeros((ZROWS, HW), jnp.bfloat16)

    acc = _sc_scatter()(xh, srcp, scat, zeros_z)

    return _tc_dense(x, acc, W_self, W_neigh.astype(jnp.bfloat16),
                     b.reshape(N_REL, 1, D_FEAT))

# --- scband reference (transcript-rebuilt; emitter-appended) ---
"""Pipeline reference for scband-relational-conv-53489522705039 (READ-ONLY COPY).

The authoritative reference and input builder live on the scoring server;
editing this copy changes nothing except your own understanding.
"""

import jax, jax.numpy as jnp
import numpy as np

N = 10000
E = 320000
D = 128
R = 4


def setup_inputs(seed: int = 0) -> dict:
    key = jax.random.key(seed)
    k1, k2, k3, k4, k5, k6 = jax.random.split(key, 6)
    x = jax.random.normal(k1, (N, D), dtype=jnp.float32)
    edge_index = jax.random.randint(k2, (2, E), 0, N, dtype=jnp.int32)
    edge_attr = jax.random.randint(k3, (E,), 0, R, dtype=jnp.int32)
    # Per-relation GraphConv parameters (one conv per discrete edge type)
    W_self = jax.random.normal(k4, (R, D, D), dtype=jnp.float32) * 0.05
    W_neigh = jax.random.normal(k5, (R, D, D), dtype=jnp.float32) * 0.05
    b = jax.random.normal(k6, (R, D), dtype=jnp.float32) * 0.05
    return {"x": x, "edge_index": edge_index, "edge_attr": edge_attr,
            "W_self": W_self, "W_neigh": W_neigh, "b": b}


def reference(x, edge_index, edge_attr, W_self, W_neigh, b):
    # RelationalConv: one GraphConv per discrete edge type, summed after tanh.
    # Edge filtering by (edge_attr == e) is implemented as a 0/1 mask on the
    # messages, which is mathematically identical to selecting the edge subset
    # (masked messages contribute zero to the scatter-add).
    src = edge_index[0]
    dst = edge_index[1]
    n = x.shape[0]
    out = jnp.zeros((n, D), dtype=x.dtype)
    gathered = jnp.take(x, src, axis=0)  # [E, D]
    for e in range(R):
        mask = (edge_attr == e).astype(x.dtype)[:, None]  # [E, 1]
        msg = (gathered @ W_neigh[e]) * mask  # [E, D]
        agg = jax.ops.segment_sum(msg, dst, num_segments=n)  # scatter-add by dst
        conv_e = x @ W_self[e] + agg + b[e]
        out = out + jnp.tanh(conv_e)
    return out

if __name__ == "__main__":
    import jax
    _d = setup_inputs()
    print(jax.jit(kernel)(*tuple(_d.values())))

</pallas_src>

<mosaic_0001>
#map = affine_map<(d0, d1) -> (0, 0)>
#map1 = affine_map<(d0, d1) -> (0, 0, 0, 0)>
module attributes {stable_mosaic.version = 14 : i64} {
  func.func @_sc_body(%arg0: i32, %arg1: i32, %arg2: memref<10000x128xbf16, #tpu.memory_space<hbm>>, %arg3: memref<16x4x40x128xi32, #tpu.memory_space<hbm>>, %arg4: memref<16x4x40x128xi32, #tpu.memory_space<hbm>>, %arg5: memref<2528x64xbf16, #tpu.memory_space<hbm>>, %arg6: memref<40448x128xbf16, #tpu.memory_space<hbm>>, %arg7: memref<40x128xi32, #tpu.memory_space<vmem>>, %arg8: memref<40x128xi32, #tpu.memory_space<vmem>>, %arg9: memref<4x128x64xbf16, #tpu.memory_space<vmem>>, %arg10: memref<40448x64xbf16, #tpu.memory_space<vmem_shared>>, %arg11: memref<10000x64xbf16, #tpu.memory_space<vmem_shared>>, %arg12: memref<!tpu.dma_semaphore, #tpu.memory_space<semaphore_mem>>, %arg13: memref<!tpu.dma_semaphore, #tpu.memory_space<semaphore_mem>>, %arg14: memref<!tpu.dma_semaphore, #tpu.memory_space<semaphore_mem>>, %arg15: memref<!tpu.dma_semaphore, #tpu.memory_space<semaphore_mem>>) attributes {dimension_semantics = [#tpu.dimension_semantics<core_parallel>, #tpu.dimension_semantics<subcore_parallel>], iteration_bounds = array<i64: 2, 16>, scalar_prefetch = 0 : i64, scratch_operands = 9 : i64, tpu.core_type = #tpu.core_type<sc_vector_subcore>, window_params = [{transform_indices = #map}, {transform_indices = #map1}, {transform_indices = #map1}, {transform_indices = #map}, {transform_indices = #map}]} {
    %mul3A = arith.constant 625 : i32
    %mul3A_0 = arith.muli %arg1, %mul3A : i32
    %mul3A_1 = arith.constant 64 : i32
    %mul3A_2 = arith.muli %arg0, %mul3A_1 : i32
    %mul3A_3 = arith.constant 625 : i32
    %mul3A_4 = arith.muli %arg1, %mul3A_3 : i32
    "tpu.region"() ({
      %run_scoped3A_235 = tpu.sem_alloc : memref<!tpu.dma_semaphore, #tpu.memory_space<semaphore_mem>>
      %dma_start3A_236 = arith.constant 0 : i32
      %dma_start3A_237 = tpu.memref_slice %arg11[%mul3A_4, %dma_start3A_236] : memref<10000x64xbf16, #tpu.memory_space<vmem_shared>> -> memref<625x64xbf16, #tpu.memory_space<vmem_shared>>
      %dma_start3A_238 = tpu.memref_slice %arg2[%mul3A_0, %mul3A_2] : memref<10000x128xbf16, #tpu.memory_space<hbm>> -> memref<625x64xbf16, #tpu.memory_space<hbm>>
      tpu.enqueue_dma source(%dma_start3A_238 : memref<625x64xbf16, #tpu.memory_space<hbm>>) target(%dma_start3A_237 : memref<625x64xbf16, #tpu.memory_space<vmem_shared>>) target_semaphore(%run_scoped3A_235 : memref<!tpu.dma_semaphore, #tpu.memory_space<semaphore_mem>>)
      %dma_wait3A = arith.constant 0 : i32
      %dma_wait3A_239 = tpu.memref_slice %arg11[%mul3A_4, %dma_wait3A] : memref<10000x64xbf16, #tpu.memory_space<vmem_shared>> -> memref<625x64xbf16, #tpu.memory_space<vmem_shared>>
      %dma_wait3A_240 = tpu.memref_slice %arg2[%mul3A_0, %mul3A_2] : memref<10000x128xbf16, #tpu.memory_space<hbm>> -> memref<625x64xbf16, #tpu.memory_space<hbm>>
      tpu.wait_dma2 semaphore(%run_scoped3A_235 : memref<!tpu.dma_semaphore, #tpu.memory_space<semaphore_mem>>) src(%dma_wait3A_240 : memref<625x64xbf16, #tpu.memory_space<hbm>>) dst(%dma_wait3A_239 : memref<625x64xbf16, #tpu.memory_space<vmem_shared>>)
      tpu.yield
    }) : () -> ()
    %mul3A_5 = arith.constant 2528 : i32
    %mul3A_6 = arith.muli %arg1, %mul3A_5 : i32
    "tpu.region"() ({
      %run_scoped3A_235 = tpu.sem_alloc : memref<!tpu.dma_semaphore, #tpu.memory_space<semaphore_mem>>
      %dma_start3A_236 = arith.constant 0 : i32
      %dma_start3A_237 = tpu.memref_slice %arg10[%mul3A_6, %dma_start3A_236] : memref<40448x64xbf16, #tpu.memory_space<vmem_shared>> -> memref<2528x64xbf16, #tpu.memory_space<vmem_shared>>
      tpu.enqueue_dma source(%arg5 : memref<2528x64xbf16, #tpu.memory_space<hbm>>) target(%dma_start3A_237 : memref<2528x64xbf16, #tpu.memory_space<vmem_shared>>) target_semaphore(%run_scoped3A_235 : memref<!tpu.dma_semaphore, #tpu.memory_space<semaphore_mem>>)
      %dma_wait3A = arith.constant 0 : i32
      %dma_wait3A_238 = tpu.memref_slice %arg10[%mul3A_6, %dma_wait3A] : memref<40448x64xbf16, #tpu.memory_space<vmem_shared>> -> memref<2528x64xbf16, #tpu.memory_space<vmem_shared>>
      tpu.wait_dma2 semaphore(%run_scoped3A_235 : memref<!tpu.dma_semaphore, #tpu.memory_space<semaphore_mem>>) src(%arg5 : memref<2528x64xbf16, #tpu.memory_space<hbm>>) dst(%dma_wait3A_238 : memref<2528x64xbf16, #tpu.memory_space<vmem_shared>>)
      tpu.yield
    }) : () -> ()
    %barrier3A = arith.constant 0 : index
    tpu.barrier barrier_id(%barrier3A)
    %run_scoped3A = arith.constant 0 : i32
    "tpu.region"() ({
      %run_scoped3A_235 = tpu.sem_alloc : memref<!tpu.dma_semaphore, #tpu.memory_space<semaphore_mem>>
      %dma_start3A_236 = arith.constant 0 : i32
      %dma_start3A_237 = arith.constant 0 : i32
      %dma_start3A_238 = tpu.memref_slice %arg3[%arg1, %run_scoped3A, %dma_start3A_236, %dma_start3A_237] : memref<16x4x40x128xi32, #tpu.memory_space<hbm>> -> memref<1x1x40x128xi32, #tpu.memory_space<hbm>>
      %dma_start3A_239 = tpu.memref_squeeze %dma_start3A_238 : memref<1x1x40x128xi32, #tpu.memory_space<hbm>> -> memref<40x128xi32, #tpu.memory_space<hbm>>
      %dma_start3A_240 = arith.constant 0 : i32
      %dma_start3A_241 = arith.constant 0 : i32
      %dma_start3A_242 = tpu.memref_slice %arg3[%arg1, %run_scoped3A, %dma_start3A_240, %dma_start3A_241] : memref<16x4x40x128xi32, #tpu.memory_space<hbm>> -> memref<1x1x40x128xi32, #tpu.memory_space<hbm>>
      %dma_start3A_243 = tpu.memref_squeeze %dma_start3A_242 : memref<1x1x40x128xi32, #tpu.memory_space<hbm>> -> memref<40x128xi32, #tpu.memory_space<hbm>>
      tpu.enqueue_dma source(%dma_start3A_243 : memref<40x128xi32, #tpu.memory_space<hbm>>) target(%arg7 : memref<40x128xi32, #tpu.memory_space<vmem>>) target_semaphore(%run_scoped3A_235 : memref<!tpu.dma_semaphore, #tpu.memory_space<semaphore_mem>>)
      %dma_wait3A = arith.constant 0 : i32
      %dma_wait3A_244 = arith.constant 0 : i32
      %dma_wait3A_245 = tpu.memref_slice %arg3[%arg1, %run_scoped3A, %dma_wait3A, %dma_wait3A_244] : memref<16x4x40x128xi32, #tpu.memory_space<hbm>> -> memref<1x1x40x128xi32, #tpu.memory_space<hbm>>
      %dma_wait3A_246 = tpu.memref_squeeze %dma_wait3A_245 : memref<1x1x40x128xi32, #tpu.memory_space<hbm>> -> memref<40x128xi32, #tpu.memory_space<hbm>>
      %dma_wait3A_247 = arith.constant 0 : i32
      %dma_wait3A_248 = arith.constant 0 : i32
      %dma_wait3A_249 = tpu.memref_slice %arg3[%arg1, %run_scoped3A, %dma_wait3A_247, %dma_wait3A_248] : memref<16x4x40x128xi32, #tpu.memory_space<hbm>> -> memref<1x1x40x128xi32, #tpu.memory_space<hbm>>
      %dma_wait3A_250 = tpu.memref_squeeze %dma_wait3A_249 : memref<1x1x40x128xi32, #tpu.memory_space<hbm>> -> memref<40x128xi32, #tpu.memory_space<hbm>>
      tpu.wait_dma2 semaphore(%run_scoped3A_235 : memref<!tpu.dma_semaphore, #tpu.memory_space<semaphore_mem>>) src(%dma_wait3A_250 : memref<40x128xi32, #tpu.memory_space<hbm>>) dst(%arg7 : memref<40x128xi32, #tpu.memory_space<vmem>>)
      tpu.yield
    }) : () -> ()
    %run_scoped3A_7 = arith.constant 0 : i32
    "tpu.region"() ({
      %run_scoped3A_235 = tpu.sem_alloc : memref<!tpu.dma_semaphore, #tpu.memory_space<semaphore_mem>>
      %dma_start3A_236 = arith.constant 0 : i32
      %dma_start3A_237 = arith.constant 0 : i32
      %dma_start3A_238 = tpu.memref_slice %arg4[%arg1, %run_scoped3A_7, %dma_start3A_236, %dma_start3A_237] : memref<16x4x40x128xi32, #tpu.memory_space<hbm>> -> memref<1x1x40x128xi32, #tpu.memory_space<hbm>>
      %dma_start3A_239 = tpu.memref_squeeze %dma_start3A_238 : memref<1x1x40x128xi32, #tpu.memory_space<hbm>> -> memref<40x128xi32, #tpu.memory_space<hbm>>
      %dma_start3A_240 = arith.constant 0 : i32
      %dma_start3A_241 = arith.constant 0 : i32
      %dma_start3A_242 = tpu.memref_slice %arg4[%arg1, %run_scoped3A_7, %dma_start3A_240, %dma_start3A_241] : memref<16x4x40x128xi32, #tpu.memory_space<hbm>> -> memref<1x1x40x128xi32, #tpu.memory_space<hbm>>
      %dma_start3A_243 = tpu.memref_squeeze %dma_start3A_242 : memref<1x1x40x128xi32, #tpu.memory_space<hbm>> -> memref<40x128xi32, #tpu.memory_space<hbm>>
      tpu.enqueue_dma source(%dma_start3A_243 : memref<40x128xi32, #tpu.memory_space<hbm>>) target(%arg8 : memref<40x128xi32, #tpu.memory_space<vmem>>) target_semaphore(%run_scoped3A_235 : memref<!tpu.dma_semaphore, #tpu.memory_space<semaphore_mem>>)
      %dma_wait3A = arith.constant 0 : i32
      %dma_wait3A_244 = arith.constant 0 : i32
      %dma_wait3A_245 = tpu.memref_slice %arg4[%arg1, %run_scoped3A_7, %dma_wait3A, %dma_wait3A_244] : memref<16x4x40x128xi32, #tpu.memory_space<hbm>> -> memref<1x1x40x128xi32, #tpu.memory_space<hbm>>
      %dma_wait3A_246 = tpu.memref_squeeze %dma_wait3A_245 : memref<1x1x40x128xi32, #tpu.memory_space<hbm>> -> memref<40x128xi32, #tpu.memory_space<hbm>>
      %dma_wait3A_247 = arith.constant 0 : i32
      %dma_wait3A_248 = arith.constant 0 : i32
      %dma_wait3A_249 = tpu.memref_slice %arg4[%arg1, %run_scoped3A_7, %dma_wait3A_247, %dma_wait3A_248] : memref<16x4x40x128xi32, #tpu.memory_space<hbm>> -> memref<1x1x40x128xi32, #tpu.memory_space<hbm>>
      %dma_wait3A_250 = tpu.memref_squeeze %dma_wait3A_249 : memref<1x1x40x128xi32, #tpu.memory_space<hbm>> -> memref<40x128xi32, #tpu.memory_space<hbm>>
      tpu.wait_dma2 semaphore(%run_scoped3A_235 : memref<!tpu.dma_semaphore, #tpu.memory_space<semaphore_mem>>) src(%dma_wait3A_250 : memref<40x128xi32, #tpu.memory_space<hbm>>) dst(%arg8 : memref<40x128xi32, #tpu.memory_space<vmem>>)
      tpu.yield
    }) : () -> ()
    %dma_start3A = arith.constant 0 : i32
    %dma_start3A_8 = arith.constant 0 : i32
    %dma_start3A_9 = arith.constant 0 : i32
    %dma_start3A_10 = arith.constant 0 : i32
    %dma_start3A_11 = tpu.memref_slice %arg9[%dma_start3A_8, %dma_start3A_9, %dma_start3A_10] : memref<4x128x64xbf16, #tpu.memory_space<vmem>> -> memref<1x128x64xbf16, #tpu.memory_space<vmem>>
    %dma_start3A_12 = tpu.memref_squeeze %dma_start3A_11 : memref<1x128x64xbf16, #tpu.memory_space<vmem>> -> memref<128x64xbf16, #tpu.memory_space<vmem>>
    %dma_start3A_13 = arith.constant 0 : i32
    %dma_start3A_14 = tpu.memref_slice %arg7[%dma_start3A, %dma_start3A_13] : memref<40x128xi32, #tpu.memory_space<vmem>> -> memref<1x128xi32, #tpu.memory_space<vmem>>
    %dma_start3A_15 = tpu.memref_squeeze %dma_start3A_14 : memref<1x128xi32, #tpu.memory_space<vmem>> -> memref<128xi32, #tpu.memory_space<vmem>>
    %dma_start3A_16 = arith.constant 0 : i32
    %dma_start3A_17 = arith.constant 0 : i32
    %dma_start3A_18 = tpu.memref_slice %arg11[%dma_start3A_16, %dma_start3A_17] : memref<10000x64xbf16, #tpu.memory_space<vmem_shared>> -> memref<10000x64xbf16, #tpu.memory_space<vmem_shared>>
    tpu.enqueue_indirect_dma source(%dma_start3A_18 : memref<10000x64xbf16, #tpu.memory_space<vmem_shared>>) target(%dma_start3A_12 : memref<128x64xbf16, #tpu.memory_space<vmem>>) offsets(%dma_start3A_15 : memref<128xi32, #tpu.memory_space<vmem>>) semaphore(%arg12 : memref<!tpu.dma_semaphore, #tpu.memory_space<semaphore_mem>>)
    %dma_start3A_19 = arith.constant 1 : i32
    %dma_start3A_20 = arith.constant 1 : i32
    %dma_start3A_21 = arith.constant 0 : i32
    %dma_start3A_22 = arith.constant 0 : i32
    %dma_start3A_23 = tpu.memref_slice %arg9[%dma_start3A_20, %dma_start3A_21, %dma_start3A_22] : memref<4x128x64xbf16, #tpu.memory_space<vmem>> -> memref<1x128x64xbf16, #tpu.memory_space<vmem>>
    %dma_start3A_24 = tpu.memref_squeeze %dma_start3A_23 : memref<1x128x64xbf16, #tpu.memory_space<vmem>> -> memref<128x64xbf16, #tpu.memory_space<vmem>>
    %dma_start3A_25 = arith.constant 0 : i32
    %dma_start3A_26 = tpu.memref_slice %arg7[%dma_start3A_19, %dma_start3A_25] : memref<40x128xi32, #tpu.memory_space<vmem>> -> memref<1x128xi32, #tpu.memory_space<vmem>>
    %dma_start3A_27 = tpu.memref_squeeze %dma_start3A_26 : memref<1x128xi32, #tpu.memory_space<vmem>> -> memref<128xi32, #tpu.memory_space<vmem>>
    %dma_start3A_28 = arith.constant 0 : i32
    %dma_start3A_29 = arith.constant 0 : i32
    %dma_start3A_30 = tpu.memref_slice %arg11[%dma_start3A_28, %dma_start3A_29] : memref<10000x64xbf16, #tpu.memory_space<vmem_shared>> -> memref<10000x64xbf16, #tpu.memory_space<vmem_shared>>
    tpu.enqueue_indirect_dma source(%dma_start3A_30 : memref<10000x64xbf16, #tpu.memory_space<vmem_shared>>) target(%dma_start3A_24 : memref<128x64xbf16, #tpu.memory_space<vmem>>) offsets(%dma_start3A_27 : memref<128xi32, #tpu.memory_space<vmem>>) semaphore(%arg13 : memref<!tpu.dma_semaphore, #tpu.memory_space<semaphore_mem>>)
    %dma_start3A_31 = arith.constant 2 : i32
    %dma_start3A_32 = arith.constant 2 : i32
    %dma_start3A_33 = arith.constant 0 : i32
    %dma_start3A_34 = arith.constant 0 : i32
    %dma_start3A_35 = tpu.memref_slice %arg9[%dma_start3A_32, %dma_start3A_33, %dma_start3A_34] : memref<4x128x64xbf16, #tpu.memory_space<vmem>> -> memref<1x128x64xbf16, #tpu.memory_space<vmem>>
    %dma_start3A_36 = tpu.memref_squeeze %dma_start3A_35 : memref<1x128x64xbf16, #tpu.memory_space<vmem>> -> memref<128x64xbf16, #tpu.memory_space<vmem>>
    %dma_start3A_37 = arith.constant 0 : i32
    %dma_start3A_38 = tpu.memref_slice %arg7[%dma_start3A_31, %dma_start3A_37] : memref<40x128xi32, #tpu.memory_space<vmem>> -> memref<1x128xi32, #tpu.memory_space<vmem>>
    %dma_start3A_39 = tpu.memref_squeeze %dma_start3A_38 : memref<1x128xi32, #tpu.memory_space<vmem>> -> memref<128xi32, #tpu.memory_space<vmem>>
    %dma_start3A_40 = arith.constant 0 : i32
    %dma_start3A_41 = arith.constant 0 : i32
    %dma_start3A_42 = tpu.memref_slice %arg11[%dma_start3A_40, %dma_start3A_41] : memref<10000x64xbf16, #tpu.memory_space<vmem_shared>> -> memref<10000x64xbf16, #tpu.memory_space<vmem_shared>>
    tpu.enqueue_indirect_dma source(%dma_start3A_42 : memref<10000x64xbf16, #tpu.memory_space<vmem_shared>>) target(%dma_start3A_36 : memref<128x64xbf16, #tpu.memory_space<vmem>>) offsets(%dma_start3A_39 : memref<128xi32, #tpu.memory_space<vmem>>) semaphore(%arg14 : memref<!tpu.dma_semaphore, #tpu.memory_space<semaphore_mem>>)
    %dma_start3A_43 = arith.constant 3 : i32
    %dma_start3A_44 = arith.constant 3 : i32
    %dma_start3A_45 = arith.constant 0 : i32
    %dma_start3A_46 = arith.constant 0 : i32
    %dma_start3A_47 = tpu.memref_slice %arg9[%dma_start3A_44, %dma_start3A_45, %dma_start3A_46] : memref<4x128x64xbf16, #tpu.memory_space<vmem>> -> memref<1x128x64xbf16, #tpu.memory_space<vmem>>
    %dma_start3A_48 = tpu.memref_squeeze %dma_start3A_47 : memref<1x128x64xbf16, #tpu.memory_space<vmem>> -> memref<128x64xbf16, #tpu.memory_space<vmem>>
    %dma_start3A_49 = arith.constant 0 : i32
    %dma_start3A_50 = tpu.memref_slice %arg7[%dma_start3A_43, %dma_start3A_49] : memref<40x128xi32, #tpu.memory_space<vmem>> -> memref<1x128xi32, #tpu.memory_space<vmem>>
    %dma_start3A_51 = tpu.memref_squeeze %dma_start3A_50 : memref<1x128xi32, #tpu.memory_space<vmem>> -> memref<128xi32, #tpu.memory_space<vmem>>
    %dma_start3A_52 = arith.constant 0 : i32
    %dma_start3A_53 = arith.constant 0 : i32
    %dma_start3A_54 = tpu.memref_slice %arg11[%dma_start3A_52, %dma_start3A_53] : memref<10000x64xbf16, #tpu.memory_space<vmem_shared>> -> memref<10000x64xbf16, #tpu.memory_space<vmem_shared>>
    tpu.enqueue_indirect_dma source(%dma_start3A_54 : memref<10000x64xbf16, #tpu.memory_space<vmem_shared>>) target(%dma_start3A_48 : memref<128x64xbf16, #tpu.memory_space<vmem>>) offsets(%dma_start3A_51 : memref<128xi32, #tpu.memory_space<vmem>>) semaphore(%arg15 : memref<!tpu.dma_semaphore, #tpu.memory_space<semaphore_mem>>)
    %scan3A = arith.constant 0 : i32
    %scan3A_55 = arith.constant 0 : i32
    %scan3A_56 = arith.constant 10 : i32
    %scan3A_57 = arith.addi %scan3A_55, %scan3A_56 : i32
    %scan3A_58 = arith.constant 1 : i32
    scf.for %scan3A_235 = %scan3A_55 to %scan3A_57 step %scan3A_58  : i32 {
      %mul3A_236 = arith.constant 4 : i32
      %mul3A_237 = arith.muli %mul3A_236, %scan3A_235 : i32
      %add3A = arith.constant 0 : i32
      %add3A_238 = arith.addi %mul3A_237, %add3A : i32
      %dma_wait3A = arith.constant 0 : i32
      %dma_wait3A_239 = arith.constant 0 : i32
      %dma_wait3A_240 = arith.constant 0 : i32
      %dma_wait3A_241 = tpu.memref_slice %arg9[%dma_wait3A, %dma_wait3A_239, %dma_wait3A_240] : memref<4x128x64xbf16, #tpu.memory_space<vmem>> -> memref<1x128x64xbf16, #tpu.memory_space<vmem>>
      %dma_wait3A_242 = tpu.memref_squeeze %dma_wait3A_241 : memref<1x128x64xbf16, #tpu.memory_space<vmem>> -> memref<128x64xbf16, #tpu.memory_space<vmem>>
      %dma_wait3A_243 = arith.constant 0 : i32
      %dma_wait3A_244 = tpu.memref_slice %arg7[%add3A_238, %dma_wait3A_243] : memref<40x128xi32, #tpu.memory_space<vmem>> -> memref<1x128xi32, #tpu.memory_space<vmem>>
      %dma_wait3A_245 = tpu.memref_squeeze %dma_wait3A_244 : memref<1x128xi32, #tpu.memory_space<vmem>> -> memref<128xi32, #tpu.memory_space<vmem>>
      %dma_wait3A_246 = arith.constant 0 : i32
      %dma_wait3A_247 = arith.constant 0 : i32
      %dma_wait3A_248 = tpu.memref_slice %arg11[%dma_wait3A_246, %dma_wait3A_247] : memref<10000x64xbf16, #tpu.memory_space<vmem_shared>> -> memref<10000x64xbf16, #tpu.memory_space<vmem_shared>>
      tpu.wait_indirect_dma semaphore(%arg12 : memref<!tpu.dma_semaphore, #tpu.memory_space<semaphore_mem>>) src(%dma_wait3A_248 : memref<10000x64xbf16, #tpu.memory_space<vmem_shared>>) dst(%dma_wait3A_242 : memref<128x64xbf16, #tpu.memory_space<vmem>>)
      %add3A_249 = arith.constant 0 : i32
      %add3A_250 = arith.addi %mul3A_237, %add3A_249 : i32
      %run_scoped3A_251 = arith.constant 0 : i32
      "tpu.region"() ({
        %run_scoped3A_333 = tpu.sem_alloc : memref<!tpu.dma_semaphore, #tpu.memory_space<semaphore_mem>>
        %dma_start3A_334 = arith.constant 0 : i32
        %dma_start3A_335 = arith.constant 0 : i32
        %dma_start3A_336 = tpu.memref_slice %arg9[%run_scoped3A_251, %dma_start3A_334, %dma_start3A_335] : memref<4x128x64xbf16, #tpu.memory_space<vmem>> -> memref<1x128x64xbf16, #tpu.memory_space<vmem>>
        %dma_start3A_337 = tpu.memref_squeeze %dma_start3A_336 : memref<1x128x64xbf16, #tpu.memory_space<vmem>> -> memref<128x64xbf16, #tpu.memory_space<vmem>>
        %dma_start3A_338 = arith.constant 0 : i32
        %dma_start3A_339 = tpu.memref_slice %arg8[%add3A_250, %dma_start3A_338] : memref<40x128xi32, #tpu.memory_space<vmem>> -> memref<1x128xi32, #tpu.memory_space<vmem>>
        %dma_start3A_340 = tpu.memref_squeeze %dma_start3A_339 : memref<1x128xi32, #tpu.memory_space<vmem>> -> memref<128xi32, #tpu.memory_space<vmem>>
        %dma_start3A_341 = arith.constant 0 : i32
        %dma_start3A_342 = arith.constant 0 : i32
        %dma_start3A_343 = tpu.memref_slice %arg10[%dma_start3A_341, %dma_start3A_342] : memref<40448x64xbf16, #tpu.memory_space<vmem_shared>> -> memref<40448x64xbf16, #tpu.memory_space<vmem_shared>>
        tpu.enqueue_indirect_dma source(%dma_start3A_337 : memref<128x64xbf16, #tpu.memory_space<vmem>>) target(%dma_start3A_343 : memref<40448x64xbf16, #tpu.memory_space<vmem_shared>>) offsets(%dma_start3A_340 : memref<128xi32, #tpu.memory_space<vmem>>) semaphore(%run_scoped3A_333 : memref<!tpu.dma_semaphore, #tpu.memory_space<semaphore_mem>>) {add = true}
        %dma_wait3A_344 = arith.constant 0 : i32
        %dma_wait3A_345 = arith.constant 0 : i32
        %dma_wait3A_346 = tpu.memref_slice %arg9[%run_scoped3A_251, %dma_wait3A_344, %dma_wait3A_345] : memref<4x128x64xbf16, #tpu.memory_space<vmem>> -> memref<1x128x64xbf16, #tpu.memory_space<vmem>>
        %dma_wait3A_347 = tpu.memref_squeeze %dma_wait3A_346 : memref<1x128x64xbf16, #tpu.memory_space<vmem>> -> memref<128x64xbf16, #tpu.memory_space<vmem>>
        %dma_wait3A_348 = arith.constant 0 : i32
        %dma_wait3A_349 = tpu.memref_slice %arg8[%add3A_250, %dma_wait3A_348] : memref<40x128xi32, #tpu.memory_space<vmem>> -> memref<1x128xi32, #tpu.memory_space<vmem>>
        %dma_wait3A_350 = tpu.memref_squeeze %dma_wait3A_349 : memref<1x128xi32, #tpu.memory_space<vmem>> -> memref<128xi32, #tpu.memory_space<vmem>>
        %dma_wait3A_351 = arith.constant 0 : i32
        %dma_wait3A_352 = arith.constant 0 : i32
        %dma_wait3A_353 = tpu.memref_slice %arg10[%dma_wait3A_351, %dma_wait3A_352] : memref<40448x64xbf16, #tpu.memory_space<vmem_shared>> -> memref<40448x64xbf16, #tpu.memory_space<vmem_shared>>
        tpu.wait_indirect_dma semaphore(%run_scoped3A_333 : memref<!tpu.dma_semaphore, #tpu.memory_space<semaphore_mem>>) src(%dma_wait3A_347 : memref<128x64xbf16, #tpu.memory_space<vmem>>) dst(%dma_wait3A_353 : memref<40448x64xbf16, #tpu.memory_space<vmem_shared>>)
        tpu.yield
      }) : () -> ()
      %add3A_252 = arith.constant 0 : i32
      %add3A_253 = arith.addi %mul3A_237, %add3A_252 : i32
      %add3A_254 = arith.constant 4 : i32
      %add3A_255 = arith.addi %add3A_253, %add3A_254 : i32
      %lt3A = arith.constant 40 : i32
      %lt3A_256 = arith.cmpi slt, %add3A_255, %lt3A : i32
      %convert_element_type3A = arith.extui %lt3A_256 : i1 to i32
      %cond3A = arith.constant 0 : i32
      %cond3A_257 = arith.cmpi ne, %convert_element_type3A, %cond3A : i32
      scf.if %cond3A_257 {
        %add3A_333 = arith.constant 0 : i32
        %add3A_334 = arith.addi %mul3A_237, %add3A_333 : i32
        %add3A_335 = arith.constant 4 : i32
        %add3A_336 = arith.addi %add3A_334, %add3A_335 : i32
        %dma_start3A_337 = arith.constant 0 : i32
        %dma_start3A_338 = arith.constant 0 : i32
        %dma_start3A_339 = arith.constant 0 : i32
        %dma_start3A_340 = tpu.memref_slice %arg9[%dma_start3A_337, %dma_start3A_338, %dma_start3A_339] : memref<4x128x64xbf16, #tpu.memory_space<vmem>> -> memref<1x128x64xbf16, #tpu.memory_space<vmem>>
        %dma_start3A_341 = tpu.memref_squeeze %dma_start3A_340 : memref<1x128x64xbf16, #tpu.memory_space<vmem>> -> memref<128x64xbf16, #tpu.memory_space<vmem>>
        %dma_start3A_342 = arith.constant 0 : i32
        %dma_start3A_343 = tpu.memref_slice %arg7[%add3A_336, %dma_start3A_342] : memref<40x128xi32, #tpu.memory_space<vmem>> -> memref<1x128xi32, #tpu.memory_space<vmem>>
        %dma_start3A_344 = tpu.memref_squeeze %dma_start3A_343 : memref<1x128xi32, #tpu.memory_space<vmem>> -> memref<128xi32, #tpu.memory_space<vmem>>
        %dma_start3A_345 = arith.constant 0 : i32
        %dma_start3A_346 = arith.constant 0 : i32
        %dma_start3A_347 = tpu.memref_slice %arg11[%dma_start3A_345, %dma_start3A_346] : memref<10000x64xbf16, #tpu.memory_space<vmem_shared>> -> memref<10000x64xbf16, #tpu.memory_space<vmem_shared>>
        tpu.enqueue_indirect_dma source(%dma_start3A_347 : memref<10000x64xbf16, #tpu.memory_space<vmem_shared>>) target(%dma_start3A_341 : memref<128x64xbf16, #tpu.memory_space<vmem>>) offsets(%dma_start3A_344 : memref<128xi32, #tpu.memory_space<vmem>>) semaphore(%arg12 : memref<!tpu.dma_semaphore, #tpu.memory_space<semaphore_mem>>)
      } else {
      }
      %add3A_258 = arith.constant 1 : i32
      %add3A_259 = arith.addi %mul3A_237, %add3A_258 : i32
      %dma_wait3A_260 = arith.constant 1 : i32
      %dma_wait3A_261 = arith.constant 0 : i32
      %dma_wait3A_262 = arith.constant 0 : i32
      %dma_wait3A_263 = tpu.memref_slice %arg9[%dma_wait3A_260, %dma_wait3A_261, %dma_wait3A_262] : memref<4x128x64xbf16, #tpu.memory_space<vmem>> -> memref<1x128x64xbf16, #tpu.memory_space<vmem>>
      %dma_wait3A_264 = tpu.memref_squeeze %dma_wait3A_263 : memref<1x128x64xbf16, #tpu.memory_space<vmem>> -> memref<128x64xbf16, #tpu.memory_space<vmem>>
      %dma_wait3A_265 = arith.constant 0 : i32
      %dma_wait3A_266 = tpu.memref_slice %arg7[%add3A_259, %dma_wait3A_265] : memref<40x128xi32, #tpu.memory_space<vmem>> -> memref<1x128xi32, #tpu.memory_space<vmem>>
      %dma_wait3A_267 = tpu.memref_squeeze %dma_wait3A_266 : memref<1x128xi32, #tpu.memory_space<vmem>> -> memref<128xi32, #tpu.memory_space<vmem>>
      %dma_wait3A_268 = arith.constant 0 : i32
      %dma_wait3A_269 = arith.constant 0 : i32
      %dma_wait3A_270 = tpu.memref_slice %arg11[%dma_wait3A_268, %dma_wait3A_269] : memref<10000x64xbf16, #tpu.memory_space<vmem_shared>> -> memref<10000x64xbf16, #tpu.memory_space<vmem_shared>>
      tpu.wait_indirect_dma semaphore(%arg13 : memref<!tpu.dma_semaphore, #tpu.memory_space<semaphore_mem>>) src(%dma_wait3A_270 : memref<10000x64xbf16, #tpu.memory_space<vmem_shared>>) dst(%dma_wait3A_264 : memref<128x64xbf16, #tpu.memory_space<vmem>>)
      %add3A_271 = arith.constant 1 : i32
      %add3A_272 = arith.addi %mul3A_237, %add3A_271 : i32
      %run_scoped3A_273 = arith.constant 1 : i32
      "tpu.region"() ({
        %run_scoped3A_333 = tpu.sem_alloc : memref<!tpu.dma_semaphore, #tpu.memory_space<semaphore_mem>>
        %dma_start3A_334 = arith.constant 0 : i32
        %dma_start3A_335 = arith.constant 0 : i32
        %dma_start3A_336 = tpu.memref_slice %arg9[%run_scoped3A_273, %dma_start3A_334, %dma_start3A_335] : memref<4x128x64xbf16, #tpu.memory_space<vmem>> -> memref<1x128x64xbf16, #tpu.memory_space<vmem>>
        %dma_start3A_337 = tpu.memref_squeeze %dma_start3A_336 : memref<1x128x64xbf16, #tpu.memory_space<vmem>> -> memref<128x64xbf16, #tpu.memory_space<vmem>>
        %dma_start3A_338 = arith.constant 0 : i32
        %dma_start3A_339 = tpu.memref_slice %arg8[%add3A_272, %dma_start3A_338] : memref<40x128xi32, #tpu.memory_space<vmem>> -> memref<1x128xi32, #tpu.memory_space<vmem>>
        %dma_start3A_340 = tpu.memref_squeeze %dma_start3A_339 : memref<1x128xi32, #tpu.memory_space<vmem>> -> memref<128xi32, #tpu.memory_space<vmem>>
        %dma_start3A_341 = arith.constant 0 : i32
        %dma_start3A_342 = arith.constant 0 : i32
        %dma_start3A_343 = tpu.memref_slice %arg10[%dma_start3A_341, %dma_start3A_342] : memref<40448x64xbf16, #tpu.memory_space<vmem_shared>> -> memref<40448x64xbf16, #tpu.memory_space<vmem_shared>>
        tpu.enqueue_indirect_dma source(%dma_start3A_337 : memref<128x64xbf16, #tpu.memory_space<vmem>>) target(%dma_start3A_343 : memref<40448x64xbf16, #tpu.memory_space<vmem_shared>>) offsets(%dma_start3A_340 : memref<128xi32, #tpu.memory_space<vmem>>) semaphore(%run_scoped3A_333 : memref<!tpu.dma_semaphore, #tpu.memory_space<semaphore_mem>>) {add = true}
        %dma_wait3A_344 = arith.constant 0 : i32
        %dma_wait3A_345 = arith.constant 0 : i32
        %dma_wait3A_346 = tpu.memref_slice %arg9[%run_scoped3A_273, %dma_wait3A_344, %dma_wait3A_345] : memref<4x128x64xbf16, #tpu.memory_space<vmem>> -> memref<1x128x64xbf16, #tpu.memory_space<vmem>>
        %dma_wait3A_347 = tpu.memref_squeeze %dma_wait3A_346 : memref<1x128x64xbf16, #tpu.memory_space<vmem>> -> memref<128x64xbf16, #tpu.memory_space<vmem>>
        %dma_wait3A_348 = arith.constant 0 : i32
        %dma_wait3A_349 = tpu.memref_slice %arg8[%add3A_272, %dma_wait3A_348] : memref<40x128xi32, #tpu.memory_space<vmem>> -> memref<1x128xi32, #tpu.memory_space<vmem>>
        %dma_wait3A_350 = tpu.memref_squeeze %dma_wait3A_349 : memref<1x128xi32, #tpu.memory_space<vmem>> -> memref<128xi32, #tpu.memory_space<vmem>>
        %dma_wait3A_351 = arith.constant 0 : i32
        %dma_wait3A_352 = arith.constant 0 : i32
        %dma_wait3A_353 = tpu.memref_slice %arg10[%dma_wait3A_351, %dma_wait3A_352] : memref<40448x64xbf16, #tpu.memory_space<vmem_shared>> -> memref<40448x64xbf16, #tpu.memory_space<vmem_shared>>
        tpu.wait_indirect_dma semaphore(%run_scoped3A_333 : memref<!tpu.dma_semaphore, #tpu.memory_space<semaphore_mem>>) src(%dma_wait3A_347 : memref<128x64xbf16, #tpu.memory_space<vmem>>) dst(%dma_wait3A_353 : memref<40448x64xbf16, #tpu.memory_space<vmem_shared>>)
        tpu.yield
      }) : () -> ()
      %add3A_274 = arith.constant 1 : i32
      %add3A_275 = arith.addi %mul3A_237, %add3A_274 : i32
      %add3A_276 = arith.constant 4 : i32
      %add3A_277 = arith.addi %add3A_275, %add3A_276 : i32
      %lt3A_278 = arith.constant 40 : i32
      %lt3A_279 = arith.cmpi slt, %add3A_277, %lt3A_278 : i32
      %convert_element_type3A_280 = arith.extui %lt3A_279 : i1 to i32
      %cond3A_281 = arith.constant 0 : i32
      %cond3A_282 = arith.cmpi ne, %convert_element_type3A_280, %cond3A_281 : i32
      scf.if %cond3A_282 {
        %add3A_333 = arith.constant 1 : i32
        %add3A_334 = arith.addi %mul3A_237, %add3A_333 : i32
        %add3A_335 = arith.constant 4 : i32
        %add3A_336 = arith.addi %add3A_334, %add3A_335 : i32
        %dma_start3A_337 = arith.constant 1 : i32
        %dma_start3A_338 = arith.constant 0 : i32
        %dma_start3A_339 = arith.constant 0 : i32
        %dma_start3A_340 = tpu.memref_slice %arg9[%dma_start3A_337, %dma_start3A_338, %dma_start3A_339] : memref<4x128x64xbf16, #tpu.memory_space<vmem>> -> memref<1x128x64xbf16, #tpu.memory_space<vmem>>
        %dma_start3A_341 = tpu.memref_squeeze %dma_start3A_340 : memref<1x128x64xbf16, #tpu.memory_space<vmem>> -> memref<128x64xbf16, #tpu.memory_space<vmem>>
        %dma_start3A_342 = arith.constant 0 : i32
        %dma_start3A_343 = tpu.memref_slice %arg7[%add3A_336, %dma_start3A_342] : memref<40x128xi32, #tpu.memory_space<vmem>> -> memref<1x128xi32, #tpu.memory_space<vmem>>
        %dma_start3A_344 = tpu.memref_squeeze %dma_start3A_343 : memref<1x128xi32, #tpu.memory_space<vmem>> -> memref<128xi32, #tpu.memory_space<vmem>>
        %dma_start3A_345 = arith.constant 0 : i32
        %dma_start3A_346 = arith.constant 0 : i32
        %dma_start3A_347 = tpu.memref_slice %arg11[%dma_start3A_345, %dma_start3A_346] : memref<10000x64xbf16, #tpu.memory_space<vmem_shared>> -> memref<10000x64xbf16, #tpu.memory_space<vmem_shared>>
        tpu.enqueue_indirect_dma source(%dma_start3A_347 : memref<10000x64xbf16, #tpu.memory_space<vmem_shared>>) target(%dma_start3A_341 : memref<128x64xbf16, #tpu.memory_space<vmem>>) offsets(%dma_start3A_344 : memref<128xi32, #tpu.memory_space<vmem>>) semaphore(%arg13 : memref<!tpu.dma_semaphore, #tpu.memory_space<semaphore_mem>>)
      } else {
      }
      %add3A_283 = arith.constant 2 : i32
      %add3A_284 = arith.addi %mul3A_237, %add3A_283 : i32
      %dma_wait3A_285 = arith.constant 2 : i32
      %dma_wait3A_286 = arith.constant 0 : i32
      %dma_wait3A_287 = arith.constant 0 : i32
      %dma_wait3A_288 = tpu.memref_slice %arg9[%dma_wait3A_285, %dma_wait3A_286, %dma_wait3A_287] : memref<4x128x64xbf16, #tpu.memory_space<vmem>> -> memref<1x128x64xbf16, #tpu.memory_space<vmem>>
      %dma_wait3A_289 = tpu.memref_squeeze %dma_wait3A_288 : memref<1x128x64xbf16, #tpu.memory_space<vmem>> -> memref<128x64xbf16, #tpu.memory_space<vmem>>
      %dma_wait3A_290 = arith.constant 0 : i32
      %dma_wait3A_291 = tpu.memref_slice %arg7[%add3A_284, %dma_wait3A_290] : memref<40x128xi32, #tpu.memory_space<vmem>> -> memref<1x128xi32, #tpu.memory_space<vmem>>
      %dma_wait3A_292 = tpu.memref_squeeze %dma_wait3A_291 : memref<1x128xi32, #tpu.memory_space<vmem>> -> memref<128xi32, #tpu.memory_space<vmem>>
      %dma_wait3A_293 = arith.constant 0 : i32
      %dma_wait3A_294 = arith.constant 0 : i32
      %dma_wait3A_295 = tpu.memref_slice %arg11[%dma_wait3A_293, %dma_wait3A_294] : memref<10000x64xbf16, #tpu.memory_space<vmem_shared>> -> memref<10000x64xbf16, #tpu.memory_space<vmem_shared>>
      tpu.wait_indirect_dma semaphore(%arg14 : memref<!tpu.dma_semaphore, #tpu.memory_space<semaphore_mem>>) src(%dma_wait3A_295 : memref<10000x64xbf16, #tpu.memory_space<vmem_shared>>) dst(%dma_wait3A_289 : memref<128x64xbf16, #tpu.memory_space<vmem>>)
      %add3A_296 = arith.constant 2 : i32
      %add3A_297 = arith.addi %mul3A_237, %add3A_296 : i32
      %run_scoped3A_298 = arith.constant 2 : i32
      "tpu.region"() ({
        %run_scoped3A_333 = tpu.sem_alloc : memref<!tpu.dma_semaphore, #tpu.memory_space<semaphore_mem>>
        %dma_start3A_334 = arith.constant 0 : i32
        %dma_start3A_335 = arith.constant 0 : i32
        %dma_start3A_336 = tpu.memref_slice %arg9[%run_scoped3A_298, %dma_start3A_334, %dma_start3A_335] : memref<4x128x64xbf16, #tpu.memory_space<vmem>> -> memref<1x128x64xbf16, #tpu.memory_space<vmem>>
        %dma_start3A_337 = tpu.memref_squeeze %dma_start3A_336 : memref<1x128x64xbf16, #tpu.memory_space<vmem>> -> memref<128x64xbf16, #tpu.memory_space<vmem>>
        %dma_start3A_338 = arith.constant 0 : i32
        %dma_start3A_339 = tpu.memref_slice %arg8[%add3A_297, %dma_start3A_338] : memref<40x128xi32, #tpu.memory_space<vmem>> -> memref<1x128xi32, #tpu.memory_space<vmem>>
        %dma_start3A_340 = tpu.memref_squeeze %dma_start3A_339 : memref<1x128xi32, #tpu.memory_space<vmem>> -> memref<128xi32, #tpu.memory_space<vmem>>
        %dma_start3A_341 = arith.constant 0 : i32
        %dma_start3A_342 = arith.constant 0 : i32
        %dma_start3A_343 = tpu.memref_slice %arg10[%dma_start3A_341, %dma_start3A_342] : memref<40448x64xbf16, #tpu.memory_space<vmem_shared>> -> memref<40448x64xbf16, #tpu.memory_space<vmem_shared>>
        tpu.enqueue_indirect_dma source(%dma_start3A_337 : memref<128x64xbf16, #tpu.memory_space<vmem>>) target(%dma_start3A_343 : memref<40448x64xbf16, #tpu.memory_space<vmem_shared>>) offsets(%dma_start3A_340 : memref<128xi32, #tpu.memory_space<vmem>>) semaphore(%run_scoped3A_333 : memref<!tpu.dma_semaphore, #tpu.memory_space<semaphore_mem>>) {add = true}
        %dma_wait3A_344 = arith.constant 0 : i32
        %dma_wait3A_345 = arith.constant 0 : i32
        %dma_wait3A_346 = tpu.memref_slice %arg9[%run_scoped3A_298, %dma_wait3A_344, %dma_wait3A_345] : memref<4x128x64xbf16, #tpu.memory_space<vmem>> -> memref<1x128x64xbf16, #tpu.memory_space<vmem>>
        %dma_wait3A_347 = tpu.memref_squeeze %dma_wait3A_346 : memref<1x128x64xbf16, #tpu.memory_space<vmem>> -> memref<128x64xbf16, #tpu.memory_space<vmem>>
        %dma_wait3A_348 = arith.constant 0 : i32
        %dma_wait3A_349 = tpu.memref_slice %arg8[%add3A_297, %dma_wait3A_348] : memref<40x128xi32, #tpu.memory_space<vmem>> -> memref<1x128xi32, #tpu.memory_space<vmem>>
        %dma_wait3A_350 = tpu.memref_squeeze %dma_wait3A_349 : memref<1x128xi32, #tpu.memory_space<vmem>> -> memref<128xi32, #tpu.memory_space<vmem>>
        %dma_wait3A_351 = arith.constant 0 : i32
        %dma_wait3A_352 = arith.constant 0 : i32
        %dma_wait3A_353 = tpu.memref_slice %arg10[%dma_wait3A_351, %dma_wait3A_352] : memref<40448x64xbf16, #tpu.memory_space<vmem_shared>> -> memref<40448x64xbf16, #tpu.memory_space<vmem_shared>>
        tpu.wait_indirect_dma semaphore(%run_scoped3A_333 : memref<!tpu.dma_semaphore, #tpu.memory_space<semaphore_mem>>) src(%dma_wait3A_347 : memref<128x64xbf16, #tpu.memory_space<vmem>>) dst(%dma_wait3A_353 : memref<40448x64xbf16, #tpu.memory_space<vmem_shared>>)
        tpu.yield
      }) : () -> ()
      %add3A_299 = arith.constant 2 : i32
      %add3A_300 = arith.addi %mul3A_237, %add3A_299 : i32
      %add3A_301 = arith.constant 4 : i32
      %add3A_302 = arith.addi %add3A_300, %add3A_301 : i32
      %lt3A_303 = arith.constant 40 : i32
      %lt3A_304 = arith.cmpi slt, %add3A_302, %lt3A_303 : i32
      %convert_element_type3A_305 = arith.extui %lt3A_304 : i1 to i32
      %cond3A_306 = arith.constant 0 : i32
      %cond3A_307 = arith.cmpi ne, %convert_element_type3A_305, %cond3A_306 : i32
      scf.if %cond3A_307 {
        %add3A_333 = arith.constant 2 : i32
        %add3A_334 = arith.addi %mul3A_237, %add3A_333 : i32
        %add3A_335 = arith.constant 4 : i32
        %add3A_336 = arith.addi %add3A_334, %add3A_335 : i32
        %dma_start3A_337 = arith.constant 2 : i32
        %dma_start3A_338 = arith.constant 0 : i32
        %dma_start3A_339 = arith.constant 0 : i32
        %dma_start3A_340 = tpu.memref_slice %arg9[%dma_start3A_337, %dma_start3A_338, %dma_start3A_339] : memref<4x128x64xbf16, #tpu.memory_space<vmem>> -> memref<1x128x64xbf16, #tpu.memory_space<vmem>>
        %dma_start3A_341 = tpu.memref_squeeze %dma_start3A_340 : memref<1x128x64xbf16, #tpu.memory_space<vmem>> -> memref<128x64xbf16, #tpu.memory_space<vmem>>
        %dma_start3A_342 = arith.constant 0 : i32
        %dma_start3A_343 = tpu.memref_slice %arg7[%add3A_336, %dma_start3A_342] : memref<40x128xi32, #tpu.memory_space<vmem>> -> memref<1x128xi32, #tpu.memory_space<vmem>>
        %dma_start3A_344 = tpu.memref_squeeze %dma_start3A_343 : memref<1x128xi32, #tpu.memory_space<vmem>> -> memref<128xi32, #tpu.memory_space<vmem>>
        %dma_start3A_345 = arith.constant 0 : i32
        %dma_start3A_346 = arith.constant 0 : i32
        %dma_start3A_347 = tpu.memref_slice %arg11[%dma_start3A_345, %dma_start3A_346] : memref<10000x64xbf16, #tpu.memory_space<vmem_shared>> -> memref<10000x64xbf16, #tpu.memory_space<vmem_shared>>
        tpu.enqueue_indirect_dma source(%dma_start3A_347 : memref<10000x64xbf16, #tpu.memory_space<vmem_shared>>) target(%dma_start3A_341 : memref<128x64xbf16, #tpu.memory_space<vmem>>) offsets(%dma_start3A_344 : memref<128xi32, #tpu.memory_space<vmem>>) semaphore(%arg14 : memref<!tpu.dma_semaphore, #tpu.memory_space<semaphore_mem>>)
      } else {
      }
      %add3A_308 = arith.constant 3 : i32
      %add3A_309 = arith.addi %mul3A_237, %add3A_308 : i32
      %dma_wait3A_310 = arith.constant 3 : i32
      %dma_wait3A_311 = arith.constant 0 : i32
      %dma_wait3A_312 = arith.constant 0 : i32
      %dma_wait3A_313 = tpu.memref_slice %arg9[%dma_wait3A_310, %dma_wait3A_311, %dma_wait3A_312] : memref<4x128x64xbf16, #tpu.memory_space<vmem>> -> memref<1x128x64xbf16, #tpu.memory_space<vmem>>
      %dma_wait3A_314 = tpu.memref_squeeze %dma_wait3A_313 : memref<1x128x64xbf16, #tpu.memory_space<vmem>> -> memref<128x64xbf16, #tpu.memory_space<vmem>>
      %dma_wait3A_315 = arith.constant 0 : i32
      %dma_wait3A_316 = tpu.memref_slice %arg7[%add3A_309, %dma_wait3A_315] : memref<40x128xi32, #tpu.memory_space<vmem>> -> memref<1x128xi32, #tpu.memory_space<vmem>>
      %dma_wait3A_317 = tpu.memref_squeeze %dma_wait3A_316 : memref<1x128xi32, #tpu.memory_space<vmem>> -> memref<128xi32, #tpu.memory_space<vmem>>
      %dma_wait3A_318 = arith.constant 0 : i32
      %dma_wait3A_319 = arith.constant 0 : i32
      %dma_wait3A_320 = tpu.memref_slice %arg11[%dma_wait3A_318, %dma_wait3A_319] : memref<10000x64xbf16, #tpu.memory_space<vmem_shared>> -> memref<10000x64xbf16, #tpu.memory_space<vmem_shared>>
      tpu.wait_indirect_dma semaphore(%arg15 : memref<!tpu.dma_semaphore, #tpu.memory_space<semaphore_mem>>) src(%dma_wait3A_320 : memref<10000x64xbf16, #tpu.memory_space<vmem_shared>>) dst(%dma_wait3A_314 : memref<128x64xbf16, #tpu.memory_space<vmem>>)
      %add3A_321 = arith.constant 3 : i32
      %add3A_322 = arith.addi %mul3A_237, %add3A_321 : i32
      %run_scoped3A_323 = arith.constant 3 : i32
      "tpu.region"() ({
        %run_scoped3A_333 = tpu.sem_alloc : memref<!tpu.dma_semaphore, #tpu.memory_space<semaphore_mem>>
        %dma_start3A_334 = arith.constant 0 : i32
        %dma_start3A_335 = arith.constant 0 : i32
        %dma_start3A_336 = tpu.memref_slice %arg9[%run_scoped3A_323, %dma_start3A_334, %dma_start3A_335] : memref<4x128x64xbf16, #tpu.memory_space<vmem>> -> memref<1x128x64xbf16, #tpu.memory_space<vmem>>
        %dma_start3A_337 = tpu.memref_squeeze %dma_start3A_336 : memref<1x128x64xbf16, #tpu.memory_space<vmem>> -> memref<128x64xbf16, #tpu.memory_space<vmem>>
        %dma_start3A_338 = arith.constant 0 : i32
        %dma_start3A_339 = tpu.memref_slice %arg8[%add3A_322, %dma_start3A_338] : memref<40x128xi32, #tpu.memory_space<vmem>> -> memref<1x128xi32, #tpu.memory_space<vmem>>
        %dma_start3A_340 = tpu.memref_squeeze %dma_start3A_339 : memref<1x128xi32, #tpu.memory_space<vmem>> -> memref<128xi32, #tpu.memory_space<vmem>>
        %dma_start3A_341 = arith.constant 0 : i32
        %dma_start3A_342 = arith.constant 0 : i32
        %dma_start3A_343 = tpu.memref_slice %arg10[%dma_start3A_341, %dma_start3A_342] : memref<40448x64xbf16, #tpu.memory_space<vmem_shared>> -> memref<40448x64xbf16, #tpu.memory_space<vmem_shared>>
        tpu.enqueue_indirect_dma source(%dma_start3A_337 : memref<128x64xbf16, #tpu.memory_space<vmem>>) target(%dma_start3A_343 : memref<40448x64xbf16, #tpu.memory_space<vmem_shared>>) offsets(%dma_start3A_340 : memref<128xi32, #tpu.memory_space<vmem>>) semaphore(%run_scoped3A_333 : memref<!tpu.dma_semaphore, #tpu.memory_space<semaphore_mem>>) {add = true}
        %dma_wait3A_344 = arith.constant 0 : i32
        %dma_wait3A_345 = arith.constant 0 : i32
        %dma_wait3A_346 = tpu.memref_slice %arg9[%run_scoped3A_323, %dma_wait3A_344, %dma_wait3A_345] : memref<4x128x64xbf16, #tpu.memory_space<vmem>> -> memref<1x128x64xbf16, #tpu.memory_space<vmem>>
        %dma_wait3A_347 = tpu.memref_squeeze %dma_wait3A_346 : memref<1x128x64xbf16, #tpu.memory_space<vmem>> -> memref<128x64xbf16, #tpu.memory_space<vmem>>
        %dma_wait3A_348 = arith.constant 0 : i32
        %dma_wait3A_349 = tpu.memref_slice %arg8[%add3A_322, %dma_wait3A_348] : memref<40x128xi32, #tpu.memory_space<vmem>> -> memref<1x128xi32, #tpu.memory_space<vmem>>
        %dma_wait3A_350 = tpu.memref_squeeze %dma_wait3A_349 : memref<1x128xi32, #tpu.memory_space<vmem>> -> memref<128xi32, #tpu.memory_space<vmem>>
        %dma_wait3A_351 = arith.constant 0 : i32
        %dma_wait3A_352 = arith.constant 0 : i32
        %dma_wait3A_353 = tpu.memref_slice %arg10[%dma_wait3A_351, %dma_wait3A_352] : memref<40448x64xbf16, #tpu.memory_space<vmem_shared>> -> memref<40448x64xbf16, #tpu.memory_space<vmem_shared>>
        tpu.wait_indirect_dma semaphore(%run_scoped3A_333 : memref<!tpu.dma_semaphore, #tpu.memory_space<semaphore_mem>>) src(%dma_wait3A_347 : memref<128x64xbf16, #tpu.memory_space<vmem>>) dst(%dma_wait3A_353 : memref<40448x64xbf16, #tpu.memory_space<vmem_shared>>)
        tpu.yield
      }) : () -> ()
      %add3A_324 = arith.constant 3 : i32
      %add3A_325 = arith.addi %mul3A_237, %add3A_324 : i32
      %add3A_326 = arith.constant 4 : i32
      %add3A_327 = arith.addi %add3A_325, %add3A_326 : i32
      %lt3A_328 = arith.constant 40 : i32
      %lt3A_329 = arith.cmpi slt, %add3A_327, %lt3A_328 : i32
      %convert_element_type3A_330 = arith.extui %lt3A_329 : i1 to i32
      %cond3A_331 = arith.constant 0 : i32
      %cond3A_332 = arith.cmpi ne, %convert_element_type3A_330, %cond3A_331 : i32
      scf.if %cond3A_332 {
        %add3A_333 = arith.constant 3 : i32
        %add3A_334 = arith.addi %mul3A_237, %add3A_333 : i32
        %add3A_335 = arith.constant 4 : i32
        %add3A_336 = arith.addi %add3A_334, %add3A_335 : i32
        %dma_start3A_337 = arith.constant 3 : i32
        %dma_start3A_338 = arith.constant 0 : i32
        %dma_start3A_339 = arith.constant 0 : i32
        %dma_start3A_340 = tpu.memref_slice %arg9[%dma_start3A_337, %dma_start3A_338, %dma_start3A_339] : memref<4x128x64xbf16, #tpu.memory_space<vmem>> -> memref<1x128x64xbf16, #tpu.memory_space<vmem>>
        %dma_start3A_341 = tpu.memref_squeeze %dma_start3A_340 : memref<1x128x64xbf16, #tpu.memory_space<vmem>> -> memref<128x64xbf16, #tpu.memory_space<vmem>>
        %dma_start3A_342 = arith.constant 0 : i32
        %dma_start3A_343 = tpu.memref_slice %arg7[%add3A_336, %dma_start3A_342] : memref<40x128xi32, #tpu.memory_space<vmem>> -> memref<1x128xi32, #tpu.memory_space<vmem>>
        %dma_start3A_344 = tpu.memref_squeeze %dma_start3A_343 : memref<1x128xi32, #tpu.memory_space<vmem>> -> memref<128xi32, #tpu.memory_space<vmem>>
        %dma_start3A_345 = arith.constant 0 : i32
        %dma_start3A_346 = arith.constant 0 : i32
        %dma_start3A_347 = tpu.memref_slice %arg11[%dma_start3A_345, %dma_start3A_346] : memref<10000x64xbf16, #tpu.memory_space<vmem_shared>> -> memref<10000x64xbf16, #tpu.memory_space<vmem_shared>>
        tpu.enqueue_indirect_dma source(%dma_start3A_347 : memref<10000x64xbf16, #tpu.memory_space<vmem_shared>>) target(%dma_start3A_341 : memref<128x64xbf16, #tpu.memory_space<vmem>>) offsets(%dma_start3A_344 : memref<128xi32, #tpu.memory_space<vmem>>) semaphore(%arg15 : memref<!tpu.dma_semaphore, #tpu.memory_space<semaphore_mem>>)
      } else {
      }
    }
    %scan3A_59 = arith.constant 10 : i32
    %run_scoped3A_60 = arith.constant 1 : i32
    "tpu.region"() ({
      %run_scoped3A_235 = tpu.sem_alloc : memref<!tpu.dma_semaphore, #tpu.memory_space<semaphore_mem>>
      %dma_start3A_236 = arith.constant 0 : i32
      %dma_start3A_237 = arith.constant 0 : i32
      %dma_start3A_238 = tpu.memref_slice %arg3[%arg1, %run_scoped3A_60, %dma_start3A_236, %dma_start3A_237] : memref<16x4x40x128xi32, #tpu.memory_space<hbm>> -> memref<1x1x40x128xi32, #tpu.memory_space<hbm>>
      %dma_start3A_239 = tpu.memref_squeeze %dma_start3A_238 : memref<1x1x40x128xi32, #tpu.memory_space<hbm>> -> memref<40x128xi32, #tpu.memory_space<hbm>>
      %dma_start3A_240 = arith.constant 0 : i32
      %dma_start3A_241 = arith.constant 0 : i32
      %dma_start3A_242 = tpu.memref_slice %arg3[%arg1, %run_scoped3A_60, %dma_start3A_240, %dma_start3A_241] : memref<16x4x40x128xi32, #tpu.memory_space<hbm>> -> memref<1x1x40x128xi32, #tpu.memory_space<hbm>>
      %dma_start3A_243 = tpu.memref_squeeze %dma_start3A_242 : memref<1x1x40x128xi32, #tpu.memory_space<hbm>> -> memref<40x128xi32, #tpu.memory_space<hbm>>
      tpu.enqueue_dma source(%dma_start3A_243 : memref<40x128xi32, #tpu.memory_space<hbm>>) target(%arg7 : memref<40x128xi32, #tpu.memory_space<vmem>>) target_semaphore(%run_scoped3A_235 : memref<!tpu.dma_semaphore, #tpu.memory_space<semaphore_mem>>)
      %dma_wait3A = arith.constant 0 : i32
      %dma_wait3A_244 = arith.constant 0 : i32
      %dma_wait3A_245 = tpu.memref_slice %arg3[%arg1, %run_scoped3A_60, %dma_wait3A, %dma_wait3A_244] : memref<16x4x40x128xi32, #tpu.memory_space<hbm>> -> memref<1x1x40x128xi32, #tpu.memory_space<hbm>>
      %dma_wait3A_246 = tpu.memref_squeeze %dma_wait3A_245 : memref<1x1x40x128xi32, #tpu.memory_space<hbm>> -> memref<40x128xi32, #tpu.memory_space<hbm>>
      %dma_wait3A_247 = arith.constant 0 : i32
      %dma_wait3A_248 = arith.constant 0 : i32
      %dma_wait3A_249 = tpu.memref_slice %arg3[%arg1, %run_scoped3A_60, %dma_wait3A_247, %dma_wait3A_248] : memref<16x4x40x128xi32, #tpu.memory_space<hbm>> -> memref<1x1x40x128xi32, #tpu.memory_space<hbm>>
      %dma_wait3A_250 = tpu.memref_squeeze %dma_wait3A_249 : memref<1x1x40x128xi32, #tpu.memory_space<hbm>> -> memref<40x128xi32, #tpu.memory_space<hbm>>
      tpu.wait_dma2 semaphore(%run_scoped3A_235 : memref<!tpu.dma_semaphore, #tpu.memory_space<semaphore_mem>>) src(%dma_wait3A_250 : memref<40x128xi32, #tpu.memory_space<hbm>>) dst(%arg7 : memref<40x128xi32, #tpu.memory_space<vmem>>)
      tpu.yield
    }) : () -> ()
    %run_scoped3A_61 = arith.constant 1 : i32
    "tpu.region"() ({
      %run_scoped3A_235 = tpu.sem_alloc : memref<!tpu.dma_semaphore, #tpu.memory_space<semaphore_mem>>
      %dma_start3A_236 = arith.constant 0 : i32
      %dma_start3A_237 = arith.constant 0 : i32
      %dma_start3A_238 = tpu.memref_slice %arg4[%arg1, %run_scoped3A_61, %dma_start3A_236, %dma_start3A_237] : memref<16x4x40x128xi32, #tpu.memory_space<hbm>> -> memref<1x1x40x128xi32, #tpu.memory_space<hbm>>
      %dma_start3A_239 = tpu.memref_squeeze %dma_start3A_238 : memref<1x1x40x128xi32, #tpu.memory_space<hbm>> -> memref<40x128xi32, #tpu.memory_space<hbm>>
      %dma_start3A_240 = arith.constant 0 : i32
      %dma_start3A_241 = arith.constant 0 : i32
      %dma_start3A_242 = tpu.memref_slice %arg4[%arg1, %run_scoped3A_61, %dma_start3A_240, %dma_start3A_241] : memref<16x4x40x128xi32, #tpu.memory_space<hbm>> -> memref<1x1x40x128xi32, #tpu.memory_space<hbm>>
      %dma_start3A_243 = tpu.memref_squeeze %dma_start3A_242 : memref<1x1x40x128xi32, #tpu.memory_space<hbm>> -> memref<40x128xi32, #tpu.memory_space<hbm>>
      tpu.enqueue_dma source(%dma_start3A_243 : memref<40x128xi32, #tpu.memory_space<hbm>>) target(%arg8 : memref<40x128xi32, #tpu.memory_space<vmem>>) target_semaphore(%run_scoped3A_235 : memref<!tpu.dma_semaphore, #tpu.memory_space<semaphore_mem>>)
      %dma_wait3A = arith.constant 0 : i32
      %dma_wait3A_244 = arith.constant 0 : i32
      %dma_wait3A_245 = tpu.memref_slice %arg4[%arg1, %run_scoped3A_61, %dma_wait3A, %dma_wait3A_244] : memref<16x4x40x128xi32, #tpu.memory_space<hbm>> -> memref<1x1x40x128xi32, #tpu.memory_space<hbm>>
      %dma_wait3A_246 = tpu.memref_squeeze %dma_wait3A_245 : memref<1x1x40x128xi32, #tpu.memory_space<hbm>> -> memref<40x128xi32, #tpu.memory_space<hbm>>
      %dma_wait3A_247 = arith.constant 0 : i32
      %dma_wait3A_248 = arith.constant 0 : i32
      %dma_wait3A_249 = tpu.memref_slice %arg4[%arg1, %run_scoped3A_61, %dma_wait3A_247, %dma_wait3A_248] : memref<16x4x40x128xi32, #tpu.memory_space<hbm>> -> memref<1x1x40x128xi32, #tpu.memory_space<hbm>>
      %dma_wait3A_250 = tpu.memref_squeeze %dma_wait3A_249 : memref<1x1x40x128xi32, #tpu.memory_space<hbm>> -> memref<40x128xi32, #tpu.memory_space<hbm>>
      tpu.wait_dma2 semaphore(%run_scoped3A_235 : memref<!tpu.dma_semaphore, #tpu.memory_space<semaphore_mem>>) src(%dma_wait3A_250 : memref<40x128xi32, #tpu.memory_space<hbm>>) dst(%arg8 : memref<40x128xi32, #tpu.memory_space<vmem>>)
      tpu.yield
    }) : () -> ()
    %dma_start3A_62 = arith.constant 0 : i32
    %dma_start3A_63 = arith.constant 0 : i32
    %dma_start3A_64 = arith.constant 0 : i32
    %dma_start3A_65 = arith.constant 0 : i32
    %dma_start3A_66 = tpu.memref_slice %arg9[%dma_start3A_63, %dma_start3A_64, %dma_start3A_65] : memref<4x128x64xbf16, #tpu.memory_space<vmem>> -> memref<1x128x64xbf16, #tpu.memory_space<vmem>>
    %dma_start3A_67 = tpu.memref_squeeze %dma_start3A_66 : memref<1x128x64xbf16, #tpu.memory_space<vmem>> -> memref<128x64xbf16, #tpu.memory_space<vmem>>
    %dma_start3A_68 = arith.constant 0 : i32
    %dma_start3A_69 = tpu.memref_slice %arg7[%dma_start3A_62, %dma_start3A_68] : memref<40x128xi32, #tpu.memory_space<vmem>> -> memref<1x128xi32, #tpu.memory_space<vmem>>
    %dma_start3A_70 = tpu.memref_squeeze %dma_start3A_69 : memref<1x128xi32, #tpu.memory_space<vmem>> -> memref<128xi32, #tpu.memory_space<vmem>>
    %dma_start3A_71 = arith.constant 0 : i32
    %dma_start3A_72 = arith.constant 0 : i32
    %dma_start3A_73 = tpu.memref_slice %arg11[%dma_start3A_71, %dma_start3A_72] : memref<10000x64xbf16, #tpu.memory_space<vmem_shared>> -> memref<10000x64xbf16, #tpu.memory_space<vmem_shared>>
    tpu.enqueue_indirect_dma source(%dma_start3A_73 : memref<10000x64xbf16, #tpu.memory_space<vmem_shared>>) target(%dma_start3A_67 : memref<128x64xbf16, #tpu.memory_space<vmem>>) offsets(%dma_start3A_70 : memref<128xi32, #tpu.memory_space<vmem>>) semaphore(%arg12 : memref<!tpu.dma_semaphore, #tpu.memory_space<semaphore_mem>>)
    %dma_start3A_74 = arith.constant 1 : i32
    %dma_start3A_75 = arith.constant 1 : i32
    %dma_start3A_76 = arith.constant 0 : i32
    %dma_start3A_77 = arith.constant 0 : i32
    %dma_start3A_78 = tpu.memref_slice %arg9[%dma_start3A_75, %dma_start3A_76, %dma_start3A_77] : memref<4x128x64xbf16, #tpu.memory_space<vmem>> -> memref<1x128x64xbf16, #tpu.memory_space<vmem>>
    %dma_start3A_79 = tpu.memref_squeeze %dma_start3A_78 : memref<1x128x64xbf16, #tpu.memory_space<vmem>> -> memref<128x64xbf16, #tpu.memory_space<vmem>>
    %dma_start3A_80 = arith.constant 0 : i32
    %dma_start3A_81 = tpu.memref_slice %arg7[%dma_start3A_74, %dma_start3A_80] : memref<40x128xi32, #tpu.memory_space<vmem>> -> memref<1x128xi32, #tpu.memory_space<vmem>>
    %dma_start3A_82 = tpu.memref_squeeze %dma_start3A_81 : memref<1x128xi32, #tpu.memory_space<vmem>> -> memref<128xi32, #tpu.memory_space<vmem>>
    %dma_start3A_83 = arith.constant 0 : i32
    %dma_start3A_84 = arith.constant 0 : i32
    %dma_start3A_85 = tpu.memref_slice %arg11[%dma_start3A_83, %dma_start3A_84] : memref<10000x64xbf16, #tpu.memory_space<vmem_shared>> -> memref<10000x64xbf16, #tpu.memory_space<vmem_shared>>
    tpu.enqueue_indirect_dma source(%dma_start3A_85 : memref<10000x64xbf16, #tpu.memory_space<vmem_shared>>) target(%dma_start3A_79 : memref<128x64xbf16, #tpu.memory_space<vmem>>) offsets(%dma_start3A_82 : memref<128xi32, #tpu.memory_space<vmem>>) semaphore(%arg13 : memref<!tpu.dma_semaphore, #tpu.memory_space<semaphore_mem>>)
    %dma_start3A_86 = arith.constant 2 : i32
    %dma_start3A_87 = arith.constant 2 : i32
    %dma_start3A_88 = arith.constant 0 : i32
    %dma_start3A_89 = arith.constant 0 : i32
    %dma_start3A_90 = tpu.memref_slice %arg9[%dma_start3A_87, %dma_start3A_88, %dma_start3A_89] : memref<4x128x64xbf16, #tpu.memory_space<vmem>> -> memref<1x128x64xbf16, #tpu.memory_space<vmem>>
    %dma_start3A_91 = tpu.memref_squeeze %dma_start3A_90 : memref<1x128x64xbf16, #tpu.memory_space<vmem>> -> memref<128x64xbf16, #tpu.memory_space<vmem>>
    %dma_start3A_92 = arith.constant 0 : i32
    %dma_start3A_93 = tpu.memref_slice %arg7[%dma_start3A_86, %dma_start3A_92] : memref<40x128xi32, #tpu.memory_space<vmem>> -> memref<1x128xi32, #tpu.memory_space<vmem>>
    %dma_start3A_94 = tpu.memref_squeeze %dma_start3A_93 : memref<1x128xi32, #tpu.memory_space<vmem>> -> memref<128xi32, #tpu.memory_space<vmem>>
    %dma_start3A_95 = arith.constant 0 : i32
    %dma_start3A_96 = arith.constant 0 : i32
    %dma_start3A_97 = tpu.memref_slice %arg11[%dma_start3A_95, %dma_start3A_96] : memref<10000x64xbf16, #tpu.memory_space<vmem_shared>> -> memref<10000x64xbf16, #tpu.memory_space<vmem_shared>>
    tpu.enqueue_indirect_dma source(%dma_start3A_97 : memref<10000x64xbf16, #tpu.memory_space<vmem_shared>>) target(%dma_start3A_91 : memref<128x64xbf16, #tpu.memory_space<vmem>>) offsets(%dma_start3A_94 : memref<128xi32, #tpu.memory_space<vmem>>) semaphore(%arg14 : memref<!tpu.dma_semaphore, #tpu.memory_space<semaphore_mem>>)
    %dma_start3A_98 = arith.constant 3 : i32
    %dma_start3A_99 = arith.constant 3 : i32
    %dma_start3A_100 = arith.constant 0 : i32
    %dma_start3A_101 = arith.constant 0 : i32
    %dma_start3A_102 = tpu.memref_slice %arg9[%dma_start3A_99, %dma_start3A_100, %dma_start3A_101] : memref<4x128x64xbf16, #tpu.memory_space<vmem>> -> memref<1x128x64xbf16, #tpu.memory_space<vmem>>
    %dma_start3A_103 = tpu.memref_squeeze %dma_start3A_102 : memref<1x128x64xbf16, #tpu.memory_space<vmem>> -> memref<128x64xbf16, #tpu.memory_space<vmem>>
    %dma_start3A_104 = arith.constant 0 : i32
    %dma_start3A_105 = tpu.memref_slice %arg7[%dma_start3A_98, %dma_start3A_104] : memref<40x128xi32, #tpu.memory_space<vmem>> -> memref<1x128xi32, #tpu.memory_space<vmem>>
    %dma_start3A_106 = tpu.memref_squeeze %dma_start3A_105 : memref<1x128xi32, #tpu.memory_space<vmem>> -> memref<128xi32, #tpu.memory_space<vmem>>
    %dma_start3A_107 = arith.constant 0 : i32
    %dma_start3A_108 = arith.constant 0 : i32
    %dma_start3A_109 = tpu.memref_slice %arg11[%dma_start3A_107, %dma_start3A_108] : memref<10000x64xbf16, #tpu.memory_space<vmem_shared>> -> memref<10000x64xbf16, #tpu.memory_space<vmem_shared>>
    tpu.enqueue_indirect_dma source(%dma_start3A_109 : memref<10000x64xbf16, #tpu.memory_space<vmem_shared>>) target(%dma_start3A_103 : memref<128x64xbf16, #tpu.memory_space<vmem>>) offsets(%dma_start3A_106 : memref<128xi32, #tpu.memory_space<vmem>>) semaphore(%arg15 : memref<!tpu.dma_semaphore, #tpu.memory_space<semaphore_mem>>)
    %scan3A_110 = arith.constant 0 : i32
    %scan3A_111 = arith.constant 0 : i32
    %scan3A_112 = arith.constant 10 : i32
    %scan3A_113 = arith.addi %scan3A_111, %scan3A_112 : i32
    %scan3A_114 = arith.constant 1 : i32
    scf.for %scan3A_235 = %scan3A_111 to %scan3A_113 step %scan3A_114  : i32 {
      %mul3A_236 = arith.constant 4 : i32
      %mul3A_237 = arith.muli %mul3A_236, %scan3A_235 : i32
      %add3A = arith.constant 0 : i32
      %add3A_238 = arith.addi %mul3A_237, %add3A : i32
      %dma_wait3A = arith.constant 0 : i32
      %dma_wait3A_239 = arith.constant 0 : i32
      %dma_wait3A_240 = arith.constant 0 : i32
      %dma_wait3A_241 = tpu.memref_slice %arg9[%dma_wait3A, %dma_wait3A_239, %dma_wait3A_240] : memref<4x128x64xbf16, #tpu.memory_space<vmem>> -> memref<1x128x64xbf16, #tpu.memory_space<vmem>>
      %dma_wait3A_242 = tpu.memref_squeeze %dma_wait3A_241 : memref<1x128x64xbf16, #tpu.memory_space<vmem>> -> memref<128x64xbf16, #tpu.memory_space<vmem>>
      %dma_wait3A_243 = arith.constant 0 : i32
      %dma_wait3A_244 = tpu.memref_slice %arg7[%add3A_238, %dma_wait3A_243] : memref<40x128xi32, #tpu.memory_space<vmem>> -> memref<1x128xi32, #tpu.memory_space<vmem>>
      %dma_wait3A_245 = tpu.memref_squeeze %dma_wait3A_244 : memref<1x128xi32, #tpu.memory_space<vmem>> -> memref<128xi32, #tpu.memory_space<vmem>>
      %dma_wait3A_246 = arith.constant 0 : i32
      %dma_wait3A_247 = arith.constant 0 : i32
      %dma_wait3A_248 = tpu.memref_slice %arg11[%dma_wait3A_246, %dma_wait3A_247] : memref<10000x64xbf16, #tpu.memory_space<vmem_shared>> -> memref<10000x64xbf16, #tpu.memory_space<vmem_shared>>
      tpu.wait_indirect_dma semaphore(%arg12 : memref<!tpu.dma_semaphore, #tpu.memory_space<semaphore_mem>>) src(%dma_wait3A_248 : memref<10000x64xbf16, #tpu.memory_space<vmem_shared>>) dst(%dma_wait3A_242 : memref<128x64xbf16, #tpu.memory_space<vmem>>)
      %add3A_249 = arith.constant 0 : i32
      %add3A_250 = arith.addi %mul3A_237, %add3A_249 : i32
      %run_scoped3A_251 = arith.constant 0 : i32
      "tpu.region"() ({
        %run_scoped3A_333 = tpu.sem_alloc : memref<!tpu.dma_semaphore, #tpu.memory_space<semaphore_mem>>
        %dma_start3A_334 = arith.constant 0 : i32
        %dma_start3A_335 = arith.constant 0 : i32
        %dma_start3A_336 = tpu.memref_slice %arg9[%run_scoped3A_251, %dma_start3A_334, %dma_start3A_335] : memref<4x128x64xbf16, #tpu.memory_space<vmem>> -> memref<1x128x64xbf16, #tpu.memory_space<vmem>>
        %dma_start3A_337 = tpu.memref_squeeze %dma_start3A_336 : memref<1x128x64xbf16, #tpu.memory_space<vmem>> -> memref<128x64xbf16, #tpu.memory_space<vmem>>
        %dma_start3A_338 = arith.constant 0 : i32
        %dma_start3A_339 = tpu.memref_slice %arg8[%add3A_250, %dma_start3A_338] : memref<40x128xi32, #tpu.memory_space<vmem>> -> memref<1x128xi32, #tpu.memory_space<vmem>>
        %dma_start3A_340 = tpu.memref_squeeze %dma_start3A_339 : memref<1x128xi32, #tpu.memory_space<vmem>> -> memref<128xi32, #tpu.memory_space<vmem>>
        %dma_start3A_341 = arith.constant 0 : i32
        %dma_start3A_342 = arith.constant 0 : i32
        %dma_start3A_343 = tpu.memref_slice %arg10[%dma_start3A_341, %dma_start3A_342] : memref<40448x64xbf16, #tpu.memory_space<vmem_shared>> -> memref<40448x64xbf16, #tpu.memory_space<vmem_shared>>
        tpu.enqueue_indirect_dma source(%dma_start3A_337 : memref<128x64xbf16, #tpu.memory_space<vmem>>) target(%dma_start3A_343 : memref<40448x64xbf16, #tpu.memory_space<vmem_shared>>) offsets(%dma_start3A_340 : memref<128xi32, #tpu.memory_space<vmem>>) semaphore(%run_scoped3A_333 : memref<!tpu.dma_semaphore, #tpu.memory_space<semaphore_mem>>) {add = true}
        %dma_wait3A_344 = arith.constant 0 : i32
        %dma_wait3A_345 = arith.constant 0 : i32
        %dma_wait3A_346 = tpu.memref_slice %arg9[%run_scoped3A_251, %dma_wait3A_344, %dma_wait3A_345] : memref<4x128x64xbf16, #tpu.memory_space<vmem>> -> memref<1x128x64xbf16, #tpu.memory_space<vmem>>
        %dma_wait3A_347 = tpu.memref_squeeze %dma_wait3A_346 : memref<1x128x64xbf16, #tpu.memory_space<vmem>> -> memref<128x64xbf16, #tpu.memory_space<vmem>>
        %dma_wait3A_348 = arith.constant 0 : i32
        %dma_wait3A_349 = tpu.memref_slice %arg8[%add3A_250, %dma_wait3A_348] : memref<40x128xi32, #tpu.memory_space<vmem>> -> memref<1x128xi32, #tpu.memory_space<vmem>>
        %dma_wait3A_350 = tpu.memref_squeeze %dma_wait3A_349 : memref<1x128xi32, #tpu.memory_space<vmem>> -> memref<128xi32, #tpu.memory_space<vmem>>
        %dma_wait3A_351 = arith.constant 0 : i32
        %dma_wait3A_352 = arith.constant 0 : i32
        %dma_wait3A_353 = tpu.memref_slice %arg10[%dma_wait3A_351, %dma_wait3A_352] : memref<40448x64xbf16, #tpu.memory_space<vmem_shared>> -> memref<40448x64xbf16, #tpu.memory_space<vmem_shared>>
        tpu.wait_indirect_dma semaphore(%run_scoped3A_333 : memref<!tpu.dma_semaphore, #tpu.memory_space<semaphore_mem>>) src(%dma_wait3A_347 : memref<128x64xbf16, #tpu.memory_space<vmem>>) dst(%dma_wait3A_353 : memref<40448x64xbf16, #tpu.memory_space<vmem_shared>>)
        tpu.yield
      }) : () -> ()
      %add3A_252 = arith.constant 0 : i32
      %add3A_253 = arith.addi %mul3A_237, %add3A_252 : i32
      %add3A_254 = arith.constant 4 : i32
      %add3A_255 = arith.addi %add3A_253, %add3A_254 : i32
      %lt3A = arith.constant 40 : i32
      %lt3A_256 = arith.cmpi slt, %add3A_255, %lt3A : i32
      %convert_element_type3A = arith.extui %lt3A_256 : i1 to i32
      %cond3A = arith.constant 0 : i32
      %cond3A_257 = arith.cmpi ne, %convert_element_type3A, %cond3A : i32
      scf.if %cond3A_257 {
        %add3A_333 = arith.constant 0 : i32
        %add3A_334 = arith.addi %mul3A_237, %add3A_333 : i32
        %add3A_335 = arith.constant 4 : i32
        %add3A_336 = arith.addi %add3A_334, %add3A_335 : i32
        %dma_start3A_337 = arith.constant 0 : i32
        %dma_start3A_338 = arith.constant 0 : i32
        %dma_start3A_339 = arith.constant 0 : i32
        %dma_start3A_340 = tpu.memref_slice %arg9[%dma_start3A_337, %dma_start3A_338, %dma_start3A_339] : memref<4x128x64xbf16, #tpu.memory_space<vmem>> -> memref<1x128x64xbf16, #tpu.memory_space<vmem>>
        %dma_start3A_341 = tpu.memref_squeeze %dma_start3A_340 : memref<1x128x64xbf16, #tpu.memory_space<vmem>> -> memref<128x64xbf16, #tpu.memory_space<vmem>>
        %dma_start3A_342 = arith.constant 0 : i32
        %dma_start3A_343 = tpu.memref_slice %arg7[%add3A_336, %dma_start3A_342] : memref<40x128xi32, #tpu.memory_space<vmem>> -> memref<1x128xi32, #tpu.memory_space<vmem>>
        %dma_start3A_344 = tpu.memref_squeeze %dma_start3A_343 : memref<1x128xi32, #tpu.memory_space<vmem>> -> memref<128xi32, #tpu.memory_space<vmem>>
        %dma_start3A_345 = arith.constant 0 : i32
        %dma_start3A_346 = arith.constant 0 : i32
        %dma_start3A_347 = tpu.memref_slice %arg11[%dma_start3A_345, %dma_start3A_346] : memref<10000x64xbf16, #tpu.memory_space<vmem_shared>> -> memref<10000x64xbf16, #tpu.memory_space<vmem_shared>>
        tpu.enqueue_indirect_dma source(%dma_start3A_347 : memref<10000x64xbf16, #tpu.memory_space<vmem_shared>>) target(%dma_start3A_341 : memref<128x64xbf16, #tpu.memory_space<vmem>>) offsets(%dma_start3A_344 : memref<128xi32, #tpu.memory_space<vmem>>) semaphore(%arg12 : memref<!tpu.dma_semaphore, #tpu.memory_space<semaphore_mem>>)
      } else {
      }
      %add3A_258 = arith.constant 1 : i32
      %add3A_259 = arith.addi %mul3A_237, %add3A_258 : i32
      %dma_wait3A_260 = arith.constant 1 : i32
      %dma_wait3A_261 = arith.constant 0 : i32
      %dma_wait3A_262 = arith.constant 0 : i32
      %dma_wait3A_263 = tpu.memref_slice %arg9[%dma_wait3A_260, %dma_wait3A_261, %dma_wait3A_262] : memref<4x128x64xbf16, #tpu.memory_space<vmem>> -> memref<1x128x64xbf16, #tpu.memory_space<vmem>>
      %dma_wait3A_264 = tpu.memref_squeeze %dma_wait3A_263 : memref<1x128x64xbf16, #tpu.memory_space<vmem>> -> memref<128x64xbf16, #tpu.memory_space<vmem>>
      %dma_wait3A_265 = arith.constant 0 : i32
      %dma_wait3A_266 = tpu.memref_slice %arg7[%add3A_259, %dma_wait3A_265] : memref<40x128xi32, #tpu.memory_space<vmem>> -> memref<1x128xi32, #tpu.memory_space<vmem>>
      %dma_wait3A_267 = tpu.memref_squeeze %dma_wait3A_266 : memref<1x128xi32, #tpu.memory_space<vmem>> -> memref<128xi32, #tpu.memory_space<vmem>>
      %dma_wait3A_268 = arith.constant 0 : i32
      %dma_wait3A_269 = arith.constant 0 : i32
      %dma_wait3A_270 = tpu.memref_slice %arg11[%dma_wait3A_268, %dma_wait3A_269] : memref<10000x64xbf16, #tpu.memory_space<vmem_shared>> -> memref<10000x64xbf16, #tpu.memory_space<vmem_shared>>
      tpu.wait_indirect_dma semaphore(%arg13 : memref<!tpu.dma_semaphore, #tpu.memory_space<semaphore_mem>>) src(%dma_wait3A_270 : memref<10000x64xbf16, #tpu.memory_space<vmem_shared>>) dst(%dma_wait3A_264 : memref<128x64xbf16, #tpu.memory_space<vmem>>)
      %add3A_271 = arith.constant 1 : i32
      %add3A_272 = arith.addi %mul3A_237, %add3A_271 : i32
      %run_scoped3A_273 = arith.constant 1 : i32
      "tpu.region"() ({
        %run_scoped3A_333 = tpu.sem_alloc : memref<!tpu.dma_semaphore, #tpu.memory_space<semaphore_mem>>
        %dma_start3A_334 = arith.constant 0 : i32
        %dma_start3A_335 = arith.constant 0 : i32
        %dma_start3A_336 = tpu.memref_slice %arg9[%run_scoped3A_273, %dma_start3A_334, %dma_start3A_335] : memref<4x128x64xbf16, #tpu.memory_space<vmem>> -> memref<1x128x64xbf16, #tpu.memory_space<vmem>>
        %dma_start3A_337 = tpu.memref_squeeze %dma_start3A_336 : memref<1x128x64xbf16, #tpu.memory_space<vmem>> -> memref<128x64xbf16, #tpu.memory_space<vmem>>
        %dma_start3A_338 = arith.constant 0 : i32
        %dma_start3A_339 = tpu.memref_slice %arg8[%add3A_272, %dma_start3A_338] : memref<40x128xi32, #tpu.memory_space<vmem>> -> memref<1x128xi32, #tpu.memory_space<vmem>>
        %dma_start3A_340 = tpu.memref_squeeze %dma_start3A_339 : memref<1x128xi32, #tpu.memory_space<vmem>> -> memref<128xi32, #tpu.memory_space<vmem>>
        %dma_start3A_341 = arith.constant 0 : i32
        %dma_start3A_342 = arith.constant 0 : i32
        %dma_start3A_343 = tpu.memref_slice %arg10[%dma_start3A_341, %dma_start3A_342] : memref<40448x64xbf16, #tpu.memory_space<vmem_shared>> -> memref<40448x64xbf16, #tpu.memory_space<vmem_shared>>
        tpu.enqueue_indirect_dma source(%dma_start3A_337 : memref<128x64xbf16, #tpu.memory_space<vmem>>) target(%dma_start3A_343 : memref<40448x64xbf16, #tpu.memory_space<vmem_shared>>) offsets(%dma_start3A_340 : memref<128xi32, #tpu.memory_space<vmem>>) semaphore(%run_scoped3A_333 : memref<!tpu.dma_semaphore, #tpu.memory_space<semaphore_mem>>) {add = true}
        %dma_wait3A_344 = arith.constant 0 : i32
        %dma_wait3A_345 = arith.constant 0 : i32
        %dma_wait3A_346 = tpu.memref_slice %arg9[%run_scoped3A_273, %dma_wait3A_344, %dma_wait3A_345] : memref<4x128x64xbf16, #tpu.memory_space<vmem>> -> memref<1x128x64xbf16, #tpu.memory_space<vmem>>
        %dma_wait3A_347 = tpu.memref_squeeze %dma_wait3A_346 : memref<1x128x64xbf16, #tpu.memory_space<vmem>> -> memref<128x64xbf16, #tpu.memory_space<vmem>>
        %dma_wait3A_348 = arith.constant 0 : i32
        %dma_wait3A_349 = tpu.memref_slice %arg8[%add3A_272, %dma_wait3A_348] : memref<40x128xi32, #tpu.memory_space<vmem>> -> memref<1x128xi32, #tpu.memory_space<vmem>>
        %dma_wait3A_350 = tpu.memref_squeeze %dma_wait3A_349 : memref<1x128xi32, #tpu.memory_space<vmem>> -> memref<128xi32, #tpu.memory_space<vmem>>
        %dma_wait3A_351 = arith.constant 0 : i32
        %dma_wait3A_352 = arith.constant 0 : i32
        %dma_wait3A_353 = tpu.memref_slice %arg10[%dma_wait3A_351, %dma_wait3A_352] : memref<40448x64xbf16, #tpu.memory_space<vmem_shared>> -> memref<40448x64xbf16, #tpu.memory_space<vmem_shared>>
        tpu.wait_indirect_dma semaphore(%run_scoped3A_333 : memref<!tpu.dma_semaphore, #tpu.memory_space<semaphore_mem>>) src(%dma_wait3A_347 : memref<128x64xbf16, #tpu.memory_space<vmem>>) dst(%dma_wait3A_353 : memref<40448x64xbf16, #tpu.memory_space<vmem_shared>>)
        tpu.yield
      }) : () -> ()
      %add3A_274 = arith.constant 1 : i32
      %add3A_275 = arith.addi %mul3A_237, %add3A_274 : i32
      %add3A_276 = arith.constant 4 : i32
      %add3A_277 = arith.addi %add3A_275, %add3A_276 : i32
      %lt3A_278 = arith.constant 40 : i32
      %lt3A_279 = arith.cmpi slt, %add3A_277, %lt3A_278 : i32
      %convert_element_type3A_280 = arith.extui %lt3A_279 : i1 to i32
      %cond3A_281 = arith.constant 0 : i32
      %cond3A_282 = arith.cmpi ne, %convert_element_type3A_280, %cond3A_281 : i32
      scf.if %cond3A_282 {
        %add3A_333 = arith.constant 1 : i32
        %add3A_334 = arith.addi %mul3A_237, %add3A_333 : i32
        %add3A_335 = arith.constant 4 : i32
        %add3A_336 = arith.addi %add3A_334, %add3A_335 : i32
        %dma_start3A_337 = arith.constant 1 : i32
        %dma_start3A_338 = arith.constant 0 : i32
        %dma_start3A_339 = arith.constant 0 : i32
        %dma_start3A_340 = tpu.memref_slice %arg9[%dma_start3A_337, %dma_start3A_338, %dma_start3A_339] : memref<4x128x64xbf16, #tpu.memory_space<vmem>> -> memref<1x128x64xbf16, #tpu.memory_space<vmem>>
        %dma_start3A_341 = tpu.memref_squeeze %dma_start3A_340 : memref<1x128x64xbf16, #tpu.memory_space<vmem>> -> memref<128x64xbf16, #tpu.memory_space<vmem>>
        %dma_start3A_342 = arith.constant 0 : i32
        %dma_start3A_343 = tpu.memref_slice %arg7[%add3A_336, %dma_start3A_342] : memref<40x128xi32, #tpu.memory_space<vmem>> -> memref<1x128xi32, #tpu.memory_space<vmem>>
        %dma_start3A_344 = tpu.memref_squeeze %dma_start3A_343 : memref<1x128xi32, #tpu.memory_space<vmem>> -> memref<128xi32, #tpu.memory_space<vmem>>
        %dma_start3A_345 = arith.constant 0 : i32
        %dma_start3A_346 = arith.constant 0 : i32
        %dma_start3A_347 = tpu.memref_slice %arg11[%dma_start3A_345, %dma_start3A_346] : memref<10000x64xbf16, #tpu.memory_space<vmem_shared>> -> memref<10000x64xbf16, #tpu.memory_space<vmem_shared>>
        tpu.enqueue_indirect_dma source(%dma_start3A_347 : memref<10000x64xbf16, #tpu.memory_space<vmem_shared>>) target(%dma_start3A_341 : memref<128x64xbf16, #tpu.memory_space<vmem>>) offsets(%dma_start3A_344 : memref<128xi32, #tpu.memory_space<vmem>>) semaphore(%arg13 : memref<!tpu.dma_semaphore, #tpu.memory_space<semaphore_mem>>)
      } else {
      }
      %add3A_283 = arith.constant 2 : i32
      %add3A_284 = arith.addi %mul3A_237, %add3A_283 : i32
      %dma_wait3A_285 = arith.constant 2 : i32
      %dma_wait3A_286 = arith.constant 0 : i32
      %dma_wait3A_287 = arith.constant 0 : i32
      %dma_wait3A_288 = tpu.memref_slice %arg9[%dma_wait3A_285, %dma_wait3A_286, %dma_wait3A_287] : memref<4x128x64xbf16, #tpu.memory_space<vmem>> -> memref<1x128x64xbf16, #tpu.memory_space<vmem>>
      %dma_wait3A_289 = tpu.memref_squeeze %dma_wait3A_288 : memref<1x128x64xbf16, #tpu.memory_space<vmem>> -> memref<128x64xbf16, #tpu.memory_space<vmem>>
      %dma_wait3A_290 = arith.constant 0 : i32
      %dma_wait3A_291 = tpu.memref_slice %arg7[%add3A_284, %dma_wait3A_290] : memref<40x128xi32, #tpu.memory_space<vmem>> -> memref<1x128xi32, #tpu.memory_space<vmem>>
      %dma_wait3A_292 = tpu.memref_squeeze %dma_wait3A_291 : memref<1x128xi32, #tpu.memory_space<vmem>> -> memref<128xi32, #tpu.memory_space<vmem>>
      %dma_wait3A_293 = arith.constant 0 : i32
      %dma_wait3A_294 = arith.constant 0 : i32
      %dma_wait3A_295 = tpu.memref_slice %arg11[%dma_wait3A_293, %dma_wait3A_294] : memref<10000x64xbf16, #tpu.memory_space<vmem_shared>> -> memref<10000x64xbf16, #tpu.memory_space<vmem_shared>>
      tpu.wait_indirect_dma semaphore(%arg14 : memref<!tpu.dma_semaphore, #tpu.memory_space<semaphore_mem>>) src(%dma_wait3A_295 : memref<10000x64xbf16, #tpu.memory_space<vmem_shared>>) dst(%dma_wait3A_289 : memref<128x64xbf16, #tpu.memory_space<vmem>>)
      %add3A_296 = arith.constant 2 : i32
      %add3A_297 = arith.addi %mul3A_237, %add3A_296 : i32
      %run_scoped3A_298 = arith.constant 2 : i32
      "tpu.region"() ({
        %run_scoped3A_333 = tpu.sem_alloc : memref<!tpu.dma_semaphore, #tpu.memory_space<semaphore_mem>>
        %dma_start3A_334 = arith.constant 0 : i32
        %dma_start3A_335 = arith.constant 0 : i32
        %dma_start3A_336 = tpu.memref_slice %arg9[%run_scoped3A_298, %dma_start3A_334, %dma_start3A_335] : memref<4x128x64xbf16, #tpu.memory_space<vmem>> -> memref<1x128x64xbf16, #tpu.memory_space<vmem>>
        %dma_start3A_337 = tpu.memref_squeeze %dma_start3A_336 : memref<1x128x64xbf16, #tpu.memory_space<vmem>> -> memref<128x64xbf16, #tpu.memory_space<vmem>>
        %dma_start3A_338 = arith.constant 0 : i32
        %dma_start3A_339 = tpu.memref_slice %arg8[%add3A_297, %dma_start3A_338] : memref<40x128xi32, #tpu.memory_space<vmem>> -> memref<1x128xi32, #tpu.memory_space<vmem>>
        %dma_start3A_340 = tpu.memref_squeeze %dma_start3A_339 : memref<1x128xi32, #tpu.memory_space<vmem>> -> memref<128xi32, #tpu.memory_space<vmem>>
        %dma_start3A_341 = arith.constant 0 : i32
        %dma_start3A_342 = arith.constant 0 : i32
        %dma_start3A_343 = tpu.memref_slice %arg10[%dma_start3A_341, %dma_start3A_342] : memref<40448x64xbf16, #tpu.memory_space<vmem_shared>> -> memref<40448x64xbf16, #tpu.memory_space<vmem_shared>>
        tpu.enqueue_indirect_dma source(%dma_start3A_337 : memref<128x64xbf16, #tpu.memory_space<vmem>>) target(%dma_start3A_343 : memref<40448x64xbf16, #tpu.memory_space<vmem_shared>>) offsets(%dma_start3A_340 : memref<128xi32, #tpu.memory_space<vmem>>) semaphore(%run_scoped3A_333 : memref<!tpu.dma_semaphore, #tpu.memory_space<semaphore_mem>>) {add = true}
        %dma_wait3A_344 = arith.constant 0 : i32
        %dma_wait3A_345 = arith.constant 0 : i32
        %dma_wait3A_346 = tpu.memref_slice %arg9[%run_scoped3A_298, %dma_wait3A_344, %dma_wait3A_345] : memref<4x128x64xbf16, #tpu.memory_space<vmem>> -> memref<1x128x64xbf16, #tpu.memory_space<vmem>>
        %dma_wait3A_347 = tpu.memref_squeeze %dma_wait3A_346 : memref<1x128x64xbf16, #tpu.memory_space<vmem>> -> memref<128x64xbf16, #tpu.memory_space<vmem>>
        %dma_wait3A_348 = arith.constant 0 : i32
        %dma_wait3A_349 = tpu.memref_slice %arg8[%add3A_297, %dma_wait3A_348] : memref<40x128xi32, #tpu.memory_space<vmem>> -> memref<1x128xi32, #tpu.memory_space<vmem>>
        %dma_wait3A_350 = tpu.memref_squeeze %dma_wait3A_349 : memref<1x128xi32, #tpu.memory_space<vmem>> -> memref<128xi32, #tpu.memory_space<vmem>>
        %dma_wait3A_351 = arith.constant 0 : i32
        %dma_wait3A_352 = arith.constant 0 : i32
        %dma_wait3A_353 = tpu.memref_slice %arg10[%dma_wait3A_351, %dma_wait3A_352] : memref<40448x64xbf16, #tpu.memory_space<vmem_shared>> -> memref<40448x64xbf16, #tpu.memory_space<vmem_shared>>
        tpu.wait_indirect_dma semaphore(%run_scoped3A_333 : memref<!tpu.dma_semaphore, #tpu.memory_space<semaphore_mem>>) src(%dma_wait3A_347 : memref<128x64xbf16, #tpu.memory_space<vmem>>) dst(%dma_wait3A_353 : memref<40448x64xbf16, #tpu.memory_space<vmem_shared>>)
        tpu.yield
      }) : () -> ()
      %add3A_299 = arith.constant 2 : i32
      %add3A_300 = arith.addi %mul3A_237, %add3A_299 : i32
      %add3A_301 = arith.constant 4 : i32
      %add3A_302 = arith.addi %add3A_300, %add3A_301 : i32
      %lt3A_303 = arith.constant 40 : i32
      %lt3A_304 = arith.cmpi slt, %add3A_302, %lt3A_303 : i32
      %convert_element_type3A_305 = arith.extui %lt3A_304 : i1 to i32
      %cond3A_306 = arith.constant 0 : i32
      %cond3A_307 = arith.cmpi ne, %convert_element_type3A_305, %cond3A_306 : i32
      scf.if %cond3A_307 {
        %add3A_333 = arith.constant 2 : i32
        %add3A_334 = arith.addi %mul3A_237, %add3A_333 : i32
        %add3A_335 = arith.constant 4 : i32
        %add3A_336 = arith.addi %add3A_334, %add3A_335 : i32
        %dma_start3A_337 = arith.constant 2 : i32
        %dma_start3A_338 = arith.constant 0 : i32
        %dma_start3A_339 = arith.constant 0 : i32
        %dma_start3A_340 = tpu.memref_slice %arg9[%dma_start3A_337, %dma_start3A_338, %dma_start3A_339] : memref<4x128x64xbf16, #tpu.memory_space<vmem>> -> memref<1x128x64xbf16, #tpu.memory_space<vmem>>
        %dma_start3A_341 = tpu.memref_squeeze %dma_start3A_340 : memref<1x128x64xbf16, #tpu.memory_space<vmem>> -> memref<128x64xbf16, #tpu.memory_space<vmem>>
        %dma_start3A_342 = arith.constant 0 : i32
        %dma_start3A_343 = tpu.memref_slice %arg7[%add3A_336, %dma_start3A_342] : memref<40x128xi32, #tpu.memory_space<vmem>> -> memref<1x128xi32, #tpu.memory_space<vmem>>
        %dma_start3A_344 = tpu.memref_squeeze %dma_start3A_343 : memref<1x128xi32, #tpu.memory_space<vmem>> -> memref<128xi32, #tpu.memory_space<vmem>>
        %dma_start3A_345 = arith.constant 0 : i32
        %dma_start3A_346 = arith.constant 0 : i32
        %dma_start3A_347 = tpu.memref_slice %arg11[%dma_start3A_345, %dma_start3A_346] : memref<10000x64xbf16, #tpu.memory_space<vmem_shared>> -> memref<10000x64xbf16, #tpu.memory_space<vmem_shared>>
        tpu.enqueue_indirect_dma source(%dma_start3A_347 : memref<10000x64xbf16, #tpu.memory_space<vmem_shared>>) target(%dma_start3A_341 : memref<128x64xbf16, #tpu.memory_space<vmem>>) offsets(%dma_start3A_344 : memref<128xi32, #tpu.memory_space<vmem>>) semaphore(%arg14 : memref<!tpu.dma_semaphore, #tpu.memory_space<semaphore_mem>>)
      } else {
      }
      %add3A_308 = arith.constant 3 : i32
      %add3A_309 = arith.addi %mul3A_237, %add3A_308 : i32
      %dma_wait3A_310 = arith.constant 3 : i32
      %dma_wait3A_311 = arith.constant 0 : i32
      %dma_wait3A_312 = arith.constant 0 : i32
      %dma_wait3A_313 = tpu.memref_slice %arg9[%dma_wait3A_310, %dma_wait3A_311, %dma_wait3A_312] : memref<4x128x64xbf16, #tpu.memory_space<vmem>> -> memref<1x128x64xbf16, #tpu.memory_space<vmem>>
      %dma_wait3A_314 = tpu.memref_squeeze %dma_wait3A_313 : memref<1x128x64xbf16, #tpu.memory_space<vmem>> -> memref<128x64xbf16, #tpu.memory_space<vmem>>
      %dma_wait3A_315 = arith.constant 0 : i32
      %dma_wait3A_316 = tpu.memref_slice %arg7[%add3A_309, %dma_wait3A_315] : memref<40x128xi32, #tpu.memory_space<vmem>> -> memref<1x128xi32, #tpu.memory_space<vmem>>
      %dma_wait3A_317 = tpu.memref_squeeze %dma_wait3A_316 : memref<1x128xi32, #tpu.memory_space<vmem>> -> memref<128xi32, #tpu.memory_space<vmem>>
      %dma_wait3A_318 = arith.constant 0 : i32
      %dma_wait3A_319 = arith.constant 0 : i32
      %dma_wait3A_320 = tpu.memref_slice %arg11[%dma_wait3A_318, %dma_wait3A_319] : memref<10000x64xbf16, #tpu.memory_space<vmem_shared>> -> memref<10000x64xbf16, #tpu.memory_space<vmem_shared>>
      tpu.wait_indirect_dma semaphore(%arg15 : memref<!tpu.dma_semaphore, #tpu.memory_space<semaphore_mem>>) src(%dma_wait3A_320 : memref<10000x64xbf16, #tpu.memory_space<vmem_shared>>) dst(%dma_wait3A_314 : memref<128x64xbf16, #tpu.memory_space<vmem>>)
      %add3A_321 = arith.constant 3 : i32
      %add3A_322 = arith.addi %mul3A_237, %add3A_321 : i32
      %run_scoped3A_323 = arith.constant 3 : i32
      "tpu.region"() ({
        %run_scoped3A_333 = tpu.sem_alloc : memref<!tpu.dma_semaphore, #tpu.memory_space<semaphore_mem>>
        %dma_start3A_334 = arith.constant 0 : i32
        %dma_start3A_335 = arith.constant 0 : i32
        %dma_start3A_336 = tpu.memref_slice %arg9[%run_scoped3A_323, %dma_start3A_334, %dma_start3A_335] : memref<4x128x64xbf16, #tpu.memory_space<vmem>> -> memref<1x128x64xbf16, #tpu.memory_space<vmem>>
        %dma_start3A_337 = tpu.memref_squeeze %dma_start3A_336 : memref<1x128x64xbf16, #tpu.memory_space<vmem>> -> memref<128x64xbf16, #tpu.memory_space<vmem>>
        %dma_start3A_338 = arith.constant 0 : i32
        %dma_start3A_339 = tpu.memref_slice %arg8[%add3A_322, %dma_start3A_338] : memref<40x128xi32, #tpu.memory_space<vmem>> -> memref<1x128xi32, #tpu.memory_space<vmem>>
        %dma_start3A_340 = tpu.memref_squeeze %dma_start3A_339 : memref<1x128xi32, #tpu.memory_space<vmem>> -> memref<128xi32, #tpu.memory_space<vmem>>
        %dma_start3A_341 = arith.constant 0 : i32
        %dma_start3A_342 = arith.constant 0 : i32
        %dma_start3A_343 = tpu.memref_slice %arg10[%dma_start3A_341, %dma_start3A_342] : memref<40448x64xbf16, #tpu.memory_space<vmem_shared>> -> memref<40448x64xbf16, #tpu.memory_space<vmem_shared>>
        tpu.enqueue_indirect_dma source(%dma_start3A_337 : memref<128x64xbf16, #tpu.memory_space<vmem>>) target(%dma_start3A_343 : memref<40448x64xbf16, #tpu.memory_space<vmem_shared>>) offsets(%dma_start3A_340 : memref<128xi32, #tpu.memory_space<vmem>>) semaphore(%run_scoped3A_333 : memref<!tpu.dma_semaphore, #tpu.memory_space<semaphore_mem>>) {add = true}
        %dma_wait3A_344 = arith.constant 0 : i32
        %dma_wait3A_345 = arith.constant 0 : i32
        %dma_wait3A_346 = tpu.memref_slice %arg9[%run_scoped3A_323, %dma_wait3A_344, %dma_wait3A_345] : memref<4x128x64xbf16, #tpu.memory_space<vmem>> -> memref<1x128x64xbf16, #tpu.memory_space<vmem>>
        %dma_wait3A_347 = tpu.memref_squeeze %dma_wait3A_346 : memref<1x128x64xbf16, #tpu.memory_space<vmem>> -> memref<128x64xbf16, #tpu.memory_space<vmem>>
        %dma_wait3A_348 = arith.constant 0 : i32
        %dma_wait3A_349 = tpu.memref_slice %arg8[%add3A_322, %dma_wait3A_348] : memref<40x128xi32, #tpu.memory_space<vmem>> -> memref<1x128xi32, #tpu.memory_space<vmem>>
        %dma_wait3A_350 = tpu.memref_squeeze %dma_wait3A_349 : memref<1x128xi32, #tpu.memory_space<vmem>> -> memref<128xi32, #tpu.memory_space<vmem>>
        %dma_wait3A_351 = arith.constant 0 : i32
        %dma_wait3A_352 = arith.constant 0 : i32
        %dma_wait3A_353 = tpu.memref_slice %arg10[%dma_wait3A_351, %dma_wait3A_352] : memref<40448x64xbf16, #tpu.memory_space<vmem_shared>> -> memref<40448x64xbf16, #tpu.memory_space<vmem_shared>>
        tpu.wait_indirect_dma semaphore(%run_scoped3A_333 : memref<!tpu.dma_semaphore, #tpu.memory_space<semaphore_mem>>) src(%dma_wait3A_347 : memref<128x64xbf16, #tpu.memory_space<vmem>>) dst(%dma_wait3A_353 : memref<40448x64xbf16, #tpu.memory_space<vmem_shared>>)
        tpu.yield
      }) : () -> ()
      %add3A_324 = arith.constant 3 : i32
      %add3A_325 = arith.addi %mul3A_237, %add3A_324 : i32
      %add3A_326 = arith.constant 4 : i32
      %add3A_327 = arith.addi %add3A_325, %add3A_326 : i32
      %lt3A_328 = arith.constant 40 : i32
      %lt3A_329 = arith.cmpi slt, %add3A_327, %lt3A_328 : i32
      %convert_element_type3A_330 = arith.extui %lt3A_329 : i1 to i32
      %cond3A_331 = arith.constant 0 : i32
      %cond3A_332 = arith.cmpi ne, %convert_element_type3A_330, %cond3A_331 : i32
      scf.if %cond3A_332 {
        %add3A_333 = arith.constant 3 : i32
        %add3A_334 = arith.addi %mul3A_237, %add3A_333 : i32
        %add3A_335 = arith.constant 4 : i32
        %add3A_336 = arith.addi %add3A_334, %add3A_335 : i32
        %dma_start3A_337 = arith.constant 3 : i32
        %dma_start3A_338 = arith.constant 0 : i32
        %dma_start3A_339 = arith.constant 0 : i32
        %dma_start3A_340 = tpu.memref_slice %arg9[%dma_start3A_337, %dma_start3A_338, %dma_start3A_339] : memref<4x128x64xbf16, #tpu.memory_space<vmem>> -> memref<1x128x64xbf16, #tpu.memory_space<vmem>>
        %dma_start3A_341 = tpu.memref_squeeze %dma_start3A_340 : memref<1x128x64xbf16, #tpu.memory_space<vmem>> -> memref<128x64xbf16, #tpu.memory_space<vmem>>
        %dma_start3A_342 = arith.constant 0 : i32
        %dma_start3A_343 = tpu.memref_slice %arg7[%add3A_336, %dma_start3A_342] : memref<40x128xi32, #tpu.memory_space<vmem>> -> memref<1x128xi32, #tpu.memory_space<vmem>>
        %dma_start3A_344 = tpu.memref_squeeze %dma_start3A_343 : memref<1x128xi32, #tpu.memory_space<vmem>> -> memref<128xi32, #tpu.memory_space<vmem>>
        %dma_start3A_345 = arith.constant 0 : i32
        %dma_start3A_346 = arith.constant 0 : i32
        %dma_start3A_347 = tpu.memref_slice %arg11[%dma_start3A_345, %dma_start3A_346] : memref<10000x64xbf16, #tpu.memory_space<vmem_shared>> -> memref<10000x64xbf16, #tpu.memory_space<vmem_shared>>
        tpu.enqueue_indirect_dma source(%dma_start3A_347 : memref<10000x64xbf16, #tpu.memory_space<vmem_shared>>) target(%dma_start3A_341 : memref<128x64xbf16, #tpu.memory_space<vmem>>) offsets(%dma_start3A_344 : memref<128xi32, #tpu.memory_space<vmem>>) semaphore(%arg15 : memref<!tpu.dma_semaphore, #tpu.memory_space<semaphore_mem>>)
      } else {
      }
    }
    %scan3A_115 = arith.constant 10 : i32
    %run_scoped3A_116 = arith.constant 2 : i32
    "tpu.region"() ({
      %run_scoped3A_235 = tpu.sem_alloc : memref<!tpu.dma_semaphore, #tpu.memory_space<semaphore_mem>>
      %dma_start3A_236 = arith.constant 0 : i32
      %dma_start3A_237 = arith.constant 0 : i32
      %dma_start3A_238 = tpu.memref_slice %arg3[%arg1, %run_scoped3A_116, %dma_start3A_236, %dma_start3A_237] : memref<16x4x40x128xi32, #tpu.memory_space<hbm>> -> memref<1x1x40x128xi32, #tpu.memory_space<hbm>>
      %dma_start3A_239 = tpu.memref_squeeze %dma_start3A_238 : memref<1x1x40x128xi32, #tpu.memory_space<hbm>> -> memref<40x128xi32, #tpu.memory_space<hbm>>
      %dma_start3A_240 = arith.constant 0 : i32
      %dma_start3A_241 = arith.constant 0 : i32
      %dma_start3A_242 = tpu.memref_slice %arg3[%arg1, %run_scoped3A_116, %dma_start3A_240, %dma_start3A_241] : memref<16x4x40x128xi32, #tpu.memory_space<hbm>> -> memref<1x1x40x128xi32, #tpu.memory_space<hbm>>
      %dma_start3A_243 = tpu.memref_squeeze %dma_start3A_242 : memref<1x1x40x128xi32, #tpu.memory_space<hbm>> -> memref<40x128xi32, #tpu.memory_space<hbm>>
      tpu.enqueue_dma source(%dma_start3A_243 : memref<40x128xi32, #tpu.memory_space<hbm>>) target(%arg7 : memref<40x128xi32, #tpu.memory_space<vmem>>) target_semaphore(%run_scoped3A_235 : memref<!tpu.dma_semaphore, #tpu.memory_space<semaphore_mem>>)
      %dma_wait3A = arith.constant 0 : i32
      %dma_wait3A_244 = arith.constant 0 : i32
      %dma_wait3A_245 = tpu.memref_slice %arg3[%arg1, %run_scoped3A_116, %dma_wait3A, %dma_wait3A_244] : memref<16x4x40x128xi32, #tpu.memory_space<hbm>> -> memref<1x1x40x128xi32, #tpu.memory_space<hbm>>
      %dma_wait3A_246 = tpu.memref_squeeze %dma_wait3A_245 : memref<1x1x40x128xi32, #tpu.memory_space<hbm>> -> memref<40x128xi32, #tpu.memory_space<hbm>>
      %dma_wait3A_247 = arith.constant 0 : i32
      %dma_wait3A_248 = arith.constant 0 : i32
      %dma_wait3A_249 = tpu.memref_slice %arg3[%arg1, %run_scoped3A_116, %dma_wait3A_247, %dma_wait3A_248] : memref<16x4x40x128xi32, #tpu.memory_space<hbm>> -> memref<1x1x40x128xi32, #tpu.memory_space<hbm>>
      %dma_wait3A_250 = tpu.memref_squeeze %dma_wait3A_249 : memref<1x1x40x128xi32, #tpu.memory_space<hbm>> -> memref<40x128xi32, #tpu.memory_space<hbm>>
      tpu.wait_dma2 semaphore(%run_scoped3A_235 : memref<!tpu.dma_semaphore, #tpu.memory_space<semaphore_mem>>) src(%dma_wait3A_250 : memref<40x128xi32, #tpu.memory_space<hbm>>) dst(%arg7 : memref<40x128xi32, #tpu.memory_space<vmem>>)
      tpu.yield
    }) : () -> ()
    %run_scoped3A_117 = arith.constant 2 : i32
    "tpu.region"() ({
      %run_scoped3A_235 = tpu.sem_alloc : memref<!tpu.dma_semaphore, #tpu.memory_space<semaphore_mem>>
      %dma_start3A_236 = arith.constant 0 : i32
      %dma_start3A_237 = arith.constant 0 : i32
      %dma_start3A_238 = tpu.memref_slice %arg4[%arg1, %run_scoped3A_117, %dma_start3A_236, %dma_start3A_237] : memref<16x4x40x128xi32, #tpu.memory_space<hbm>> -> memref<1x1x40x128xi32, #tpu.memory_space<hbm>>
      %dma_start3A_239 = tpu.memref_squeeze %dma_start3A_238 : memref<1x1x40x128xi32, #tpu.memory_space<hbm>> -> memref<40x128xi32, #tpu.memory_space<hbm>>
      %dma_start3A_240 = arith.constant 0 : i32
      %dma_start3A_241 = arith.constant 0 : i32
      %dma_start3A_242 = tpu.memref_slice %arg4[%arg1, %run_scoped3A_117, %dma_start3A_240, %dma_start3A_241] : memref<16x4x40x128xi32, #tpu.memory_space<hbm>> -> memref<1x1x40x128xi32, #tpu.memory_space<hbm>>
      %dma_start3A_243 = tpu.memref_squeeze %dma_start3A_242 : memref<1x1x40x128xi32, #tpu.memory_space<hbm>> -> memref<40x128xi32, #tpu.memory_space<hbm>>
      tpu.enqueue_dma source(%dma_start3A_243 : memref<40x128xi32, #tpu.memory_space<hbm>>) target(%arg8 : memref<40x128xi32, #tpu.memory_space<vmem>>) target_semaphore(%run_scoped3A_235 : memref<!tpu.dma_semaphore, #tpu.memory_space<semaphore_mem>>)
      %dma_wait3A = arith.constant 0 : i32
      %dma_wait3A_244 = arith.constant 0 : i32
      %dma_wait3A_245 = tpu.memref_slice %arg4[%arg1, %run_scoped3A_117, %dma_wait3A, %dma_wait3A_244] : memref<16x4x40x128xi32, #tpu.memory_space<hbm>> -> memref<1x1x40x128xi32, #tpu.memory_space<hbm>>
      %dma_wait3A_246 = tpu.memref_squeeze %dma_wait3A_245 : memref<1x1x40x128xi32, #tpu.memory_space<hbm>> -> memref<40x128xi32, #tpu.memory_space<hbm>>
      %dma_wait3A_247 = arith.constant 0 : i32
      %dma_wait3A_248 = arith.constant 0 : i32
      %dma_wait3A_249 = tpu.memref_slice %arg4[%arg1, %run_scoped3A_117, %dma_wait3A_247, %dma_wait3A_248] : memref<16x4x40x128xi32, #tpu.memory_space<hbm>> -> memref<1x1x40x128xi32, #tpu.memory_space<hbm>>
      %dma_wait3A_250 = tpu.memref_squeeze %dma_wait3A_249 : memref<1x1x40x128xi32, #tpu.memory_space<hbm>> -> memref<40x128xi32, #tpu.memory_space<hbm>>
      tpu.wait_dma2 semaphore(%run_scoped3A_235 : memref<!tpu.dma_semaphore, #tpu.memory_space<semaphore_mem>>) src(%dma_wait3A_250 : memref<40x128xi32, #tpu.memory_space<hbm>>) dst(%arg8 : memref<40x128xi32, #tpu.memory_space<vmem>>)
      tpu.yield
    }) : () -> ()
    %dma_start3A_118 = arith.constant 0 : i32
    %dma_start3A_119 = arith.constant 0 : i32
    %dma_start3A_120 = arith.constant 0 : i32
    %dma_start3A_121 = arith.constant 0 : i32
    %dma_start3A_122 = tpu.memref_slice %arg9[%dma_start3A_119, %dma_start3A_120, %dma_start3A_121] : memref<4x128x64xbf16, #tpu.memory_space<vmem>> -> memref<1x128x64xbf16, #tpu.memory_space<vmem>>
    %dma_start3A_123 = tpu.memref_squeeze %dma_start3A_122 : memref<1x128x64xbf16, #tpu.memory_space<vmem>> -> memref<128x64xbf16, #tpu.memory_space<vmem>>
    %dma_start3A_124 = arith.constant 0 : i32
    %dma_start3A_125 = tpu.memref_slice %arg7[%dma_start3A_118, %dma_start3A_124] : memref<40x128xi32, #tpu.memory_space<vmem>> -> memref<1x128xi32, #tpu.memory_space<vmem>>
    %dma_start3A_126 = tpu.memref_squeeze %dma_start3A_125 : memref<1x128xi32, #tpu.memory_space<vmem>> -> memref<128xi32, #tpu.memory_space<vmem>>
    %dma_start3A_127 = arith.constant 0 : i32
    %dma_start3A_128 = arith.constant 0 : i32
    %dma_start3A_129 = tpu.memref_slice %arg11[%dma_start3A_127, %dma_start3A_128] : memref<10000x64xbf16, #tpu.memory_space<vmem_shared>> -> memref<10000x64xbf16, #tpu.memory_space<vmem_shared>>
    tpu.enqueue_indirect_dma source(%dma_start3A_129 : memref<10000x64xbf16, #tpu.memory_space<vmem_shared>>) target(%dma_start3A_123 : memref<128x64xbf16, #tpu.memory_space<vmem>>) offsets(%dma_start3A_126 : memref<128xi32, #tpu.memory_space<vmem>>) semaphore(%arg12 : memref<!tpu.dma_semaphore, #tpu.memory_space<semaphore_mem>>)
    %dma_start3A_130 = arith.constant 1 : i32
    %dma_start3A_131 = arith.constant 1 : i32
    %dma_start3A_132 = arith.constant 0 : i32
    %dma_start3A_133 = arith.constant 0 : i32
    %dma_start3A_134 = tpu.memref_slice %arg9[%dma_start3A_131, %dma_start3A_132, %dma_start3A_133] : memref<4x128x64xbf16, #tpu.memory_space<vmem>> -> memref<1x128x64xbf16, #tpu.memory_space<vmem>>
    %dma_start3A_135 = tpu.memref_squeeze %dma_start3A_134 : memref<1x128x64xbf16, #tpu.memory_space<vmem>> -> memref<128x64xbf16, #tpu.memory_space<vmem>>
    %dma_start3A_136 = arith.constant 0 : i32
    %dma_start3A_137 = tpu.memref_slice %arg7[%dma_start3A_130, %dma_start3A_136] : memref<40x128xi32, #tpu.memory_space<vmem>> -> memref<1x128xi32, #tpu.memory_space<vmem>>
    %dma_start3A_138 = tpu.memref_squeeze %dma_start3A_137 : memref<1x128xi32, #tpu.memory_space<vmem>> -> memref<128xi32, #tpu.memory_space<vmem>>
    %dma_start3A_139 = arith.constant 0 : i32
    %dma_start3A_140 = arith.constant 0 : i32
    %dma_start3A_141 = tpu.memref_slice %arg11[%dma_start3A_139, %dma_start3A_140] : memref<10000x64xbf16, #tpu.memory_space<vmem_shared>> -> memref<10000x64xbf16, #tpu.memory_space<vmem_shared>>
    tpu.enqueue_indirect_dma source(%dma_start3A_141 : memref<10000x64xbf16, #tpu.memory_space<vmem_shared>>) target(%dma_start3A_135 : memref<128x64xbf16, #tpu.memory_space<vmem>>) offsets(%dma_start3A_138 : memref<128xi32, #tpu.memory_space<vmem>>) semaphore(%arg13 : memref<!tpu.dma_semaphore, #tpu.memory_space<semaphore_mem>>)
    %dma_start3A_142 = arith.constant 2 : i32
    %dma_start3A_143 = arith.constant 2 : i32
    %dma_start3A_144 = arith.constant 0 : i32
    %dma_start3A_145 = arith.constant 0 : i32
    %dma_start3A_146 = tpu.memref_slice %arg9[%dma_start3A_143, %dma_start3A_144, %dma_start3A_145] : memref<4x128x64xbf16, #tpu.memory_space<vmem>> -> memref<1x128x64xbf16, #tpu.memory_space<vmem>>
    %dma_start3A_147 = tpu.memref_squeeze %dma_start3A_146 : memref<1x128x64xbf16, #tpu.memory_space<vmem>> -> memref<128x64xbf16, #tpu.memory_space<vmem>>
    %dma_start3A_148 = arith.constant 0 : i32
    %dma_start3A_149 = tpu.memref_slice %arg7[%dma_start3A_142, %dma_start3A_148] : memref<40x128xi32, #tpu.memory_space<vmem>> -> memref<1x128xi32, #tpu.memory_space<vmem>>
    %dma_start3A_150 = tpu.memref_squeeze %dma_start3A_149 : memref<1x128xi32, #tpu.memory_space<vmem>> -> memref<128xi32, #tpu.memory_space<vmem>>
    %dma_start3A_151 = arith.constant 0 : i32
    %dma_start3A_152 = arith.constant 0 : i32
    %dma_start3A_153 = tpu.memref_slice %arg11[%dma_start3A_151, %dma_start3A_152] : memref<10000x64xbf16, #tpu.memory_space<vmem_shared>> -> memref<10000x64xbf16, #tpu.memory_space<vmem_shared>>
    tpu.enqueue_indirect_dma source(%dma_start3A_153 : memref<10000x64xbf16, #tpu.memory_space<vmem_shared>>) target(%dma_start3A_147 : memref<128x64xbf16, #tpu.memory_space<vmem>>) offsets(%dma_start3A_150 : memref<128xi32, #tpu.memory_space<vmem>>) semaphore(%arg14 : memref<!tpu.dma_semaphore, #tpu.memory_space<semaphore_mem>>)
    %dma_start3A_154 = arith.constant 3 : i32
    %dma_start3A_155 = arith.constant 3 : i32
    %dma_start3A_156 = arith.constant 0 : i32
    %dma_start3A_157 = arith.constant 0 : i32
    %dma_start3A_158 = tpu.memref_slice %arg9[%dma_start3A_155, %dma_start3A_156, %dma_start3A_157] : memref<4x128x64xbf16, #tpu.memory_space<vmem>> -> memref<1x128x64xbf16, #tpu.memory_space<vmem>>
    %dma_start3A_159 = tpu.memref_squeeze %dma_start3A_158 : memref<1x128x64xbf16, #tpu.memory_space<vmem>> -> memref<128x64xbf16, #tpu.memory_space<vmem>>
    %dma_start3A_160 = arith.constant 0 : i32
    %dma_start3A_161 = tpu.memref_slice %arg7[%dma_start3A_154, %dma_start3A_160] : memref<40x128xi32, #tpu.memory_space<vmem>> -> memref<1x128xi32, #tpu.memory_space<vmem>>
    %dma_start3A_162 = tpu.memref_squeeze %dma_start3A_161 : memref<1x128xi32, #tpu.memory_space<vmem>> -> memref<128xi32, #tpu.memory_space<vmem>>
    %dma_start3A_163 = arith.constant 0 : i32
    %dma_start3A_164 = arith.constant 0 : i32
    %dma_start3A_165 = tpu.memref_slice %arg11[%dma_start3A_163, %dma_start3A_164] : memref<10000x64xbf16, #tpu.memory_space<vmem_shared>> -> memref<10000x64xbf16, #tpu.memory_space<vmem_shared>>
    tpu.enqueue_indirect_dma source(%dma_start3A_165 : memref<10000x64xbf16, #tpu.memory_space<vmem_shared>>) target(%dma_start3A_159 : memref<128x64xbf16, #tpu.memory_space<vmem>>) offsets(%dma_start3A_162 : memref<128xi32, #tpu.memory_space<vmem>>) semaphore(%arg15 : memref<!tpu.dma_semaphore, #tpu.memory_space<semaphore_mem>>)
    %scan3A_166 = arith.constant 0 : i32
    %scan3A_167 = arith.constant 0 : i32
    %scan3A_168 = arith.constant 10 : i32
    %scan3A_169 = arith.addi %scan3A_167, %scan3A_168 : i32
    %scan3A_170 = arith.constant 1 : i32
    scf.for %scan3A_235 = %scan3A_167 to %scan3A_169 step %scan3A_170  : i32 {
      %mul3A_236 = arith.constant 4 : i32
      %mul3A_237 = arith.muli %mul3A_236, %scan3A_235 : i32
      %add3A = arith.constant 0 : i32
      %add3A_238 = arith.addi %mul3A_237, %add3A : i32
      %dma_wait3A = arith.constant 0 : i32
      %dma_wait3A_239 = arith.constant 0 : i32
      %dma_wait3A_240 = arith.constant 0 : i32
      %dma_wait3A_241 = tpu.memref_slice %arg9[%dma_wait3A, %dma_wait3A_239, %dma_wait3A_240] : memref<4x128x64xbf16, #tpu.memory_space<vmem>> -> memref<1x128x64xbf16, #tpu.memory_space<vmem>>
      %dma_wait3A_242 = tpu.memref_squeeze %dma_wait3A_241 : memref<1x128x64xbf16, #tpu.memory_space<vmem>> -> memref<128x64xbf16, #tpu.memory_space<vmem>>
      %dma_wait3A_243 = arith.constant 0 : i32
      %dma_wait3A_244 = tpu.memref_slice %arg7[%add3A_238, %dma_wait3A_243] : memref<40x128xi32, #tpu.memory_space<vmem>> -> memref<1x128xi32, #tpu.memory_space<vmem>>
      %dma_wait3A_245 = tpu.memref_squeeze %dma_wait3A_244 : memref<1x128xi32, #tpu.memory_space<vmem>> -> memref<128xi32, #tpu.memory_space<vmem>>
      %dma_wait3A_246 = arith.constant 0 : i32
      %dma_wait3A_247 = arith.constant 0 : i32
      %dma_wait3A_248 = tpu.memref_slice %arg11[%dma_wait3A_246, %dma_wait3A_247] : memref<10000x64xbf16, #tpu.memory_space<vmem_shared>> -> memref<10000x64xbf16, #tpu.memory_space<vmem_shared>>
      tpu.wait_indirect_dma semaphore(%arg12 : memref<!tpu.dma_semaphore, #tpu.memory_space<semaphore_mem>>) src(%dma_wait3A_248 : memref<10000x64xbf16, #tpu.memory_space<vmem_shared>>) dst(%dma_wait3A_242 : memref<128x64xbf16, #tpu.memory_space<vmem>>)
      %add3A_249 = arith.constant 0 : i32
      %add3A_250 = arith.addi %mul3A_237, %add3A_249 : i32
      %run_scoped3A_251 = arith.constant 0 : i32
      "tpu.region"() ({
        %run_scoped3A_333 = tpu.sem_alloc : memref<!tpu.dma_semaphore, #tpu.memory_space<semaphore_mem>>
        %dma_start3A_334 = arith.constant 0 : i32
        %dma_start3A_335 = arith.constant 0 : i32
        %dma_start3A_336 = tpu.memref_slice %arg9[%run_scoped3A_251, %dma_start3A_334, %dma_start3A_335] : memref<4x128x64xbf16, #tpu.memory_space<vmem>> -> memref<1x128x64xbf16, #tpu.memory_space<vmem>>
        %dma_start3A_337 = tpu.memref_squeeze %dma_start3A_336 : memref<1x128x64xbf16, #tpu.memory_space<vmem>> -> memref<128x64xbf16, #tpu.memory_space<vmem>>
        %dma_start3A_338 = arith.constant 0 : i32
        %dma_start3A_339 = tpu.memref_slice %arg8[%add3A_250, %dma_start3A_338] : memref<40x128xi32, #tpu.memory_space<vmem>> -> memref<1x128xi32, #tpu.memory_space<vmem>>
        %dma_start3A_340 = tpu.memref_squeeze %dma_start3A_339 : memref<1x128xi32, #tpu.memory_space<vmem>> -> memref<128xi32, #tpu.memory_space<vmem>>
        %dma_start3A_341 = arith.constant 0 : i32
        %dma_start3A_342 = arith.constant 0 : i32
        %dma_start3A_343 = tpu.memref_slice %arg10[%dma_start3A_341, %dma_start3A_342] : memref<40448x64xbf16, #tpu.memory_space<vmem_shared>> -> memref<40448x64xbf16, #tpu.memory_space<vmem_shared>>
        tpu.enqueue_indirect_dma source(%dma_start3A_337 : memref<128x64xbf16, #tpu.memory_space<vmem>>) target(%dma_start3A_343 : memref<40448x64xbf16, #tpu.memory_space<vmem_shared>>) offsets(%dma_start3A_340 : memref<128xi32, #tpu.memory_space<vmem>>) semaphore(%run_scoped3A_333 : memref<!tpu.dma_semaphore, #tpu.memory_space<semaphore_mem>>) {add = true}
        %dma_wait3A_344 = arith.constant 0 : i32
        %dma_wait3A_345 = arith.constant 0 : i32
        %dma_wait3A_346 = tpu.memref_slice %arg9[%run_scoped3A_251, %dma_wait3A_344, %dma_wait3A_345] : memref<4x128x64xbf16, #tpu.memory_space<vmem>> -> memref<1x128x64xbf16, #tpu.memory_space<vmem>>
        %dma_wait3A_347 = tpu.memref_squeeze %dma_wait3A_346 : memref<1x128x64xbf16, #tpu.memory_space<vmem>> -> memref<128x64xbf16, #tpu.memory_space<vmem>>
        %dma_wait3A_348 = arith.constant 0 : i32
        %dma_wait3A_349 = tpu.memref_slice %arg8[%add3A_250, %dma_wait3A_348] : memref<40x128xi32, #tpu.memory_space<vmem>> -> memref<1x128xi32, #tpu.memory_space<vmem>>
        %dma_wait3A_350 = tpu.memref_squeeze %dma_wait3A_349 : memref<1x128xi32, #tpu.memory_space<vmem>> -> memref<128xi32, #tpu.memory_space<vmem>>
        %dma_wait3A_351 = arith.constant 0 : i32
        %dma_wait3A_352 = arith.constant 0 : i32
        %dma_wait3A_353 = tpu.memref_slice %arg10[%dma_wait3A_351, %dma_wait3A_352] : memref<40448x64xbf16, #tpu.memory_space<vmem_shared>> -> memref<40448x64xbf16, #tpu.memory_space<vmem_shared>>
        tpu.wait_indirect_dma semaphore(%run_scoped3A_333 : memref<!tpu.dma_semaphore, #tpu.memory_space<semaphore_mem>>) src(%dma_wait3A_347 : memref<128x64xbf16, #tpu.memory_space<vmem>>) dst(%dma_wait3A_353 : memref<40448x64xbf16, #tpu.memory_space<vmem_shared>>)
        tpu.yield
      }) : () -> ()
      %add3A_252 = arith.constant 0 : i32
      %add3A_253 = arith.addi %mul3A_237, %add3A_252 : i32
      %add3A_254 = arith.constant 4 : i32
      %add3A_255 = arith.addi %add3A_253, %add3A_254 : i32
      %lt3A = arith.constant 40 : i32
      %lt3A_256 = arith.cmpi slt, %add3A_255, %lt3A : i32
      %convert_element_type3A = arith.extui %lt3A_256 : i1 to i32
      %cond3A = arith.constant 0 : i32
      %cond3A_257 = arith.cmpi ne, %convert_element_type3A, %cond3A : i32
      scf.if %cond3A_257 {
        %add3A_333 = arith.constant 0 : i32
        %add3A_334 = arith.addi %mul3A_237, %add3A_333 : i32
        %add3A_335 = arith.constant 4 : i32
        %add3A_336 = arith.addi %add3A_334, %add3A_335 : i32
        %dma_start3A_337 = arith.constant 0 : i32
        %dma_start3A_338 = arith.constant 0 : i32
        %dma_start3A_339 = arith.constant 0 : i32
        %dma_start3A_340 = tpu.memref_slice %arg9[%dma_start3A_337, %dma_start3A_338, %dma_start3A_339] : memref<4x128x64xbf16, #tpu.memory_space<vmem>> -> memref<1x128x64xbf16, #tpu.memory_space<vmem>>
        %dma_start3A_341 = tpu.memref_squeeze %dma_start3A_340 : memref<1x128x64xbf16, #tpu.memory_space<vmem>> -> memref<128x64xbf16, #tpu.memory_space<vmem>>
        %dma_start3A_342 = arith.constant 0 : i32
        %dma_start3A_343 = tpu.memref_slice %arg7[%add3A_336, %dma_start3A_342] : memref<40x128xi32, #tpu.memory_space<vmem>> -> memref<1x128xi32, #tpu.memory_space<vmem>>
        %dma_start3A_344 = tpu.memref_squeeze %dma_start3A_343 : memref<1x128xi32, #tpu.memory_space<vmem>> -> memref<128xi32, #tpu.memory_space<vmem>>
        %dma_start3A_345 = arith.constant 0 : i32
        %dma_start3A_346 = arith.constant 0 : i32
        %dma_start3A_347 = tpu.memref_slice %arg11[%dma_start3A_345, %dma_start3A_346] : memref<10000x64xbf16, #tpu.memory_space<vmem_shared>> -> memref<10000x64xbf16, #tpu.memory_space<vmem_shared>>
        tpu.enqueue_indirect_dma source(%dma_start3A_347 : memref<10000x64xbf16, #tpu.memory_space<vmem_shared>>) target(%dma_start3A_341 : memref<128x64xbf16, #tpu.memory_space<vmem>>) offsets(%dma_start3A_344 : memref<128xi32, #tpu.memory_space<vmem>>) semaphore(%arg12 : memref<!tpu.dma_semaphore, #tpu.memory_space<semaphore_mem>>)
      } else {
      }
      %add3A_258 = arith.constant 1 : i32
      %add3A_259 = arith.addi %mul3A_237, %add3A_258 : i32
      %dma_wait3A_260 = arith.constant 1 : i32
      %dma_wait3A_261 = arith.constant 0 : i32
      %dma_wait3A_262 = arith.constant 0 : i32
      %dma_wait3A_263 = tpu.memref_slice %arg9[%dma_wait3A_260, %dma_wait3A_261, %dma_wait3A_262] : memref<4x128x64xbf16, #tpu.memory_space<vmem>> -> memref<1x128x64xbf16, #tpu.memory_space<vmem>>
      %dma_wait3A_264 = tpu.memref_squeeze %dma_wait3A_263 : memref<1x128x64xbf16, #tpu.memory_space<vmem>> -> memref<128x64xbf16, #tpu.memory_space<vmem>>
      %dma_wait3A_265 = arith.constant 0 : i32
      %dma_wait3A_266 = tpu.memref_slice %arg7[%add3A_259, %dma_wait3A_265] : memref<40x128xi32, #tpu.memory_space<vmem>> -> memref<1x128xi32, #tpu.memory_space<vmem>>
      %dma_wait3A_267 = tpu.memref_squeeze %dma_wait3A_266 : memref<1x128xi32, #tpu.memory_space<vmem>> -> memref<128xi32, #tpu.memory_space<vmem>>
      %dma_wait3A_268 = arith.constant 0 : i32
      %dma_wait3A_269 = arith.constant 0 : i32
      %dma_wait3A_270 = tpu.memref_slice %arg11[%dma_wait3A_268, %dma_wait3A_269] : memref<10000x64xbf16, #tpu.memory_space<vmem_shared>> -> memref<10000x64xbf16, #tpu.memory_space<vmem_shared>>
      tpu.wait_indirect_dma semaphore(%arg13 : memref<!tpu.dma_semaphore, #tpu.memory_space<semaphore_mem>>) src(%dma_wait3A_270 : memref<10000x64xbf16, #tpu.memory_space<vmem_shared>>) dst(%dma_wait3A_264 : memref<128x64xbf16, #tpu.memory_space<vmem>>)
      %add3A_271 = arith.constant 1 : i32
      %add3A_272 = arith.addi %mul3A_237, %add3A_271 : i32
      %run_scoped3A_273 = arith.constant 1 : i32
      "tpu.region"() ({
        %run_scoped3A_333 = tpu.sem_alloc : memref<!tpu.dma_semaphore, #tpu.memory_space<semaphore_mem>>
        %dma_start3A_334 = arith.constant 0 : i32
        %dma_start3A_335 = arith.constant 0 : i32
        %dma_start3A_336 = tpu.memref_slice %arg9[%run_scoped3A_273, %dma_start3A_334, %dma_start3A_335] : memref<4x128x64xbf16, #tpu.memory_space<vmem>> -> memref<1x128x64xbf16, #tpu.memory_space<vmem>>
        %dma_start3A_337 = tpu.memref_squeeze %dma_start3A_336 : memref<1x128x64xbf16, #tpu.memory_space<vmem>> -> memref<128x64xbf16, #tpu.memory_space<vmem>>
        %dma_start3A_338 = arith.constant 0 : i32
        %dma_start3A_339 = tpu.memref_slice %arg8[%add3A_272, %dma_start3A_338] : memref<40x128xi32, #tpu.memory_space<vmem>> -> memref<1x128xi32, #tpu.memory_space<vmem>>
        %dma_start3A_340 = tpu.memref_squeeze %dma_start3A_339 : memref<1x128xi32, #tpu.memory_space<vmem>> -> memref<128xi32, #tpu.memory_space<vmem>>
        %dma_start3A_341 = arith.constant 0 : i32
        %dma_start3A_342 = arith.constant 0 : i32
        %dma_start3A_343 = tpu.memref_slice %arg10[%dma_start3A_341, %dma_start3A_342] : memref<40448x64xbf16, #tpu.memory_space<vmem_shared>> -> memref<40448x64xbf16, #tpu.memory_space<vmem_shared>>
        tpu.enqueue_indirect_dma source(%dma_start3A_337 : memref<128x64xbf16, #tpu.memory_space<vmem>>) target(%dma_start3A_343 : memref<40448x64xbf16, #tpu.memory_space<vmem_shared>>) offsets(%dma_start3A_340 : memref<128xi32, #tpu.memory_space<vmem>>) semaphore(%run_scoped3A_333 : memref<!tpu.dma_semaphore, #tpu.memory_space<semaphore_mem>>) {add = true}
        %dma_wait3A_344 = arith.constant 0 : i32
        %dma_wait3A_345 = arith.constant 0 : i32
        %dma_wait3A_346 = tpu.memref_slice %arg9[%run_scoped3A_273, %dma_wait3A_344, %dma_wait3A_345] : memref<4x128x64xbf16, #tpu.memory_space<vmem>> -> memref<1x128x64xbf16, #tpu.memory_space<vmem>>
        %dma_wait3A_347 = tpu.memref_squeeze %dma_wait3A_346 : memref<1x128x64xbf16, #tpu.memory_space<vmem>> -> memref<128x64xbf16, #tpu.memory_space<vmem>>
        %dma_wait3A_348 = arith.constant 0 : i32
        %dma_wait3A_349 = tpu.memref_slice %arg8[%add3A_272, %dma_wait3A_348] : memref<40x128xi32, #tpu.memory_space<vmem>> -> memref<1x128xi32, #tpu.memory_space<vmem>>
        %dma_wait3A_350 = tpu.memref_squeeze %dma_wait3A_349 : memref<1x128xi32, #tpu.memory_space<vmem>> -> memref<128xi32, #tpu.memory_space<vmem>>
        %dma_wait3A_351 = arith.constant 0 : i32
        %dma_wait3A_352 = arith.constant 0 : i32
        %dma_wait3A_353 = tpu.memref_slice %arg10[%dma_wait3A_351, %dma_wait3A_352] : memref<40448x64xbf16, #tpu.memory_space<vmem_shared>> -> memref<40448x64xbf16, #tpu.memory_space<vmem_shared>>
        tpu.wait_indirect_dma semaphore(%run_scoped3A_333 : memref<!tpu.dma_semaphore, #tpu.memory_space<semaphore_mem>>) src(%dma_wait3A_347 : memref<128x64xbf16, #tpu.memory_space<vmem>>) dst(%dma_wait3A_353 : memref<40448x64xbf16, #tpu.memory_space<vmem_shared>>)
        tpu.yield
      }) : () -> ()
      %add3A_274 = arith.constant 1 : i32
      %add3A_275 = arith.addi %mul3A_237, %add3A_274 : i32
      %add3A_276 = arith.constant 4 : i32
      %add3A_277 = arith.addi %add3A_275, %add3A_276 : i32
      %lt3A_278 = arith.constant 40 : i32
      %lt3A_279 = arith.cmpi slt, %add3A_277, %lt3A_278 : i32
      %convert_element_type3A_280 = arith.extui %lt3A_279 : i1 to i32
      %cond3A_281 = arith.constant 0 : i32
      %cond3A_282 = arith.cmpi ne, %convert_element_type3A_280, %cond3A_281 : i32
      scf.if %cond3A_282 {
        %add3A_333 = arith.constant 1 : i32
        %add3A_334 = arith.addi %mul3A_237, %add3A_333 : i32
        %add3A_335 = arith.constant 4 : i32
        %add3A_336 = arith.addi %add3A_334, %add3A_335 : i32
        %dma_start3A_337 = arith.constant 1 : i32
        %dma_start3A_338 = arith.constant 0 : i32
        %dma_start3A_339 = arith.constant 0 : i32
        %dma_start3A_340 = tpu.memref_slice %arg9[%dma_start3A_337, %dma_start3A_338, %dma_start3A_339] : memref<4x128x64xbf16, #tpu.memory_space<vmem>> -> memref<1x128x64xbf16, #tpu.memory_space<vmem>>
        %dma_start3A_341 = tpu.memref_squeeze %dma_start3A_340 : memref<1x128x64xbf16, #tpu.memory_space<vmem>> -> memref<128x64xbf16, #tpu.memory_space<vmem>>
        %dma_start3A_342 = arith.constant 0 : i32
        %dma_start3A_343 = tpu.memref_slice %arg7[%add3A_336, %dma_start3A_342] : memref<40x128xi32, #tpu.memory_space<vmem>> -> memref<1x128xi32, #tpu.memory_space<vmem>>
        %dma_start3A_344 = tpu.memref_squeeze %dma_start3A_343 : memref<1x128xi32, #tpu.memory_space<vmem>> -> memref<128xi32, #tpu.memory_space<vmem>>
        %dma_start3A_345 = arith.constant 0 : i32
        %dma_start3A_346 = arith.constant 0 : i32
        %dma_start3A_347 = tpu.memref_slice %arg11[%dma_start3A_345, %dma_start3A_346] : memref<10000x64xbf16, #tpu.memory_space<vmem_shared>> -> memref<10000x64xbf16, #tpu.memory_space<vmem_shared>>
        tpu.enqueue_indirect_dma source(%dma_start3A_347 : memref<10000x64xbf16, #tpu.memory_space<vmem_shared>>) target(%dma_start3A_341 : memref<128x64xbf16, #tpu.memory_space<vmem>>) offsets(%dma_start3A_344 : memref<128xi32, #tpu.memory_space<vmem>>) semaphore(%arg13 : memref<!tpu.dma_semaphore, #tpu.memory_space<semaphore_mem>>)
      } else {
      }
      %add3A_283 = arith.constant 2 : i32
      %add3A_284 = arith.addi %mul3A_237, %add3A_283 : i32
      %dma_wait3A_285 = arith.constant 2 : i32
      %dma_wait3A_286 = arith.constant 0 : i32
      %dma_wait3A_287 = arith.constant 0 : i32
      %dma_wait3A_288 = tpu.memref_slice %arg9[%dma_wait3A_285, %dma_wait3A_286, %dma_wait3A_287] : memref<4x128x64xbf16, #tpu.memory_space<vmem>> -> memref<1x128x64xbf16, #tpu.memory_space<vmem>>
      %dma_wait3A_289 = tpu.memref_squeeze %dma_wait3A_288 : memref<1x128x64xbf16, #tpu.memory_space<vmem>> -> memref<128x64xbf16, #tpu.memory_space<vmem>>
      %dma_wait3A_290 = arith.constant 0 : i32
      %dma_wait3A_291 = tpu.memref_slice %arg7[%add3A_284, %dma_wait3A_290] : memref<40x128xi32, #tpu.memory_space<vmem>> -> memref<1x128xi32, #tpu.memory_space<vmem>>
      %dma_wait3A_292 = tpu.memref_squeeze %dma_wait3A_291 : memref<1x128xi32, #tpu.memory_space<vmem>> -> memref<128xi32, #tpu.memory_space<vmem>>
      %dma_wait3A_293 = arith.constant 0 : i32
      %dma_wait3A_294 = arith.constant 0 : i32
      %dma_wait3A_295 = tpu.memref_slice %arg11[%dma_wait3A_293, %dma_wait3A_294] : memref<10000x64xbf16, #tpu.memory_space<vmem_shared>> -> memref<10000x64xbf16, #tpu.memory_space<vmem_shared>>
      tpu.wait_indirect_dma semaphore(%arg14 : memref<!tpu.dma_semaphore, #tpu.memory_space<semaphore_mem>>) src(%dma_wait3A_295 : memref<10000x64xbf16, #tpu.memory_space<vmem_shared>>) dst(%dma_wait3A_289 : memref<128x64xbf16, #tpu.memory_space<vmem>>)
      %add3A_296 = arith.constant 2 : i32
      %add3A_297 = arith.addi %mul3A_237, %add3A_296 : i32
      %run_scoped3A_298 = arith.constant 2 : i32
      "tpu.region"() ({
        %run_scoped3A_333 = tpu.sem_alloc : memref<!tpu.dma_semaphore, #tpu.memory_space<semaphore_mem>>
        %dma_start3A_334 = arith.constant 0 : i32
        %dma_start3A_335 = arith.constant 0 : i32
        %dma_start3A_336 = tpu.memref_slice %arg9[%run_scoped3A_298, %dma_start3A_334, %dma_start3A_335] : memref<4x128x64xbf16, #tpu.memory_space<vmem>> -> memref<1x128x64xbf16, #tpu.memory_space<vmem>>
        %dma_start3A_337 = tpu.memref_squeeze %dma_start3A_336 : memref<1x128x64xbf16, #tpu.memory_space<vmem>> -> memref<128x64xbf16, #tpu.memory_space<vmem>>
        %dma_start3A_338 = arith.constant 0 : i32
        %dma_start3A_339 = tpu.memref_slice %arg8[%add3A_297, %dma_start3A_338] : memref<40x128xi32, #tpu.memory_space<vmem>> -> memref<1x128xi32, #tpu.memory_space<vmem>>
        %dma_start3A_340 = tpu.memref_squeeze %dma_start3A_339 : memref<1x128xi32, #tpu.memory_space<vmem>> -> memref<128xi32, #tpu.memory_space<vmem>>
        %dma_start3A_341 = arith.constant 0 : i32
        %dma_start3A_342 = arith.constant 0 : i32
        %dma_start3A_343 = tpu.memref_slice %arg10[%dma_start3A_341, %dma_start3A_342] : memref<40448x64xbf16, #tpu.memory_space<vmem_shared>> -> memref<40448x64xbf16, #tpu.memory_space<vmem_shared>>
        tpu.enqueue_indirect_dma source(%dma_start3A_337 : memref<128x64xbf16, #tpu.memory_space<vmem>>) target(%dma_start3A_343 : memref<40448x64xbf16, #tpu.memory_space<vmem_shared>>) offsets(%dma_start3A_340 : memref<128xi32, #tpu.memory_space<vmem>>) semaphore(%run_scoped3A_333 : memref<!tpu.dma_semaphore, #tpu.memory_space<semaphore_mem>>) {add = true}
        %dma_wait3A_344 = arith.constant 0 : i32
        %dma_wait3A_345 = arith.constant 0 : i32
        %dma_wait3A_346 = tpu.memref_slice %arg9[%run_scoped3A_298, %dma_wait3A_344, %dma_wait3A_345] : memref<4x128x64xbf16, #tpu.memory_space<vmem>> -> memref<1x128x64xbf16, #tpu.memory_space<vmem>>
        %dma_wait3A_347 = tpu.memref_squeeze %dma_wait3A_346 : memref<1x128x64xbf16, #tpu.memory_space<vmem>> -> memref<128x64xbf16, #tpu.memory_space<vmem>>
        %dma_wait3A_348 = arith.constant 0 : i32
        %dma_wait3A_349 = tpu.memref_slice %arg8[%add3A_297, %dma_wait3A_348] : memref<40x128xi32, #tpu.memory_space<vmem>> -> memref<1x128xi32, #tpu.memory_space<vmem>>
        %dma_wait3A_350 = tpu.memref_squeeze %dma_wait3A_349 : memref<1x128xi32, #tpu.memory_space<vmem>> -> memref<128xi32, #tpu.memory_space<vmem>>
        %dma_wait3A_351 = arith.constant 0 : i32
        %dma_wait3A_352 = arith.constant 0 : i32
        %dma_wait3A_353 = tpu.memref_slice %arg10[%dma_wait3A_351, %dma_wait3A_352] : memref<40448x64xbf16, #tpu.memory_space<vmem_shared>> -> memref<40448x64xbf16, #tpu.memory_space<vmem_shared>>
        tpu.wait_indirect_dma semaphore(%run_scoped3A_333 : memref<!tpu.dma_semaphore, #tpu.memory_space<semaphore_mem>>) src(%dma_wait3A_347 : memref<128x64xbf16, #tpu.memory_space<vmem>>) dst(%dma_wait3A_353 : memref<40448x64xbf16, #tpu.memory_space<vmem_shared>>)
        tpu.yield
      }) : () -> ()
      %add3A_299 = arith.constant 2 : i32
      %add3A_300 = arith.addi %mul3A_237, %add3A_299 : i32
      %add3A_301 = arith.constant 4 : i32
      %add3A_302 = arith.addi %add3A_300, %add3A_301 : i32
      %lt3A_303 = arith.constant 40 : i32
      %lt3A_304 = arith.cmpi slt, %add3A_302, %lt3A_303 : i32
      %convert_element_type3A_305 = arith.extui %lt3A_304 : i1 to i32
      %cond3A_306 = arith.constant 0 : i32
      %cond3A_307 = arith.cmpi ne, %convert_element_type3A_305, %cond3A_306 : i32
      scf.if %cond3A_307 {
        %add3A_333 = arith.constant 2 : i32
        %add3A_334 = arith.addi %mul3A_237, %add3A_333 : i32
        %add3A_335 = arith.constant 4 : i32
        %add3A_336 = arith.addi %add3A_334, %add3A_335 : i32
        %dma_start3A_337 = arith.constant 2 : i32
        %dma_start3A_338 = arith.constant 0 : i32
        %dma_start3A_339 = arith.constant 0 : i32
        %dma_start3A_340 = tpu.memref_slice %arg9[%dma_start3A_337, %dma_start3A_338, %dma_start3A_339] : memref<4x128x64xbf16, #tpu.memory_space<vmem>> -> memref<1x128x64xbf16, #tpu.memory_space<vmem>>
        %dma_start3A_341 = tpu.memref_squeeze %dma_start3A_340 : memref<1x128x64xbf16, #tpu.memory_space<vmem>> -> memref<128x64xbf16, #tpu.memory_space<vmem>>
        %dma_start3A_342 = arith.constant 0 : i32
        %dma_start3A_343 = tpu.memref_slice %arg7[%add3A_336, %dma_start3A_342] : memref<40x128xi32, #tpu.memory_space<vmem>> -> memref<1x128xi32, #tpu.memory_space<vmem>>
        %dma_start3A_344 = tpu.memref_squeeze %dma_start3A_343 : memref<1x128xi32, #tpu.memory_space<vmem>> -> memref<128xi32, #tpu.memory_space<vmem>>
        %dma_start3A_345 = arith.constant 0 : i32
        %dma_start3A_346 = arith.constant 0 : i32
        %dma_start3A_347 = tpu.memref_slice %arg11[%dma_start3A_345, %dma_start3A_346] : memref<10000x64xbf16, #tpu.memory_space<vmem_shared>> -> memref<10000x64xbf16, #tpu.memory_space<vmem_shared>>
        tpu.enqueue_indirect_dma source(%dma_start3A_347 : memref<10000x64xbf16, #tpu.memory_space<vmem_shared>>) target(%dma_start3A_341 : memref<128x64xbf16, #tpu.memory_space<vmem>>) offsets(%dma_start3A_344 : memref<128xi32, #tpu.memory_space<vmem>>) semaphore(%arg14 : memref<!tpu.dma_semaphore, #tpu.memory_space<semaphore_mem>>)
      } else {
      }
      %add3A_308 = arith.constant 3 : i32
      %add3A_309 = arith.addi %mul3A_237, %add3A_308 : i32
      %dma_wait3A_310 = arith.constant 3 : i32
      %dma_wait3A_311 = arith.constant 0 : i32
      %dma_wait3A_312 = arith.constant 0 : i32
      %dma_wait3A_313 = tpu.memref_slice %arg9[%dma_wait3A_310, %dma_wait3A_311, %dma_wait3A_312] : memref<4x128x64xbf16, #tpu.memory_space<vmem>> -> memref<1x128x64xbf16, #tpu.memory_space<vmem>>
      %dma_wait3A_314 = tpu.memref_squeeze %dma_wait3A_313 : memref<1x128x64xbf16, #tpu.memory_space<vmem>> -> memref<128x64xbf16, #tpu.memory_space<vmem>>
      %dma_wait3A_315 = arith.constant 0 : i32
      %dma_wait3A_316 = tpu.memref_slice %arg7[%add3A_309, %dma_wait3A_315] : memref<40x128xi32, #tpu.memory_space<vmem>> -> memref<1x128xi32, #tpu.memory_space<vmem>>
      %dma_wait3A_317 = tpu.memref_squeeze %dma_wait3A_316 : memref<1x128xi32, #tpu.memory_space<vmem>> -> memref<128xi32, #tpu.memory_space<vmem>>
      %dma_wait3A_318 = arith.constant 0 : i32
      %dma_wait3A_319 = arith.constant 0 : i32
      %dma_wait3A_320 = tpu.memref_slice %arg11[%dma_wait3A_318, %dma_wait3A_319] : memref<10000x64xbf16, #tpu.memory_space<vmem_shared>> -> memref<10000x64xbf16, #tpu.memory_space<vmem_shared>>
      tpu.wait_indirect_dma semaphore(%arg15 : memref<!tpu.dma_semaphore, #tpu.memory_space<semaphore_mem>>) src(%dma_wait3A_320 : memref<10000x64xbf16, #tpu.memory_space<vmem_shared>>) dst(%dma_wait3A_314 : memref<128x64xbf16, #tpu.memory_space<vmem>>)
      %add3A_321 = arith.constant 3 : i32
      %add3A_322 = arith.addi %mul3A_237, %add3A_321 : i32
      %run_scoped3A_323 = arith.constant 3 : i32
      "tpu.region"() ({
        %run_scoped3A_333 = tpu.sem_alloc : memref<!tpu.dma_semaphore, #tpu.memory_space<semaphore_mem>>
        %dma_start3A_334 = arith.constant 0 : i32
        %dma_start3A_335 = arith.constant 0 : i32
        %dma_start3A_336 = tpu.memref_slice %arg9[%run_scoped3A_323, %dma_start3A_334, %dma_start3A_335] : memref<4x128x64xbf16, #tpu.memory_space<vmem>> -> memref<1x128x64xbf16, #tpu.memory_space<vmem>>
        %dma_start3A_337 = tpu.memref_squeeze %dma_start3A_336 : memref<1x128x64xbf16, #tpu.memory_space<vmem>> -> memref<128x64xbf16, #tpu.memory_space<vmem>>
        %dma_start3A_338 = arith.constant 0 : i32
        %dma_start3A_339 = tpu.memref_slice %arg8[%add3A_322, %dma_start3A_338] : memref<40x128xi32, #tpu.memory_space<vmem>> -> memref<1x128xi32, #tpu.memory_space<vmem>>
        %dma_start3A_340 = tpu.memref_squeeze %dma_start3A_339 : memref<1x128xi32, #tpu.memory_space<vmem>> -> memref<128xi32, #tpu.memory_space<vmem>>
        %dma_start3A_341 = arith.constant 0 : i32
        %dma_start3A_342 = arith.constant 0 : i32
        %dma_start3A_343 = tpu.memref_slice %arg10[%dma_start3A_341, %dma_start3A_342] : memref<40448x64xbf16, #tpu.memory_space<vmem_shared>> -> memref<40448x64xbf16, #tpu.memory_space<vmem_shared>>
        tpu.enqueue_indirect_dma source(%dma_start3A_337 : memref<128x64xbf16, #tpu.memory_space<vmem>>) target(%dma_start3A_343 : memref<40448x64xbf16, #tpu.memory_space<vmem_shared>>) offsets(%dma_start3A_340 : memref<128xi32, #tpu.memory_space<vmem>>) semaphore(%run_scoped3A_333 : memref<!tpu.dma_semaphore, #tpu.memory_space<semaphore_mem>>) {add = true}
        %dma_wait3A_344 = arith.constant 0 : i32
        %dma_wait3A_345 = arith.constant 0 : i32
        %dma_wait3A_346 = tpu.memref_slice %arg9[%run_scoped3A_323, %dma_wait3A_344, %dma_wait3A_345] : memref<4x128x64xbf16, #tpu.memory_space<vmem>> -> memref<1x128x64xbf16, #tpu.memory_space<vmem>>
        %dma_wait3A_347 = tpu.memref_squeeze %dma_wait3A_346 : memref<1x128x64xbf16, #tpu.memory_space<vmem>> -> memref<128x64xbf16, #tpu.memory_space<vmem>>
        %dma_wait3A_348 = arith.constant 0 : i32
        %dma_wait3A_349 = tpu.memref_slice %arg8[%add3A_322, %dma_wait3A_348] : memref<40x128xi32, #tpu.memory_space<vmem>> -> memref<1x128xi32, #tpu.memory_space<vmem>>
        %dma_wait3A_350 = tpu.memref_squeeze %dma_wait3A_349 : memref<1x128xi32, #tpu.memory_space<vmem>> -> memref<128xi32, #tpu.memory_space<vmem>>
        %dma_wait3A_351 = arith.constant 0 : i32
        %dma_wait3A_352 = arith.constant 0 : i32
        %dma_wait3A_353 = tpu.memref_slice %arg10[%dma_wait3A_351, %dma_wait3A_352] : memref<40448x64xbf16, #tpu.memory_space<vmem_shared>> -> memref<40448x64xbf16, #tpu.memory_space<vmem_shared>>
        tpu.wait_indirect_dma semaphore(%run_scoped3A_333 : memref<!tpu.dma_semaphore, #tpu.memory_space<semaphore_mem>>) src(%dma_wait3A_347 : memref<128x64xbf16, #tpu.memory_space<vmem>>) dst(%dma_wait3A_353 : memref<40448x64xbf16, #tpu.memory_space<vmem_shared>>)
        tpu.yield
      }) : () -> ()
      %add3A_324 = arith.constant 3 : i32
      %add3A_325 = arith.addi %mul3A_237, %add3A_324 : i32
      %add3A_326 = arith.constant 4 : i32
      %add3A_327 = arith.addi %add3A_325, %add3A_326 : i32
      %lt3A_328 = arith.constant 40 : i32
      %lt3A_329 = arith.cmpi slt, %add3A_327, %lt3A_328 : i32
      %convert_element_type3A_330 = arith.extui %lt3A_329 : i1 to i32
      %cond3A_331 = arith.constant 0 : i32
      %cond3A_332 = arith.cmpi ne, %convert_element_type3A_330, %cond3A_331 : i32
      scf.if %cond3A_332 {
        %add3A_333 = arith.constant 3 : i32
        %add3A_334 = arith.addi %mul3A_237, %add3A_333 : i32
        %add3A_335 = arith.constant 4 : i32
        %add3A_336 = arith.addi %add3A_334, %add3A_335 : i32
        %dma_start3A_337 = arith.constant 3 : i32
        %dma_start3A_338 = arith.constant 0 : i32
        %dma_start3A_339 = arith.constant 0 : i32
        %dma_start3A_340 = tpu.memref_slice %arg9[%dma_start3A_337, %dma_start3A_338, %dma_start3A_339] : memref<4x128x64xbf16, #tpu.memory_space<vmem>> -> memref<1x128x64xbf16, #tpu.memory_space<vmem>>
        %dma_start3A_341 = tpu.memref_squeeze %dma_start3A_340 : memref<1x128x64xbf16, #tpu.memory_space<vmem>> -> memref<128x64xbf16, #tpu.memory_space<vmem>>
        %dma_start3A_342 = arith.constant 0 : i32
        %dma_start3A_343 = tpu.memref_slice %arg7[%add3A_336, %dma_start3A_342] : memref<40x128xi32, #tpu.memory_space<vmem>> -> memref<1x128xi32, #tpu.memory_space<vmem>>
        %dma_start3A_344 = tpu.memref_squeeze %dma_start3A_343 : memref<1x128xi32, #tpu.memory_space<vmem>> -> memref<128xi32, #tpu.memory_space<vmem>>
        %dma_start3A_345 = arith.constant 0 : i32
        %dma_start3A_346 = arith.constant 0 : i32
        %dma_start3A_347 = tpu.memref_slice %arg11[%dma_start3A_345, %dma_start3A_346] : memref<10000x64xbf16, #tpu.memory_space<vmem_shared>> -> memref<10000x64xbf16, #tpu.memory_space<vmem_shared>>
        tpu.enqueue_indirect_dma source(%dma_start3A_347 : memref<10000x64xbf16, #tpu.memory_space<vmem_shared>>) target(%dma_start3A_341 : memref<128x64xbf16, #tpu.memory_space<vmem>>) offsets(%dma_start3A_344 : memref<128xi32, #tpu.memory_space<vmem>>) semaphore(%arg15 : memref<!tpu.dma_semaphore, #tpu.memory_space<semaphore_mem>>)
      } else {
      }
    }
    %scan3A_171 = arith.constant 10 : i32
    %run_scoped3A_172 = arith.constant 3 : i32
    "tpu.region"() ({
      %run_scoped3A_235 = tpu.sem_alloc : memref<!tpu.dma_semaphore, #tpu.memory_space<semaphore_mem>>
      %dma_start3A_236 = arith.constant 0 : i32
      %dma_start3A_237 = arith.constant 0 : i32
      %dma_start3A_238 = tpu.memref_slice %arg3[%arg1, %run_scoped3A_172, %dma_start3A_236, %dma_start3A_237] : memref<16x4x40x128xi32, #tpu.memory_space<hbm>> -> memref<1x1x40x128xi32, #tpu.memory_space<hbm>>
      %dma_start3A_239 = tpu.memref_squeeze %dma_start3A_238 : memref<1x1x40x128xi32, #tpu.memory_space<hbm>> -> memref<40x128xi32, #tpu.memory_space<hbm>>
      %dma_start3A_240 = arith.constant 0 : i32
      %dma_start3A_241 = arith.constant 0 : i32
      %dma_start3A_242 = tpu.memref_slice %arg3[%arg1, %run_scoped3A_172, %dma_start3A_240, %dma_start3A_241] : memref<16x4x40x128xi32, #tpu.memory_space<hbm>> -> memref<1x1x40x128xi32, #tpu.memory_space<hbm>>
      %dma_start3A_243 = tpu.memref_squeeze %dma_start3A_242 : memref<1x1x40x128xi32, #tpu.memory_space<hbm>> -> memref<40x128xi32, #tpu.memory_space<hbm>>
      tpu.enqueue_dma source(%dma_start3A_243 : memref<40x128xi32, #tpu.memory_space<hbm>>) target(%arg7 : memref<40x128xi32, #tpu.memory_space<vmem>>) target_semaphore(%run_scoped3A_235 : memref<!tpu.dma_semaphore, #tpu.memory_space<semaphore_mem>>)
      %dma_wait3A = arith.constant 0 : i32
      %dma_wait3A_244 = arith.constant 0 : i32
      %dma_wait3A_245 = tpu.memref_slice %arg3[%arg1, %run_scoped3A_172, %dma_wait3A, %dma_wait3A_244] : memref<16x4x40x128xi32, #tpu.memory_space<hbm>> -> memref<1x1x40x128xi32, #tpu.memory_space<hbm>>
      %dma_wait3A_246 = tpu.memref_squeeze %dma_wait3A_245 : memref<1x1x40x128xi32, #tpu.memory_space<hbm>> -> memref<40x128xi32, #tpu.memory_space<hbm>>
      %dma_wait3A_247 = arith.constant 0 : i32
      %dma_wait3A_248 = arith.constant 0 : i32
      %dma_wait3A_249 = tpu.memref_slice %arg3[%arg1, %run_scoped3A_172, %dma_wait3A_247, %dma_wait3A_248] : memref<16x4x40x128xi32, #tpu.memory_space<hbm>> -> memref<1x1x40x128xi32, #tpu.memory_space<hbm>>
      %dma_wait3A_250 = tpu.memref_squeeze %dma_wait3A_249 : memref<1x1x40x128xi32, #tpu.memory_space<hbm>> -> memref<40x128xi32, #tpu.memory_space<hbm>>
      tpu.wait_dma2 semaphore(%run_scoped3A_235 : memref<!tpu.dma_semaphore, #tpu.memory_space<semaphore_mem>>) src(%dma_wait3A_250 : memref<40x128xi32, #tpu.memory_space<hbm>>) dst(%arg7 : memref<40x128xi32, #tpu.memory_space<vmem>>)
      tpu.yield
    }) : () -> ()
    %run_scoped3A_173 = arith.constant 3 : i32
    "tpu.region"() ({
      %run_scoped3A_235 = tpu.sem_alloc : memref<!tpu.dma_semaphore, #tpu.memory_space<semaphore_mem>>
      %dma_start3A_236 = arith.constant 0 : i32
      %dma_start3A_237 = arith.constant 0 : i32
      %dma_start3A_238 = tpu.memref_slice %arg4[%arg1, %run_scoped3A_173, %dma_start3A_236, %dma_start3A_237] : memref<16x4x40x128xi32, #tpu.memory_space<hbm>> -> memref<1x1x40x128xi32, #tpu.memory_space<hbm>>
      %dma_start3A_239 = tpu.memref_squeeze %dma_start3A_238 : memref<1x1x40x128xi32, #tpu.memory_space<hbm>> -> memref<40x128xi32, #tpu.memory_space<hbm>>
      %dma_start3A_240 = arith.constant 0 : i32
      %dma_start3A_241 = arith.constant 0 : i32
      %dma_start3A_242 = tpu.memref_slice %arg4[%arg1, %run_scoped3A_173, %dma_start3A_240, %dma_start3A_241] : memref<16x4x40x128xi32, #tpu.memory_space<hbm>> -> memref<1x1x40x128xi32, #tpu.memory_space<hbm>>
      %dma_start3A_243 = tpu.memref_squeeze %dma_start3A_242 : memref<1x1x40x128xi32, #tpu.memory_space<hbm>> -> memref<40x128xi32, #tpu.memory_space<hbm>>
      tpu.enqueue_dma source(%dma_start3A_243 : memref<40x128xi32, #tpu.memory_space<hbm>>) target(%arg8 : memref<40x128xi32, #tpu.memory_space<vmem>>) target_semaphore(%run_scoped3A_235 : memref<!tpu.dma_semaphore, #tpu.memory_space<semaphore_mem>>)
      %dma_wait3A = arith.constant 0 : i32
      %dma_wait3A_244 = arith.constant 0 : i32
      %dma_wait3A_245 = tpu.memref_slice %arg4[%arg1, %run_scoped3A_173, %dma_wait3A, %dma_wait3A_244] : memref<16x4x40x128xi32, #tpu.memory_space<hbm>> -> memref<1x1x40x128xi32, #tpu.memory_space<hbm>>
      %dma_wait3A_246 = tpu.memref_squeeze %dma_wait3A_245 : memref<1x1x40x128xi32, #tpu.memory_space<hbm>> -> memref<40x128xi32, #tpu.memory_space<hbm>>
      %dma_wait3A_247 = arith.constant 0 : i32
      %dma_wait3A_248 = arith.constant 0 : i32
      %dma_wait3A_249 = tpu.memref_slice %arg4[%arg1, %run_scoped3A_173, %dma_wait3A_247, %dma_wait3A_248] : memref<16x4x40x128xi32, #tpu.memory_space<hbm>> -> memref<1x1x40x128xi32, #tpu.memory_space<hbm>>
      %dma_wait3A_250 = tpu.memref_squeeze %dma_wait3A_249 : memref<1x1x40x128xi32, #tpu.memory_space<hbm>> -> memref<40x128xi32, #tpu.memory_space<hbm>>
      tpu.wait_dma2 semaphore(%run_scoped3A_235 : memref<!tpu.dma_semaphore, #tpu.memory_space<semaphore_mem>>) src(%dma_wait3A_250 : memref<40x128xi32, #tpu.memory_space<hbm>>) dst(%arg8 : memref<40x128xi32, #tpu.memory_space<vmem>>)
      tpu.yield
    }) : () -> ()
    %dma_start3A_174 = arith.constant 0 : i32
    %dma_start3A_175 = arith.constant 0 : i32
    %dma_start3A_176 = arith.constant 0 : i32
    %dma_start3A_177 = arith.constant 0 : i32
    %dma_start3A_178 = tpu.memref_slice %arg9[%dma_start3A_175, %dma_start3A_176, %dma_start3A_177] : memref<4x128x64xbf16, #tpu.memory_space<vmem>> -> memref<1x128x64xbf16, #tpu.memory_space<vmem>>
    %dma_start3A_179 = tpu.memref_squeeze %dma_start3A_178 : memref<1x128x64xbf16, #tpu.memory_space<vmem>> -> memref<128x64xbf16, #tpu.memory_space<vmem>>
    %dma_start3A_180 = arith.constant 0 : i32
    %dma_start3A_181 = tpu.memref_slice %arg7[%dma_start3A_174, %dma_start3A_180] : memref<40x128xi32, #tpu.memory_space<vmem>> -> memref<1x128xi32, #tpu.memory_space<vmem>>
    %dma_start3A_182 = tpu.memref_squeeze %dma_start3A_181 : memref<1x128xi32, #tpu.memory_space<vmem>> -> memref<128xi32, #tpu.memory_space<vmem>>
    %dma_start3A_183 = arith.constant 0 : i32
    %dma_start3A_184 = arith.constant 0 : i32
    %dma_start3A_185 = tpu.memref_slice %arg11[%dma_start3A_183, %dma_start3A_184] : memref<10000x64xbf16, #tpu.memory_space<vmem_shared>> -> memref<10000x64xbf16, #tpu.memory_space<vmem_shared>>
    tpu.enqueue_indirect_dma source(%dma_start3A_185 : memref<10000x64xbf16, #tpu.memory_space<vmem_shared>>) target(%dma_start3A_179 : memref<128x64xbf16, #tpu.memory_space<vmem>>) offsets(%dma_start3A_182 : memref<128xi32, #tpu.memory_space<vmem>>) semaphore(%arg12 : memref<!tpu.dma_semaphore, #tpu.memory_space<semaphore_mem>>)
    %dma_start3A_186 = arith.constant 1 : i32
    %dma_start3A_187 = arith.constant 1 : i32
    %dma_start3A_188 = arith.constant 0 : i32
    %dma_start3A_189 = arith.constant 0 : i32
    %dma_start3A_190 = tpu.memref_slice %arg9[%dma_start3A_187, %dma_start3A_188, %dma_start3A_189] : memref<4x128x64xbf16, #tpu.memory_space<vmem>> -> memref<1x128x64xbf16, #tpu.memory_space<vmem>>
    %dma_start3A_191 = tpu.memref_squeeze %dma_start3A_190 : memref<1x128x64xbf16, #tpu.memory_space<vmem>> -> memref<128x64xbf16, #tpu.memory_space<vmem>>
    %dma_start3A_192 = arith.constant 0 : i32
    %dma_start3A_193 = tpu.memref_slice %arg7[%dma_start3A_186, %dma_start3A_192] : memref<40x128xi32, #tpu.memory_space<vmem>> -> memref<1x128xi32, #tpu.memory_space<vmem>>
    %dma_start3A_194 = tpu.memref_squeeze %dma_start3A_193 : memref<1x128xi32, #tpu.memory_space<vmem>> -> memref<128xi32, #tpu.memory_space<vmem>>
    %dma_start3A_195 = arith.constant 0 : i32
    %dma_start3A_196 = arith.constant 0 : i32
    %dma_start3A_197 = tpu.memref_slice %arg11[%dma_start3A_195, %dma_start3A_196] : memref<10000x64xbf16, #tpu.memory_space<vmem_shared>> -> memref<10000x64xbf16, #tpu.memory_space<vmem_shared>>
    tpu.enqueue_indirect_dma source(%dma_start3A_197 : memref<10000x64xbf16, #tpu.memory_space<vmem_shared>>) target(%dma_start3A_191 : memref<128x64xbf16, #tpu.memory_space<vmem>>) offsets(%dma_start3A_194 : memref<128xi32, #tpu.memory_space<vmem>>) semaphore(%arg13 : memref<!tpu.dma_semaphore, #tpu.memory_space<semaphore_mem>>)
    %dma_start3A_198 = arith.constant 2 : i32
    %dma_start3A_199 = arith.constant 2 : i32
    %dma_start3A_200 = arith.constant 0 : i32
    %dma_start3A_201 = arith.constant 0 : i32
    %dma_start3A_202 = tpu.memref_slice %arg9[%dma_start3A_199, %dma_start3A_200, %dma_start3A_201] : memref<4x128x64xbf16, #tpu.memory_space<vmem>> -> memref<1x128x64xbf16, #tpu.memory_space<vmem>>
    %dma_start3A_203 = tpu.memref_squeeze %dma_start3A_202 : memref<1x128x64xbf16, #tpu.memory_space<vmem>> -> memref<128x64xbf16, #tpu.memory_space<vmem>>
    %dma_start3A_204 = arith.constant 0 : i32
    %dma_start3A_205 = tpu.memref_slice %arg7[%dma_start3A_198, %dma_start3A_204] : memref<40x128xi32, #tpu.memory_space<vmem>> -> memref<1x128xi32, #tpu.memory_space<vmem>>
    %dma_start3A_206 = tpu.memref_squeeze %dma_start3A_205 : memref<1x128xi32, #tpu.memory_space<vmem>> -> memref<128xi32, #tpu.memory_space<vmem>>
    %dma_start3A_207 = arith.constant 0 : i32
    %dma_start3A_208 = arith.constant 0 : i32
    %dma_start3A_209 = tpu.memref_slice %arg11[%dma_start3A_207, %dma_start3A_208] : memref<10000x64xbf16, #tpu.memory_space<vmem_shared>> -> memref<10000x64xbf16, #tpu.memory_space<vmem_shared>>
    tpu.enqueue_indirect_dma source(%dma_start3A_209 : memref<10000x64xbf16, #tpu.memory_space<vmem_shared>>) target(%dma_start3A_203 : memref<128x64xbf16, #tpu.memory_space<vmem>>) offsets(%dma_start3A_206 : memref<128xi32, #tpu.memory_space<vmem>>) semaphore(%arg14 : memref<!tpu.dma_semaphore, #tpu.memory_space<semaphore_mem>>)
    %dma_start3A_210 = arith.constant 3 : i32
    %dma_start3A_211 = arith.constant 3 : i32
    %dma_start3A_212 = arith.constant 0 : i32
    %dma_start3A_213 = arith.constant 0 : i32
    %dma_start3A_214 = tpu.memref_slice %arg9[%dma_start3A_211, %dma_start3A_212, %dma_start3A_213] : memref<4x128x64xbf16, #tpu.memory_space<vmem>> -> memref<1x128x64xbf16, #tpu.memory_space<vmem>>
    %dma_start3A_215 = tpu.memref_squeeze %dma_start3A_214 : memref<1x128x64xbf16, #tpu.memory_space<vmem>> -> memref<128x64xbf16, #tpu.memory_space<vmem>>
    %dma_start3A_216 = arith.constant 0 : i32
    %dma_start3A_217 = tpu.memref_slice %arg7[%dma_start3A_210, %dma_start3A_216] : memref<40x128xi32, #tpu.memory_space<vmem>> -> memref<1x128xi32, #tpu.memory_space<vmem>>
    %dma_start3A_218 = tpu.memref_squeeze %dma_start3A_217 : memref<1x128xi32, #tpu.memory_space<vmem>> -> memref<128xi32, #tpu.memory_space<vmem>>
    %dma_start3A_219 = arith.constant 0 : i32
    %dma_start3A_220 = arith.constant 0 : i32
    %dma_start3A_221 = tpu.memref_slice %arg11[%dma_start3A_219, %dma_start3A_220] : memref<10000x64xbf16, #tpu.memory_space<vmem_shared>> -> memref<10000x64xbf16, #tpu.memory_space<vmem_shared>>
    tpu.enqueue_indirect_dma source(%dma_start3A_221 : memref<10000x64xbf16, #tpu.memory_space<vmem_shared>>) target(%dma_start3A_215 : memref<128x64xbf16, #tpu.memory_space<vmem>>) offsets(%dma_start3A_218 : memref<128xi32, #tpu.memory_space<vmem>>) semaphore(%arg15 : memref<!tpu.dma_semaphore, #tpu.memory_space<semaphore_mem>>)
    %scan3A_222 = arith.constant 0 : i32
    %scan3A_223 = arith.constant 0 : i32
    %scan3A_224 = arith.constant 10 : i32
    %scan3A_225 = arith.addi %scan3A_223, %scan3A_224 : i32
    %scan3A_226 = arith.constant 1 : i32
    scf.for %scan3A_235 = %scan3A_223 to %scan3A_225 step %scan3A_226  : i32 {
      %mul3A_236 = arith.constant 4 : i32
      %mul3A_237 = arith.muli %mul3A_236, %scan3A_235 : i32
      %add3A = arith.constant 0 : i32
      %add3A_238 = arith.addi %mul3A_237, %add3A : i32
      %dma_wait3A = arith.constant 0 : i32
      %dma_wait3A_239 = arith.constant 0 : i32
      %dma_wait3A_240 = arith.constant 0 : i32
      %dma_wait3A_241 = tpu.memref_slice %arg9[%dma_wait3A, %dma_wait3A_239, %dma_wait3A_240] : memref<4x128x64xbf16, #tpu.memory_space<vmem>> -> memref<1x128x64xbf16, #tpu.memory_space<vmem>>
      %dma_wait3A_242 = tpu.memref_squeeze %dma_wait3A_241 : memref<1x128x64xbf16, #tpu.memory_space<vmem>> -> memref<128x64xbf16, #tpu.memory_space<vmem>>
      %dma_wait3A_243 = arith.constant 0 : i32
      %dma_wait3A_244 = tpu.memref_slice %arg7[%add3A_238, %dma_wait3A_243] : memref<40x128xi32, #tpu.memory_space<vmem>> -> memref<1x128xi32, #tpu.memory_space<vmem>>
      %dma_wait3A_245 = tpu.memref_squeeze %dma_wait3A_244 : memref<1x128xi32, #tpu.memory_space<vmem>> -> memref<128xi32, #tpu.memory_space<vmem>>
      %dma_wait3A_246 = arith.constant 0 : i32
      %dma_wait3A_247 = arith.constant 0 : i32
      %dma_wait3A_248 = tpu.memref_slice %arg11[%dma_wait3A_246, %dma_wait3A_247] : memref<10000x64xbf16, #tpu.memory_space<vmem_shared>> -> memref<10000x64xbf16, #tpu.memory_space<vmem_shared>>
      tpu.wait_indirect_dma semaphore(%arg12 : memref<!tpu.dma_semaphore, #tpu.memory_space<semaphore_mem>>) src(%dma_wait3A_248 : memref<10000x64xbf16, #tpu.memory_space<vmem_shared>>) dst(%dma_wait3A_242 : memref<128x64xbf16, #tpu.memory_space<vmem>>)
      %add3A_249 = arith.constant 0 : i32
      %add3A_250 = arith.addi %mul3A_237, %add3A_249 : i32
      %run_scoped3A_251 = arith.constant 0 : i32
      "tpu.region"() ({
        %run_scoped3A_333 = tpu.sem_alloc : memref<!tpu.dma_semaphore, #tpu.memory_space<semaphore_mem>>
        %dma_start3A_334 = arith.constant 0 : i32
        %dma_start3A_335 = arith.constant 0 : i32
        %dma_start3A_336 = tpu.memref_slice %arg9[%run_scoped3A_251, %dma_start3A_334, %dma_start3A_335] : memref<4x128x64xbf16, #tpu.memory_space<vmem>> -> memref<1x128x64xbf16, #tpu.memory_space<vmem>>
        %dma_start3A_337 = tpu.memref_squeeze %dma_start3A_336 : memref<1x128x64xbf16, #tpu.memory_space<vmem>> -> memref<128x64xbf16, #tpu.memory_space<vmem>>
        %dma_start3A_338 = arith.constant 0 : i32
        %dma_start3A_339 = tpu.memref_slice %arg8[%add3A_250, %dma_start3A_338] : memref<40x128xi32, #tpu.memory_space<vmem>> -> memref<1x128xi32, #tpu.memory_space<vmem>>
        %dma_start3A_340 = tpu.memref_squeeze %dma_start3A_339 : memref<1x128xi32, #tpu.memory_space<vmem>> -> memref<128xi32, #tpu.memory_space<vmem>>
        %dma_start3A_341 = arith.constant 0 : i32
        %dma_start3A_342 = arith.constant 0 : i32
        %dma_start3A_343 = tpu.memref_slice %arg10[%dma_start3A_341, %dma_start3A_342] : memref<40448x64xbf16, #tpu.memory_space<vmem_shared>> -> memref<40448x64xbf16, #tpu.memory_space<vmem_shared>>
        tpu.enqueue_indirect_dma source(%dma_start3A_337 : memref<128x64xbf16, #tpu.memory_space<vmem>>) target(%dma_start3A_343 : memref<40448x64xbf16, #tpu.memory_space<vmem_shared>>) offsets(%dma_start3A_340 : memref<128xi32, #tpu.memory_space<vmem>>) semaphore(%run_scoped3A_333 : memref<!tpu.dma_semaphore, #tpu.memory_space<semaphore_mem>>) {add = true}
        %dma_wait3A_344 = arith.constant 0 : i32
        %dma_wait3A_345 = arith.constant 0 : i32
        %dma_wait3A_346 = tpu.memref_slice %arg9[%run_scoped3A_251, %dma_wait3A_344, %dma_wait3A_345] : memref<4x128x64xbf16, #tpu.memory_space<vmem>> -> memref<1x128x64xbf16, #tpu.memory_space<vmem>>
        %dma_wait3A_347 = tpu.memref_squeeze %dma_wait3A_346 : memref<1x128x64xbf16, #tpu.memory_space<vmem>> -> memref<128x64xbf16, #tpu.memory_space<vmem>>
        %dma_wait3A_348 = arith.constant 0 : i32
        %dma_wait3A_349 = tpu.memref_slice %arg8[%add3A_250, %dma_wait3A_348] : memref<40x128xi32, #tpu.memory_space<vmem>> -> memref<1x128xi32, #tpu.memory_space<vmem>>
        %dma_wait3A_350 = tpu.memref_squeeze %dma_wait3A_349 : memref<1x128xi32, #tpu.memory_space<vmem>> -> memref<128xi32, #tpu.memory_space<vmem>>
        %dma_wait3A_351 = arith.constant 0 : i32
        %dma_wait3A_352 = arith.constant 0 : i32
        %dma_wait3A_353 = tpu.memref_slice %arg10[%dma_wait3A_351, %dma_wait3A_352] : memref<40448x64xbf16, #tpu.memory_space<vmem_shared>> -> memref<40448x64xbf16, #tpu.memory_space<vmem_shared>>
        tpu.wait_indirect_dma semaphore(%run_scoped3A_333 : memref<!tpu.dma_semaphore, #tpu.memory_space<semaphore_mem>>) src(%dma_wait3A_347 : memref<128x64xbf16, #tpu.memory_space<vmem>>) dst(%dma_wait3A_353 : memref<40448x64xbf16, #tpu.memory_space<vmem_shared>>)
        tpu.yield
      }) : () -> ()
      %add3A_252 = arith.constant 0 : i32
      %add3A_253 = arith.addi %mul3A_237, %add3A_252 : i32
      %add3A_254 = arith.constant 4 : i32
      %add3A_255 = arith.addi %add3A_253, %add3A_254 : i32
      %lt3A = arith.constant 40 : i32
      %lt3A_256 = arith.cmpi slt, %add3A_255, %lt3A : i32
      %convert_element_type3A = arith.extui %lt3A_256 : i1 to i32
      %cond3A = arith.constant 0 : i32
      %cond3A_257 = arith.cmpi ne, %convert_element_type3A, %cond3A : i32
      scf.if %cond3A_257 {
        %add3A_333 = arith.constant 0 : i32
        %add3A_334 = arith.addi %mul3A_237, %add3A_333 : i32
        %add3A_335 = arith.constant 4 : i32
        %add3A_336 = arith.addi %add3A_334, %add3A_335 : i32
        %dma_start3A_337 = arith.constant 0 : i32
        %dma_start3A_338 = arith.constant 0 : i32
        %dma_start3A_339 = arith.constant 0 : i32
        %dma_start3A_340 = tpu.memref_slice %arg9[%dma_start3A_337, %dma_start3A_338, %dma_start3A_339] : memref<4x128x64xbf16, #tpu.memory_space<vmem>> -> memref<1x128x64xbf16, #tpu.memory_space<vmem>>
        %dma_start3A_341 = tpu.memref_squeeze %dma_start3A_340 : memref<1x128x64xbf16, #tpu.memory_space<vmem>> -> memref<128x64xbf16, #tpu.memory_space<vmem>>
        %dma_start3A_342 = arith.constant 0 : i32
        %dma_start3A_343 = tpu.memref_slice %arg7[%add3A_336, %dma_start3A_342] : memref<40x128xi32, #tpu.memory_space<vmem>> -> memref<1x128xi32, #tpu.memory_space<vmem>>
        %dma_start3A_344 = tpu.memref_squeeze %dma_start3A_343 : memref<1x128xi32, #tpu.memory_space<vmem>> -> memref<128xi32, #tpu.memory_space<vmem>>
        %dma_start3A_345 = arith.constant 0 : i32
        %dma_start3A_346 = arith.constant 0 : i32
        %dma_start3A_347 = tpu.memref_slice %arg11[%dma_start3A_345, %dma_start3A_346] : memref<10000x64xbf16, #tpu.memory_space<vmem_shared>> -> memref<10000x64xbf16, #tpu.memory_space<vmem_shared>>
        tpu.enqueue_indirect_dma source(%dma_start3A_347 : memref<10000x64xbf16, #tpu.memory_space<vmem_shared>>) target(%dma_start3A_341 : memref<128x64xbf16, #tpu.memory_space<vmem>>) offsets(%dma_start3A_344 : memref<128xi32, #tpu.memory_space<vmem>>) semaphore(%arg12 : memref<!tpu.dma_semaphore, #tpu.memory_space<semaphore_mem>>)
      } else {
      }
      %add3A_258 = arith.constant 1 : i32
      %add3A_259 = arith.addi %mul3A_237, %add3A_258 : i32
      %dma_wait3A_260 = arith.constant 1 : i32
      %dma_wait3A_261 = arith.constant 0 : i32
      %dma_wait3A_262 = arith.constant 0 : i32
      %dma_wait3A_263 = tpu.memref_slice %arg9[%dma_wait3A_260, %dma_wait3A_261, %dma_wait3A_262] : memref<4x128x64xbf16, #tpu.memory_space<vmem>> -> memref<1x128x64xbf16, #tpu.memory_space<vmem>>
      %dma_wait3A_264 = tpu.memref_squeeze %dma_wait3A_263 : memref<1x128x64xbf16, #tpu.memory_space<vmem>> -> memref<128x64xbf16, #tpu.memory_space<vmem>>
      %dma_wait3A_265 = arith.constant 0 : i32
      %dma_wait3A_266 = tpu.memref_slice %arg7[%add3A_259, %dma_wait3A_265] : memref<40x128xi32, #tpu.memory_space<vmem>> -> memref<1x128xi32, #tpu.memory_space<vmem>>
      %dma_wait3A_267 = tpu.memref_squeeze %dma_wait3A_266 : memref<1x128xi32, #tpu.memory_space<vmem>> -> memref<128xi32, #tpu.memory_space<vmem>>
      %dma_wait3A_268 = arith.constant 0 : i32
      %dma_wait3A_269 = arith.constant 0 : i32
      %dma_wait3A_270 = tpu.memref_slice %arg11[%dma_wait3A_268, %dma_wait3A_269] : memref<10000x64xbf16, #tpu.memory_space<vmem_shared>> -> memref<10000x64xbf16, #tpu.memory_space<vmem_shared>>
      tpu.wait_indirect_dma semaphore(%arg13 : memref<!tpu.dma_semaphore, #tpu.memory_space<semaphore_mem>>) src(%dma_wait3A_270 : memref<10000x64xbf16, #tpu.memory_space<vmem_shared>>) dst(%dma_wait3A_264 : memref<128x64xbf16, #tpu.memory_space<vmem>>)
      %add3A_271 = arith.constant 1 : i32
      %add3A_272 = arith.addi %mul3A_237, %add3A_271 : i32
      %run_scoped3A_273 = arith.constant 1 : i32
      "tpu.region"() ({
        %run_scoped3A_333 = tpu.sem_alloc : memref<!tpu.dma_semaphore, #tpu.memory_space<semaphore_mem>>
        %dma_start3A_334 = arith.constant 0 : i32
        %dma_start3A_335 = arith.constant 0 : i32
        %dma_start3A_336 = tpu.memref_slice %arg9[%run_scoped3A_273, %dma_start3A_334, %dma_start3A_335] : memref<4x128x64xbf16, #tpu.memory_space<vmem>> -> memref<1x128x64xbf16, #tpu.memory_space<vmem>>
        %dma_start3A_337 = tpu.memref_squeeze %dma_start3A_336 : memref<1x128x64xbf16, #tpu.memory_space<vmem>> -> memref<128x64xbf16, #tpu.memory_space<vmem>>
        %dma_start3A_338 = arith.constant 0 : i32
        %dma_start3A_339 = tpu.memref_slice %arg8[%add3A_272, %dma_start3A_338] : memref<40x128xi32, #tpu.memory_space<vmem>> -> memref<1x128xi32, #tpu.memory_space<vmem>>
        %dma_start3A_340 = tpu.memref_squeeze %dma_start3A_339 : memref<1x128xi32, #tpu.memory_space<vmem>> -> memref<128xi32, #tpu.memory_space<vmem>>
        %dma_start3A_341 = arith.constant 0 : i32
        %dma_start3A_342 = arith.constant 0 : i32
        %dma_start3A_343 = tpu.memref_slice %arg10[%dma_start3A_341, %dma_start3A_342] : memref<40448x64xbf16, #tpu.memory_space<vmem_shared>> -> memref<40448x64xbf16, #tpu.memory_space<vmem_shared>>
        tpu.enqueue_indirect_dma source(%dma_start3A_337 : memref<128x64xbf16, #tpu.memory_space<vmem>>) target(%dma_start3A_343 : memref<40448x64xbf16, #tpu.memory_space<vmem_shared>>) offsets(%dma_start3A_340 : memref<128xi32, #tpu.memory_space<vmem>>) semaphore(%run_scoped3A_333 : memref<!tpu.dma_semaphore, #tpu.memory_space<semaphore_mem>>) {add = true}
        %dma_wait3A_344 = arith.constant 0 : i32
        %dma_wait3A_345 = arith.constant 0 : i32
        %dma_wait3A_346 = tpu.memref_slice %arg9[%run_scoped3A_273, %dma_wait3A_344, %dma_wait3A_345] : memref<4x128x64xbf16, #tpu.memory_space<vmem>> -> memref<1x128x64xbf16, #tpu.memory_space<vmem>>
        %dma_wait3A_347 = tpu.memref_squeeze %dma_wait3A_346 : memref<1x128x64xbf16, #tpu.memory_space<vmem>> -> memref<128x64xbf16, #tpu.memory_space<vmem>>
        %dma_wait3A_348 = arith.constant 0 : i32
        %dma_wait3A_349 = tpu.memref_slice %arg8[%add3A_272, %dma_wait3A_348] : memref<40x128xi32, #tpu.memory_space<vmem>> -> memref<1x128xi32, #tpu.memory_space<vmem>>
        %dma_wait3A_350 = tpu.memref_squeeze %dma_wait3A_349 : memref<1x128xi32, #tpu.memory_space<vmem>> -> memref<128xi32, #tpu.memory_space<vmem>>
        %dma_wait3A_351 = arith.constant 0 : i32
        %dma_wait3A_352 = arith.constant 0 : i32
        %dma_wait3A_353 = tpu.memref_slice %arg10[%dma_wait3A_351, %dma_wait3A_352] : memref<40448x64xbf16, #tpu.memory_space<vmem_shared>> -> memref<40448x64xbf16, #tpu.memory_space<vmem_shared>>
        tpu.wait_indirect_dma semaphore(%run_scoped3A_333 : memref<!tpu.dma_semaphore, #tpu.memory_space<semaphore_mem>>) src(%dma_wait3A_347 : memref<128x64xbf16, #tpu.memory_space<vmem>>) dst(%dma_wait3A_353 : memref<40448x64xbf16, #tpu.memory_space<vmem_shared>>)
        tpu.yield
      }) : () -> ()
      %add3A_274 = arith.constant 1 : i32
      %add3A_275 = arith.addi %mul3A_237, %add3A_274 : i32
      %add3A_276 = arith.constant 4 : i32
      %add3A_277 = arith.addi %add3A_275, %add3A_276 : i32
      %lt3A_278 = arith.constant 40 : i32
      %lt3A_279 = arith.cmpi slt, %add3A_277, %lt3A_278 : i32
      %convert_element_type3A_280 = arith.extui %lt3A_279 : i1 to i32
      %cond3A_281 = arith.constant 0 : i32
      %cond3A_282 = arith.cmpi ne, %convert_element_type3A_280, %cond3A_281 : i32
      scf.if %cond3A_282 {
        %add3A_333 = arith.constant 1 : i32
        %add3A_334 = arith.addi %mul3A_237, %add3A_333 : i32
        %add3A_335 = arith.constant 4 : i32
        %add3A_336 = arith.addi %add3A_334, %add3A_335 : i32
        %dma_start3A_337 = arith.constant 1 : i32
        %dma_start3A_338 = arith.constant 0 : i32
        %dma_start3A_339 = arith.constant 0 : i32
        %dma_start3A_340 = tpu.memref_slice %arg9[%dma_start3A_337, %dma_start3A_338, %dma_start3A_339] : memref<4x128x64xbf16, #tpu.memory_space<vmem>> -> memref<1x128x64xbf16, #tpu.memory_space<vmem>>
        %dma_start3A_341 = tpu.memref_squeeze %dma_start3A_340 : memref<1x128x64xbf16, #tpu.memory_space<vmem>> -> memref<128x64xbf16, #tpu.memory_space<vmem>>
        %dma_start3A_342 = arith.constant 0 : i32
        %dma_start3A_343 = tpu.memref_slice %arg7[%add3A_336, %dma_start3A_342] : memref<40x128xi32, #tpu.memory_space<vmem>> -> memref<1x128xi32, #tpu.memory_space<vmem>>
        %dma_start3A_344 = tpu.memref_squeeze %dma_start3A_343 : memref<1x128xi32, #tpu.memory_space<vmem>> -> memref<128xi32, #tpu.memory_space<vmem>>
        %dma_start3A_345 = arith.constant 0 : i32
        %dma_start3A_346 = arith.constant 0 : i32
        %dma_start3A_347 = tpu.memref_slice %arg11[%dma_start3A_345, %dma_start3A_346] : memref<10000x64xbf16, #tpu.memory_space<vmem_shared>> -> memref<10000x64xbf16, #tpu.memory_space<vmem_shared>>
        tpu.enqueue_indirect_dma source(%dma_start3A_347 : memref<10000x64xbf16, #tpu.memory_space<vmem_shared>>) target(%dma_start3A_341 : memref<128x64xbf16, #tpu.memory_space<vmem>>) offsets(%dma_start3A_344 : memref<128xi32, #tpu.memory_space<vmem>>) semaphore(%arg13 : memref<!tpu.dma_semaphore, #tpu.memory_space<semaphore_mem>>)
      } else {
      }
      %add3A_283 = arith.constant 2 : i32
      %add3A_284 = arith.addi %mul3A_237, %add3A_283 : i32
      %dma_wait3A_285 = arith.constant 2 : i32
      %dma_wait3A_286 = arith.constant 0 : i32
      %dma_wait3A_287 = arith.constant 0 : i32
      %dma_wait3A_288 = tpu.memref_slice %arg9[%dma_wait3A_285, %dma_wait3A_286, %dma_wait3A_287] : memref<4x128x64xbf16, #tpu.memory_space<vmem>> -> memref<1x128x64xbf16, #tpu.memory_space<vmem>>
      %dma_wait3A_289 = tpu.memref_squeeze %dma_wait3A_288 : memref<1x128x64xbf16, #tpu.memory_space<vmem>> -> memref<128x64xbf16, #tpu.memory_space<vmem>>
      %dma_wait3A_290 = arith.constant 0 : i32
      %dma_wait3A_291 = tpu.memref_slice %arg7[%add3A_284, %dma_wait3A_290] : memref<40x128xi32, #tpu.memory_space<vmem>> -> memref<1x128xi32, #tpu.memory_space<vmem>>
      %dma_wait3A_292 = tpu.memref_squeeze %dma_wait3A_291 : memref<1x128xi32, #tpu.memory_space<vmem>> -> memref<128xi32, #tpu.memory_space<vmem>>
      %dma_wait3A_293 = arith.constant 0 : i32
      %dma_wait3A_294 = arith.constant 0 : i32
      %dma_wait3A_295 = tpu.memref_slice %arg11[%dma_wait3A_293, %dma_wait3A_294] : memref<10000x64xbf16, #tpu.memory_space<vmem_shared>> -> memref<10000x64xbf16, #tpu.memory_space<vmem_shared>>
      tpu.wait_indirect_dma semaphore(%arg14 : memref<!tpu.dma_semaphore, #tpu.memory_space<semaphore_mem>>) src(%dma_wait3A_295 : memref<10000x64xbf16, #tpu.memory_space<vmem_shared>>) dst(%dma_wait3A_289 : memref<128x64xbf16, #tpu.memory_space<vmem>>)
      %add3A_296 = arith.constant 2 : i32
      %add3A_297 = arith.addi %mul3A_237, %add3A_296 : i32
      %run_scoped3A_298 = arith.constant 2 : i32
      "tpu.region"() ({
        %run_scoped3A_333 = tpu.sem_alloc : memref<!tpu.dma_semaphore, #tpu.memory_space<semaphore_mem>>
        %dma_start3A_334 = arith.constant 0 : i32
        %dma_start3A_335 = arith.constant 0 : i32
        %dma_start3A_336 = tpu.memref_slice %arg9[%run_scoped3A_298, %dma_start3A_334, %dma_start3A_335] : memref<4x128x64xbf16, #tpu.memory_space<vmem>> -> memref<1x128x64xbf16, #tpu.memory_space<vmem>>
        %dma_start3A_337 = tpu.memref_squeeze %dma_start3A_336 : memref<1x128x64xbf16, #tpu.memory_space<vmem>> -> memref<128x64xbf16, #tpu.memory_space<vmem>>
        %dma_start3A_338 = arith.constant 0 : i32
        %dma_start3A_339 = tpu.memref_slice %arg8[%add3A_297, %dma_start3A_338] : memref<40x128xi32, #tpu.memory_space<vmem>> -> memref<1x128xi32, #tpu.memory_space<vmem>>
        %dma_start3A_340 = tpu.memref_squeeze %dma_start3A_339 : memref<1x128xi32, #tpu.memory_space<vmem>> -> memref<128xi32, #tpu.memory_space<vmem>>
        %dma_start3A_341 = arith.constant 0 : i32
        %dma_start3A_342 = arith.constant 0 : i32
        %dma_start3A_343 = tpu.memref_slice %arg10[%dma_start3A_341, %dma_start3A_342] : memref<40448x64xbf16, #tpu.memory_space<vmem_shared>> -> memref<40448x64xbf16, #tpu.memory_space<vmem_shared>>
        tpu.enqueue_indirect_dma source(%dma_start3A_337 : memref<128x64xbf16, #tpu.memory_space<vmem>>) target(%dma_start3A_343 : memref<40448x64xbf16, #tpu.memory_space<vmem_shared>>) offsets(%dma_start3A_340 : memref<128xi32, #tpu.memory_space<vmem>>) semaphore(%run_scoped3A_333 : memref<!tpu.dma_semaphore, #tpu.memory_space<semaphore_mem>>) {add = true}
        %dma_wait3A_344 = arith.constant 0 : i32
        %dma_wait3A_345 = arith.constant 0 : i32
        %dma_wait3A_346 = tpu.memref_slice %arg9[%run_scoped3A_298, %dma_wait3A_344, %dma_wait3A_345] : memref<4x128x64xbf16, #tpu.memory_space<vmem>> -> memref<1x128x64xbf16, #tpu.memory_space<vmem>>
        %dma_wait3A_347 = tpu.memref_squeeze %dma_wait3A_346 : memref<1x128x64xbf16, #tpu.memory_space<vmem>> -> memref<128x64xbf16, #tpu.memory_space<vmem>>
        %dma_wait3A_348 = arith.constant 0 : i32
        %dma_wait3A_349 = tpu.memref_slice %arg8[%add3A_297, %dma_wait3A_348] : memref<40x128xi32, #tpu.memory_space<vmem>> -> memref<1x128xi32, #tpu.memory_space<vmem>>
        %dma_wait3A_350 = tpu.memref_squeeze %dma_wait3A_349 : memref<1x128xi32, #tpu.memory_space<vmem>> -> memref<128xi32, #tpu.memory_space<vmem>>
        %dma_wait3A_351 = arith.constant 0 : i32
        %dma_wait3A_352 = arith.constant 0 : i32
        %dma_wait3A_353 = tpu.memref_slice %arg10[%dma_wait3A_351, %dma_wait3A_352] : memref<40448x64xbf16, #tpu.memory_space<vmem_shared>> -> memref<40448x64xbf16, #tpu.memory_space<vmem_shared>>
        tpu.wait_indirect_dma semaphore(%run_scoped3A_333 : memref<!tpu.dma_semaphore, #tpu.memory_space<semaphore_mem>>) src(%dma_wait3A_347 : memref<128x64xbf16, #tpu.memory_space<vmem>>) dst(%dma_wait3A_353 : memref<40448x64xbf16, #tpu.memory_space<vmem_shared>>)
        tpu.yield
      }) : () -> ()
      %add3A_299 = arith.constant 2 : i32
      %add3A_300 = arith.addi %mul3A_237, %add3A_299 : i32
      %add3A_301 = arith.constant 4 : i32
      %add3A_302 = arith.addi %add3A_300, %add3A_301 : i32
      %lt3A_303 = arith.constant 40 : i32
      %lt3A_304 = arith.cmpi slt, %add3A_302, %lt3A_303 : i32
      %convert_element_type3A_305 = arith.extui %lt3A_304 : i1 to i32
      %cond3A_306 = arith.constant 0 : i32
      %cond3A_307 = arith.cmpi ne, %convert_element_type3A_305, %cond3A_306 : i32
      scf.if %cond3A_307 {
        %add3A_333 = arith.constant 2 : i32
        %add3A_334 = arith.addi %mul3A_237, %add3A_333 : i32
        %add3A_335 = arith.constant 4 : i32
        %add3A_336 = arith.addi %add3A_334, %add3A_335 : i32
        %dma_start3A_337 = arith.constant 2 : i32
        %dma_start3A_338 = arith.constant 0 : i32
        %dma_start3A_339 = arith.constant 0 : i32
        %dma_start3A_340 = tpu.memref_slice %arg9[%dma_start3A_337, %dma_start3A_338, %dma_start3A_339] : memref<4x128x64xbf16, #tpu.memory_space<vmem>> -> memref<1x128x64xbf16, #tpu.memory_space<vmem>>
        %dma_start3A_341 = tpu.memref_squeeze %dma_start3A_340 : memref<1x128x64xbf16, #tpu.memory_space<vmem>> -> memref<128x64xbf16, #tpu.memory_space<vmem>>
        %dma_start3A_342 = arith.constant 0 : i32
        %dma_start3A_343 = tpu.memref_slice %arg7[%add3A_336, %dma_start3A_342] : memref<40x128xi32, #tpu.memory_space<vmem>> -> memref<1x128xi32, #tpu.memory_space<vmem>>
        %dma_start3A_344 = tpu.memref_squeeze %dma_start3A_343 : memref<1x128xi32, #tpu.memory_space<vmem>> -> memref<128xi32, #tpu.memory_space<vmem>>
        %dma_start3A_345 = arith.constant 0 : i32
        %dma_start3A_346 = arith.constant 0 : i32
        %dma_start3A_347 = tpu.memref_slice %arg11[%dma_start3A_345, %dma_start3A_346] : memref<10000x64xbf16, #tpu.memory_space<vmem_shared>> -> memref<10000x64xbf16, #tpu.memory_space<vmem_shared>>
        tpu.enqueue_indirect_dma source(%dma_start3A_347 : memref<10000x64xbf16, #tpu.memory_space<vmem_shared>>) target(%dma_start3A_341 : memref<128x64xbf16, #tpu.memory_space<vmem>>) offsets(%dma_start3A_344 : memref<128xi32, #tpu.memory_space<vmem>>) semaphore(%arg14 : memref<!tpu.dma_semaphore, #tpu.memory_space<semaphore_mem>>)
      } else {
      }
      %add3A_308 = arith.constant 3 : i32
      %add3A_309 = arith.addi %mul3A_237, %add3A_308 : i32
      %dma_wait3A_310 = arith.constant 3 : i32
      %dma_wait3A_311 = arith.constant 0 : i32
      %dma_wait3A_312 = arith.constant 0 : i32
      %dma_wait3A_313 = tpu.memref_slice %arg9[%dma_wait3A_310, %dma_wait3A_311, %dma_wait3A_312] : memref<4x128x64xbf16, #tpu.memory_space<vmem>> -> memref<1x128x64xbf16, #tpu.memory_space<vmem>>
      %dma_wait3A_314 = tpu.memref_squeeze %dma_wait3A_313 : memref<1x128x64xbf16, #tpu.memory_space<vmem>> -> memref<128x64xbf16, #tpu.memory_space<vmem>>
      %dma_wait3A_315 = arith.constant 0 : i32
      %dma_wait3A_316 = tpu.memref_slice %arg7[%add3A_309, %dma_wait3A_315] : memref<40x128xi32, #tpu.memory_space<vmem>> -> memref<1x128xi32, #tpu.memory_space<vmem>>
      %dma_wait3A_317 = tpu.memref_squeeze %dma_wait3A_316 : memref<1x128xi32, #tpu.memory_space<vmem>> -> memref<128xi32, #tpu.memory_space<vmem>>
      %dma_wait3A_318 = arith.constant 0 : i32
      %dma_wait3A_319 = arith.constant 0 : i32
      %dma_wait3A_320 = tpu.memref_slice %arg11[%dma_wait3A_318, %dma_wait3A_319] : memref<10000x64xbf16, #tpu.memory_space<vmem_shared>> -> memref<10000x64xbf16, #tpu.memory_space<vmem_shared>>
      tpu.wait_indirect_dma semaphore(%arg15 : memref<!tpu.dma_semaphore, #tpu.memory_space<semaphore_mem>>) src(%dma_wait3A_320 : memref<10000x64xbf16, #tpu.memory_space<vmem_shared>>) dst(%dma_wait3A_314 : memref<128x64xbf16, #tpu.memory_space<vmem>>)
      %add3A_321 = arith.constant 3 : i32
      %add3A_322 = arith.addi %mul3A_237, %add3A_321 : i32
      %run_scoped3A_323 = arith.constant 3 : i32
      "tpu.region"() ({
        %run_scoped3A_333 = tpu.sem_alloc : memref<!tpu.dma_semaphore, #tpu.memory_space<semaphore_mem>>
        %dma_start3A_334 = arith.constant 0 : i32
        %dma_start3A_335 = arith.constant 0 : i32
        %dma_start3A_336 = tpu.memref_slice %arg9[%run_scoped3A_323, %dma_start3A_334, %dma_start3A_335] : memref<4x128x64xbf16, #tpu.memory_space<vmem>> -> memref<1x128x64xbf16, #tpu.memory_space<vmem>>
        %dma_start3A_337 = tpu.memref_squeeze %dma_start3A_336 : memref<1x128x64xbf16, #tpu.memory_space<vmem>> -> memref<128x64xbf16, #tpu.memory_space<vmem>>
        %dma_start3A_338 = arith.constant 0 : i32
        %dma_start3A_339 = tpu.memref_slice %arg8[%add3A_322, %dma_start3A_338] : memref<40x128xi32, #tpu.memory_space<vmem>> -> memref<1x128xi32, #tpu.memory_space<vmem>>
        %dma_start3A_340 = tpu.memref_squeeze %dma_start3A_339 : memref<1x128xi32, #tpu.memory_space<vmem>> -> memref<128xi32, #tpu.memory_space<vmem>>
        %dma_start3A_341 = arith.constant 0 : i32
        %dma_start3A_342 = arith.constant 0 : i32
        %dma_start3A_343 = tpu.memref_slice %arg10[%dma_start3A_341, %dma_start3A_342] : memref<40448x64xbf16, #tpu.memory_space<vmem_shared>> -> memref<40448x64xbf16, #tpu.memory_space<vmem_shared>>
        tpu.enqueue_indirect_dma source(%dma_start3A_337 : memref<128x64xbf16, #tpu.memory_space<vmem>>) target(%dma_start3A_343 : memref<40448x64xbf16, #tpu.memory_space<vmem_shared>>) offsets(%dma_start3A_340 : memref<128xi32, #tpu.memory_space<vmem>>) semaphore(%run_scoped3A_333 : memref<!tpu.dma_semaphore, #tpu.memory_space<semaphore_mem>>) {add = true}
        %dma_wait3A_344 = arith.constant 0 : i32
        %dma_wait3A_345 = arith.constant 0 : i32
        %dma_wait3A_346 = tpu.memref_slice %arg9[%run_scoped3A_323, %dma_wait3A_344, %dma_wait3A_345] : memref<4x128x64xbf16, #tpu.memory_space<vmem>> -> memref<1x128x64xbf16, #tpu.memory_space<vmem>>
        %dma_wait3A_347 = tpu.memref_squeeze %dma_wait3A_346 : memref<1x128x64xbf16, #tpu.memory_space<vmem>> -> memref<128x64xbf16, #tpu.memory_space<vmem>>
        %dma_wait3A_348 = arith.constant 0 : i32
        %dma_wait3A_349 = tpu.memref_slice %arg8[%add3A_322, %dma_wait3A_348] : memref<40x128xi32, #tpu.memory_space<vmem>> -> memref<1x128xi32, #tpu.memory_space<vmem>>
        %dma_wait3A_350 = tpu.memref_squeeze %dma_wait3A_349 : memref<1x128xi32, #tpu.memory_space<vmem>> -> memref<128xi32, #tpu.memory_space<vmem>>
        %dma_wait3A_351 = arith.constant 0 : i32
        %dma_wait3A_352 = arith.constant 0 : i32
        %dma_wait3A_353 = tpu.memref_slice %arg10[%dma_wait3A_351, %dma_wait3A_352] : memref<40448x64xbf16, #tpu.memory_space<vmem_shared>> -> memref<40448x64xbf16, #tpu.memory_space<vmem_shared>>
        tpu.wait_indirect_dma semaphore(%run_scoped3A_333 : memref<!tpu.dma_semaphore, #tpu.memory_space<semaphore_mem>>) src(%dma_wait3A_347 : memref<128x64xbf16, #tpu.memory_space<vmem>>) dst(%dma_wait3A_353 : memref<40448x64xbf16, #tpu.memory_space<vmem_shared>>)
        tpu.yield
      }) : () -> ()
      %add3A_324 = arith.constant 3 : i32
      %add3A_325 = arith.addi %mul3A_237, %add3A_324 : i32
      %add3A_326 = arith.constant 4 : i32
      %add3A_327 = arith.addi %add3A_325, %add3A_326 : i32
      %lt3A_328 = arith.constant 40 : i32
      %lt3A_329 = arith.cmpi slt, %add3A_327, %lt3A_328 : i32
      %convert_element_type3A_330 = arith.extui %lt3A_329 : i1 to i32
      %cond3A_331 = arith.constant 0 : i32
      %cond3A_332 = arith.cmpi ne, %convert_element_type3A_330, %cond3A_331 : i32
      scf.if %cond3A_332 {
        %add3A_333 = arith.constant 3 : i32
        %add3A_334 = arith.addi %mul3A_237, %add3A_333 : i32
        %add3A_335 = arith.constant 4 : i32
        %add3A_336 = arith.addi %add3A_334, %add3A_335 : i32
        %dma_start3A_337 = arith.constant 3 : i32
        %dma_start3A_338 = arith.constant 0 : i32
        %dma_start3A_339 = arith.constant 0 : i32
        %dma_start3A_340 = tpu.memref_slice %arg9[%dma_start3A_337, %dma_start3A_338, %dma_start3A_339] : memref<4x128x64xbf16, #tpu.memory_space<vmem>> -> memref<1x128x64xbf16, #tpu.memory_space<vmem>>
        %dma_start3A_341 = tpu.memref_squeeze %dma_start3A_340 : memref<1x128x64xbf16, #tpu.memory_space<vmem>> -> memref<128x64xbf16, #tpu.memory_space<vmem>>
        %dma_start3A_342 = arith.constant 0 : i32
        %dma_start3A_343 = tpu.memref_slice %arg7[%add3A_336, %dma_start3A_342] : memref<40x128xi32, #tpu.memory_space<vmem>> -> memref<1x128xi32, #tpu.memory_space<vmem>>
        %dma_start3A_344 = tpu.memref_squeeze %dma_start3A_343 : memref<1x128xi32, #tpu.memory_space<vmem>> -> memref<128xi32, #tpu.memory_space<vmem>>
        %dma_start3A_345 = arith.constant 0 : i32
        %dma_start3A_346 = arith.constant 0 : i32
        %dma_start3A_347 = tpu.memref_slice %arg11[%dma_start3A_345, %dma_start3A_346] : memref<10000x64xbf16, #tpu.memory_space<vmem_shared>> -> memref<10000x64xbf16, #tpu.memory_space<vmem_shared>>
        tpu.enqueue_indirect_dma source(%dma_start3A_347 : memref<10000x64xbf16, #tpu.memory_space<vmem_shared>>) target(%dma_start3A_341 : memref<128x64xbf16, #tpu.memory_space<vmem>>) offsets(%dma_start3A_344 : memref<128xi32, #tpu.memory_space<vmem>>) semaphore(%arg15 : memref<!tpu.dma_semaphore, #tpu.memory_space<semaphore_mem>>)
      } else {
      }
    }
    %scan3A_227 = arith.constant 10 : i32
    %barrier3A_228 = arith.constant 0 : index
    tpu.barrier barrier_id(%barrier3A_228)
    %mul3A_229 = arith.constant 2528 : i32
    %mul3A_230 = arith.muli %arg1, %mul3A_229 : i32
    %mul3A_231 = arith.constant 2528 : i32
    %mul3A_232 = arith.muli %arg1, %mul3A_231 : i32
    %mul3A_233 = arith.constant 64 : i32
    %mul3A_234 = arith.muli %arg0, %mul3A_233 : i32
    "tpu.region"() ({
      %run_scoped3A_235 = tpu.sem_alloc : memref<!tpu.dma_semaphore, #tpu.memory_space<semaphore_mem>>
      %dma_start3A_236 = tpu.memref_slice %arg6[%mul3A_232, %mul3A_234] : memref<40448x128xbf16, #tpu.memory_space<hbm>> -> memref<2528x64xbf16, #tpu.memory_space<hbm>>
      %dma_start3A_237 = arith.constant 0 : i32
      %dma_start3A_238 = tpu.memref_slice %arg10[%mul3A_230, %dma_start3A_237] : memref<40448x64xbf16, #tpu.memory_space<vmem_shared>> -> memref<2528x64xbf16, #tpu.memory_space<vmem_shared>>
      tpu.enqueue_dma source(%dma_start3A_238 : memref<2528x64xbf16, #tpu.memory_space<vmem_shared>>) target(%dma_start3A_236 : memref<2528x64xbf16, #tpu.memory_space<hbm>>) target_semaphore(%run_scoped3A_235 : memref<!tpu.dma_semaphore, #tpu.memory_space<semaphore_mem>>)
      %dma_wait3A = tpu.memref_slice %arg6[%mul3A_232, %mul3A_234] : memref<40448x128xbf16, #tpu.memory_space<hbm>> -> memref<2528x64xbf16, #tpu.memory_space<hbm>>
      %dma_wait3A_239 = arith.constant 0 : i32
      %dma_wait3A_240 = tpu.memref_slice %arg10[%mul3A_230, %dma_wait3A_239] : memref<40448x64xbf16, #tpu.memory_space<vmem_shared>> -> memref<2528x64xbf16, #tpu.memory_space<vmem_shared>>
      tpu.wait_dma2 semaphore(%run_scoped3A_235 : memref<!tpu.dma_semaphore, #tpu.memory_space<semaphore_mem>>) src(%dma_wait3A_240 : memref<2528x64xbf16, #tpu.memory_space<vmem_shared>>) dst(%dma_wait3A : memref<2528x64xbf16, #tpu.memory_space<hbm>>)
      tpu.yield
    }) : () -> ()
    return
  }
}

module attributes {stable_mosaic.version = 14 : i64} {
  func.func @_tc_body(%arg0: i32, %arg1: i32, %arg2: memref<1000x128xf32, #tpu.memory_space<vmem>>, %arg3: memref<1000x128xbf16, #tpu.memory_space<vmem>>, %arg4: memref<1x128x128xf32, #tpu.memory_space<vmem>>, %arg5: memref<1x128x128xbf16, #tpu.memory_space<vmem>>, %arg6: memref<1x1x128xf32, #tpu.memory_space<vmem>>, %arg7: memref<1000x128xf32, #tpu.memory_space<vmem>>) attributes {dimension_semantics = [#tpu.dimension_semantics<arbitrary>, #tpu.dimension_semantics<arbitrary>], iteration_bounds = array<i64: 10, 4>, scalar_prefetch = 0 : i64, scratch_operands = 0 : i64, tpu.core_type = #tpu.core_type<tc>, window_params = [{transform_indices = @transform_0, window_bounds = array<i64: 1000, 128>}, {transform_indices = @transform_1, window_bounds = array<i64: 1000, 128>}, {transform_indices = @transform_2, window_bounds = array<i64: 1, 128, 128>}, {transform_indices = @transform_3, window_bounds = array<i64: 1, 128, 128>}, {transform_indices = @transform_4, window_bounds = array<i64: 1, 1, 128>}, {transform_indices = @transform_5, window_bounds = array<i64: 1000, 128>}]} {
    %eq3A = arith.constant 0 : i32
    %eq3A_0 = arith.cmpi eq, %arg1, %eq3A : i32
    %convert_element_type3A = arith.extui %eq3A_0 : i1 to i32
    %cond3A = arith.constant 0 : i32
    %cond3A_1 = arith.cmpi ne, %convert_element_type3A, %cond3A : i32
    scf.if %cond3A_1 {
      %broadcast_in_dim3A = arith.constant 0.000000e+00 : f32
      %broadcast_in_dim3A_33 = vector.broadcast %broadcast_in_dim3A : f32 to vector<1000x128xf32>
      %swap3A_34 = arith.constant 0 : index
      %swap3A_35 = arith.constant 0 : index
      %swap3A_36 = vector.load %arg7[%swap3A_34, %swap3A_35] : memref<1000x128xf32, #tpu.memory_space<vmem>>, vector<1000x128xf32>
      tpu.vector_store %arg7[%swap3A_34, %swap3A_35], %broadcast_in_dim3A_33 {strides = array<i32>} : memref<1000x128xf32, #tpu.memory_space<vmem>>, vector<1000x128xf32>,
    } else {
    }
    %get3A = arith.constant 0 : index
    %get3A_2 = arith.constant 0 : index
    %get3A_3 = vector.load %arg2[%get3A, %get3A_2] : memref<1000x128xf32, #tpu.memory_space<vmem>>, vector<1000x128xf32>
    %get3A_4 = arith.constant 0 : index
    %get3A_5 = arith.constant 0 : index
    %get3A_6 = arith.constant 0 : index
    %get3A_7 = vector.load %arg4[%get3A_4, %get3A_5, %get3A_6] : memref<1x128x128xf32, #tpu.memory_space<vmem>>, vector<1x128x128xf32>
    %get3A_8 = vector.shape_cast %get3A_7 : vector<1x128x128xf32> to vector<128x128xf32>
    %dot_general3A = arith.constant dense<0.000000e+00> : vector<1000x128xf32>
    %dot_general3A_9 = tpu.matmul %get3A_3, %get3A_8, %dot_general3A {dimension_numbers = #tpu.dot_dimension_numbers<[1], [0], [0], [1], [0, 0, 1, 1], [], []>, transpose_lhs_hint = false} : vector<1000x128xf32>, vector<128x128xf32>, vector<1000x128xf32> -> vector<1000x128xf32>
    %get3A_10 = arith.constant 0 : index
    %get3A_11 = arith.constant 0 : index
    %get3A_12 = vector.load %arg3[%get3A_10, %get3A_11] : memref<1000x128xbf16, #tpu.memory_space<vmem>>, vector<1000x128xbf16>
    %get3A_13 = arith.constant 0 : index
    %get3A_14 = arith.constant 0 : index
    %get3A_15 = arith.constant 0 : index
    %get3A_16 = vector.load %arg5[%get3A_13, %get3A_14, %get3A_15] : memref<1x128x128xbf16, #tpu.memory_space<vmem>>, vector<1x128x128xbf16>
    %get3A_17 = vector.shape_cast %get3A_16 : vector<1x128x128xbf16> to vector<128x128xbf16>
    %dot_general3A_18 = arith.constant dense<0.000000e+00> : vector<1000x128xf32>
    %dot_general3A_19 = tpu.matmul %get3A_12, %get3A_17, %dot_general3A_18 {dimension_numbers = #tpu.dot_dimension_numbers<[1], [0], [0], [1], [0, 0, 1, 1], [], []>, transpose_lhs_hint = false} : vector<1000x128xbf16>, vector<128x128xbf16>, vector<1000x128xf32> -> vector<1000x128xf32>
    %add3A = arith.addf %dot_general3A_9, %dot_general3A_19 : vector<1000x128xf32>
    %get3A_20 = arith.constant 0 : index
    %get3A_21 = arith.constant 0 : index
    %get3A_22 = arith.constant 0 : index
    %get3A_23 = vector.load %arg6[%get3A_20, %get3A_21, %get3A_22] : memref<1x1x128xf32, #tpu.memory_space<vmem>>, vector<1x1x128xf32>
    %get3A_24 = vector.shape_cast %get3A_23 : vector<1x1x128xf32> to vector<1x128xf32>
    %add3A_25 = vector.broadcast %get3A_24 : vector<1x128xf32> to vector<1000x128xf32>
    %add3A_26 = arith.addf %add3A, %add3A_25 : vector<1000x128xf32>
    %get3A_27 = arith.constant 0 : index
    %get3A_28 = arith.constant 0 : index
    %get3A_29 = vector.load %arg7[%get3A_27, %get3A_28] : memref<1000x128xf32, #tpu.memory_space<vmem>>, vector<1000x128xf32>
    %tanh3A = math.tanh %add3A_26 : vector<1000x128xf32>
    %add3A_30 = arith.addf %get3A_29, %tanh3A : vector<1000x128xf32>
    %swap3A = arith.constant 0 : index
    %swap3A_31 = arith.constant 0 : index
    %swap3A_32 = vector.load %arg7[%swap3A, %swap3A_31] : memref<1000x128xf32, #tpu.memory_space<vmem>>, vector<1000x128xf32>
    tpu.vector_store %arg7[%swap3A, %swap3A_31], %add3A_30 {strides = array<i32>} : memref<1000x128xf32, #tpu.memory_space<vmem>>, vector<1000x128xf32>,
    return
  }
  func.func @transform_0(%arg0: i32, %arg1: i32) -> (i32, i32) {
    %c0_i32 = arith.constant 0 : i32
    %c0_i32_0 = arith.constant 0 : i32
    return %arg0, %c0_i32 : i32, i32
  }
  func.func @transform_1(%arg0: i32, %arg1: i32) -> (i32, i32) {
    %mul3A = arith.constant 10 : i32
    %mul3A_0 = arith.muli %arg1, %mul3A : i32
    %add3A = arith.addi %mul3A_0, %arg0 : i32
    %c0_i32 = arith.constant 0 : i32
    %c0_i32_1 = arith.constant 0 : i32
    return %add3A, %c0_i32 : i32, i32
  }
  func.func @transform_2(%arg0: i32, %arg1: i32) -> (i32, i32, i32) {
    %c0_i32 = arith.constant 0 : i32
    %c0_i32_0 = arith.constant 0 : i32
    %c0_i32_1 = arith.constant 0 : i32
    return %arg1, %c0_i32, %c0_i32_0 : i32, i32, i32
  }
  func.func @transform_3(%arg0: i32, %arg1: i32) -> (i32, i32, i32) {
    %c0_i32 = arith.constant 0 : i32
    %c0_i32_0 = arith.constant 0 : i32
    %c0_i32_1 = arith.constant 0 : i32
    return %arg1, %c0_i32, %c0_i32_0 : i32, i32, i32
  }
  func.func @transform_4(%arg0: i32, %arg1: i32) -> (i32, i32, i32) {
    %c0_i32 = arith.constant 0 : i32
    %c0_i32_0 = arith.constant 0 : i32
    %c0_i32_1 = arith.constant 0 : i32
    return %arg1, %c0_i32, %c0_i32_0 : i32, i32, i32
  }
  func.func @transform_5(%arg0: i32, %arg1: i32) -> (i32, i32) {
    %c0_i32 = arith.constant 0 : i32
    %c0_i32_0 = arith.constant 0 : i32
    return %arg0, %c0_i32 : i32, i32
  }
}

</mosaic_0001>

<sc_bundles>
// kernel: kernel.4.cloned.1.call-start
scs
__scs_entry_jumppad:
0x0: {  	(pc) =	sbr.rel $0x88, $3  }
0x1: {  	(tag) =	ssettag $0x0;
	lr =	simm.s32 $0x1  }
0x2: {  	[smem:$0x3F9B] =	sst lr;
	_ =	strace $0xD0000000  }
0x3: {  	_ = 	snop  }
0x4: {  	_ = 	snop  }
0x5: {  	_ = 	snop  }
0x6: {  	_ = 	snop  }
0x7: {  	_ = 	snop  }
__scs_overlays_trampoline_lowered:
0x8: {  	[smem:$0x3FAA] =	sst s0  }
0x9: {  	[smem:$0x3FAB] =	sst s1  }
0xa: {  	[smem:$0x3FAC] =	sst s2  }
0xb: {  	[smem:$0x3FAD] =	sst s3  }
0xc: {  	[smem:$0x3FAE] =	sst s4  }
0xd: {  	[smem:$0x3FAF] =	sst s5  }
0xe: {  	[smem:$0x3FB0] =	sst s6  }
0xf: {  	[smem:$0x3FB1] =	sst s7  }
0x10: {  	[smem:$0x3FB2] =	sst s8  }
0x11: {  	[smem:$0x3FB3] =	sst s9;
	s0 =	simm.s32 @!p0 $0x0  }
0x12: {  	s1 =	sld [smem:$0x3F99];
	s0 =	simm.s32 @p0 $0x1  }
0x13: {  	[smem:$0x3FB4] =	sst s0;
	s0 =	simm.s32 @!p1 $0x0  }
0x14: {  	s2 =	sld [smem:$0x3F98];
	s0 =	simm.s32 @p1 $0x1  }
0x15: {  	[smem:$0x3FB5] =	sst s0;
	s0 =	simm.s32 @!p2 $0x0  }
0x16: {  	s3 =	sld [smem:$0x3FDB];
	s0 =	simm.s32 @p2 $0x1  }
0x17: {  	s4 =	simm.s32 $0x1BF5;
	[smem:$0x3FB7] =	sst s0  }
0x18: {  	s0 =	sld [smem:$0x3F9A];
	_ =	swait.ge [sflag:s4], $0x0  }
0x19: {  	s7 =	sld [smem:$0x3F9B]  }
0x1a: {  	s8 =	sadd.s32 $0xFFFFE003, lr  }
0x1b: {  	s9 =	sadd.s32 $0xFFFFFEF7, lr;
	s5 =	simm.s32 $0xFFFFFFFF;
	p2 =	slt.u32 s8, $0xFFFFF086  }
0x1c: {  	p1 =	slt.u32 s9, $0xF7A;
	s5 =	simm.s32 @!p2 $0x0  }
0x1d: {  	s5 =	simm.s32 @p1 $0x1;
	p0 =	seq.s32 s7, s2  }
0x1e: {  	s7 =	smul.u32 @!p0 $0xF7A, s2;
	p2 =	seq.s32 @!p0 s5, $0x0  }
0x1f: {  	s9 =	smul.u32 $0xF7A, s1;
	s8 =	simm.s32 @!p0 $0x1BF5;
	p2 =	por !p2, p0  }
0x20: {  	[sflag:s8] =	ssyncset.s32 @!p0 $0xFFFFF086;
	s6 =	sadd.s32 @!p0 s3, s7;
	s7 =	simm.s32 @!p0 $0x108  }
0x21: {  	s3 =	sadd.s32 s3, s9;
	s6 =	sadd.s32 @!p0 $0x88, s6;
	s7 =	simm.s32 @p2 $0x1082  }
0x22: {  	[simem:s7], [sflag:s8] =	dma.local @!p0 [hbm:s6], $0xF7A  }
0x23: {  	s9 =	sor.u32 $0xD0000000, s2;
	s6 =	simm.s32 $0x108;
	_ =	swait.ge @!p0 [sflag:s8], $0x0  }
0x24: {  	s3 =	sadd.s32 $0x88, s3;
	s6 =	simm.s32 @!p1 $0x1082;
	[sflag:s4] =	ssyncset.s32 $0xFFFFF086  }
0x25: {  	[simem:s6], [sflag:s4] =	dma.local [hbm:s3], $0xF7A  }
0x26: {  	[smem:$0x3F9B] =	sst s1;
	(tag) =	ssettag s2;
	_ =	strace s9  }
0x27: {  	s1 =	sld [smem:$0x3FAB]  }
0x28: {  	s2 =	sld [smem:$0x3FAC]  }
0x29: {  	s4 =	sld [smem:$0x3FAE]  }
0x2a: {  	p0 =	seq.s32 s5, $0x0;
	s5 =	sld [smem:$0x3FAF]  }
0x2b: {  	s6 =	sld [smem:$0x3FB0]  }
0x2c: {  	s7 =	sld [smem:$0x3FB1]  }
0x2d: {  	s3 =	simm.s32 $0x108;
	s8 =	sld [smem:$0x3FB2]  }
0x2e: {  	s3 =	simm.s32 @!p0 $0x1082;
	s9 =	sld [smem:$0x3FB3]  }
0x2f: {  	lr =	sadd.s32 s0, s3;
	s0 =	sld [smem:$0x3FAA]  }
0x30: {  	s3 =	sld [smem:$0x3FAD]  }
0x31: {  	[smem:$0x3FB6] =	sst s10  }
0x32: {  	s10 =	sld [smem:$0x3FB4];
	_ =	sdelay $0x3  }
0x33: {  	p0 =	seq.s32 s10, $0x1;
	s10 =	sld [smem:$0x3FB6];
	_ =	sdelay $0x3  }
0x34: {  	[smem:$0x3FB6] =	sst s10  }
0x35: {  	s10 =	sld [smem:$0x3FB5];
	_ =	sdelay $0x3  }
0x36: {  	p1 =	seq.s32 s10, $0x1;
	s10 =	sld [smem:$0x3FB6];
	_ =	sdelay $0x3  }
0x37: {  	[smem:$0x3FB6] =	sst s10  }
0x38: {  	s10 =	sld [smem:$0x3FB7]  }
0x39: {  	_ = 	snop;
	(pc) =	sbr.ind lr, $3  }
0x3a: {  	_ = 	snop  }
0x3b: {  	_ = 	snop  }
0x3c: {  	p2 =	seq.s32 s10, $0x1;
	s10 =	sld [smem:$0x3FB6]  }
0x3d: {  	_ =	shalt  }
0x3e: {  	_ =	shalt  }
0x3f: {  	_ =	shalt  }
0x40: {  	_ =	shalt  }
0x41: {  	_ =	shalt  }
0x42: {  	_ =	shalt  }
0x43: {  	_ =	shalt  }
0x44: {  	_ =	shalt  }
0x45: {  	_ =	shalt  }
0x46: {  	_ =	shalt  }
0x47: {  	_ =	shalt  }
0x48: {  	_ =	shalt  }
0x49: {  	_ =	shalt  }
0x4a: {  	_ =	shalt  }
0x4b: {  	_ =	shalt  }
0x4c: {  	_ =	shalt  }
0x4d: {  	_ =	shalt  }
0x4e: {  	_ =	shalt  }
0x4f: {  	_ =	shalt  }
0x50: {  	_ =	shalt  }
0x51: {  	_ =	shalt  }
0x52: {  	_ =	shalt  }
0x53: {  	_ =	shalt  }
0x54: {  	_ =	shalt  }
0x55: {  	_ =	shalt  }
0x56: {  	_ =	shalt  }
0x57: {  	_ =	shalt  }
0x58: {  	_ =	shalt  }
0x59: {  	_ =	shalt  }
0x5a: {  	_ =	shalt  }
0x5b: {  	_ =	shalt  }
0x5c: {  	_ =	shalt  }
0x5d: {  	_ =	shalt  }
0x5e: {  	_ =	shalt  }
0x5f: {  	_ =	shalt  }
0x60: {  	_ =	shalt  }
0x61: {  	_ =	shalt  }
0x62: {  	_ =	shalt  }
0x63: {  	_ =	shalt  }
0x64: {  	_ =	shalt  }
0x65: {  	_ =	shalt  }
0x66: {  	_ =	shalt  }
0x67: {  	_ =	shalt  }
0x68: {  	_ =	shalt  }
0x69: {  	_ =	shalt  }
0x6a: {  	_ =	shalt  }
0x6b: {  	_ =	shalt  }
0x6c: {  	_ =	shalt  }
0x6d: {  	_ =	shalt  }
0x6e: {  	_ =	shalt  }
0x6f: {  	_ =	shalt  }
0x70: {  	_ =	shalt  }
0x71: {  	_ =	shalt  }
0x72: {  	_ =	shalt  }
0x73: {  	_ =	shalt  }
0x74: {  	_ =	shalt  }
0x75: {  	_ =	shalt  }
0x76: {  	_ =	shalt  }
0x77: {  	_ =	shalt  }
0x78: {  	_ =	shalt  }
0x79: {  	_ =	shalt  }
0x7a: {  	_ =	shalt  }
0x7b: {  	_ =	shalt  }
0x7c: {  	_ =	shalt  }
0x7d: {  	_ =	shalt  }
0x7e: {  	_ =	shalt  }
0x7f: {  	_ =	shalt  }
0x80: {  	_ =	shalt  }
0x81: {  	_ =	shalt  }
0x82: {  	_ =	shalt  }
0x83: {  	_ =	shalt  }
0x84: {  	_ =	shalt  }
0x85: {  	_ =	shalt  }
0x86: {  	_ =	shalt  }
0x87: {  	_ =	shalt  }
.Lfunc_end0:
.L_simem_size_0:
called_computation_lowered:
.L_overlay_start_0:
0x88: {  	s2 =	sld [smem:$0x3FD9]  }
0x89: {  	s3 =	sld [smem:$0x3FFE];
	_ =	sdelay $0x1  }
0x8a: {  	s1 =	srdreg.scid  }
0x8b: {  	s0 =	sand.u32 $0x1, s1  }
0x8c: {  	s17 =	sshll.u32 s0, $0xA;
	s2 =	sadd.s32 s3, s2  }
0x8d: {  	s2 =	sadd.s32 s2, s17  }
0x8e: {  	[smem:$0x3FC2] =	sst s2  }
0x8f: {  	_ = 	snop  }
0x90: {  	s2 =	sld [smem:$0x3FD0];
	(tm) =	ssettm $0x1  }
0x91: {  	s18 =	sld [smem:$0x3FFB];
	_ =	sdelay $0x3  }
0x92: {  	_ =	strace s18  }
0x93: {  	s3 =	sld [smem:$0x3FFC];
	_ =	sdelay $0x3  }
0x94: {  	_ =	strace s3  }
0x95: {  	s3 =	sld [smem:$0x3FFD];
	_ =	sdelay $0x3  }
0x96: {  	_ =	strace s3  }
0x97: {  	_ =	strace $0x8FFFFFFF  }
0x98: {  	s19 =	sld [smem:$0x3FDB];
	_ =	sdelay $0x1  }
0x99: {  	s4 =	simm.s32 $_scs_section_size  }
0x9a: {  	s5 =	simm.s32 $_size__tile_overlayer_lowered;
	s6 =	simm.s32 $_tile_overlayer_lowered  }
0x9b: {  	s22 =	simm.s32 $0x1BFF;
	s21 =	sshll.u32 s6, $0x1;
	s3 =	sadd.s32 s4, s19  }
0x9c: {  	s7 =	simm.s32 $0x0;
	s20 =	sshll.u32 s5, $0x1;
	s5 =	sadd.s32 s21, s3  }
0x9d: {  	[timem:s7], [sflag:s22] =	dma.local [hbm:s5], s20  }
0x9e: {  	_ =	swait.ge [sflag:s22], s20  }
0x9f: {  	s4 =	ssub.s32 $0x0, s20;
	[sflag:s22] =	ssyncset.done $0x0  }
0xa0: {  	[sflag:s22] =	ssyncadd.s32 s4;
	_ =	sdelay $0x1  }
0xa1: {  	s23 =	simm.s32 $0x1B8B  }
0xa2: {  	_ =	swait.ge [sflag:s23], $0x1  }
0xa3: {  	[sflag:s23] =	ssyncset.done $0x0  }
0xa4: {  	s25 =	simm.s32 $0x1B8E;
	s24 =	sld [smem:$0x3FFE];
	[sflag:s23] =	ssyncadd.s32 $0xFFFFFFFF  }
0xa5: {  	s26 =	simm.s32 $execute0_lowered;
	[smem:$0x3FD2] =	sst s25  }
0xa6: {  	s5 =	sshll.u32 s26, $0x1;
	_ =	strace $0x80000046;
	[dreg:$0x1] =	wrdreg $0xFFFFFFFF  }
0xa7: {  	s28 =	simm.s32 $_size_execute0_lowered;
	s3 =	sadd.s32 s3, s5;
	[dreg:$0x0] =	wrdreg $0x0  }
0xa8: {  	s5 =	sshll.u32 s28, $0x1;
	[dreg:$0x2] =	wrdreg s3  }
0xa9: {  	[dreg:$0x3] =	wrdreg s5  }
0xaa: {  	[dreg:$0x4] =	wrdreg $0xC0  }
0xab: {  	_ =	task [dreg:s7], $0x5FFFF  }
0xac: {  	[dreg:$0x1] =	wrdreg $0xFFFFFFFF  }
0xad: {  	[dreg:$0x0] =	wrdreg $0x60  }
0xae: {  	[dreg:$0x2] =	wrdreg s2  }
0xaf: {  	[dreg:$0x3] =	wrdreg s24  }
0xb0: {  	[dreg:$0x4] =	wrdreg $0x1A4000  }
0xb1: {  	[dreg:$0x5] =	wrdreg $0x68000  }
0xb2: {  	[dreg:$0x6] =	wrdreg $0x9  }
0xb3: {  	_ =	task.clear_ibuf [dreg:s7], $0x7FFFF;
	_ =	strace $0x90000046  }
0xb4: {  	s29 =	simm.s32 $0x9;
	_ =	strace $0x80000048  }
0xb5: {  	_ =	swait.ge [sflag:s29], $0x1  }
0xb6: {  	[sflag:s29] =	ssyncadd.s32 $0xFFFFFFFF  }
0xb7: {  	_ =	strace $0x90000048  }
0xb8: {  	_ =	sfence  }
0xb9: {  	s30 =	sld [smem:$0x0];
	_ =	sdelay $0x2  }
0xba: {  	s31 =	sshll.u32 s1, $0xD;
	s1 =	sshrl.u32 s1, $0x2  }
0xbb: {  	s3 =	sand.u32 $0x4000, s31;
	s1 =	sadd.s32 s1, s30  }
0xbc: {  	s0 =	sor.u32 s3, s0;
	s1 =	sshll.u32 s1, $0x11  }
0xbd: {  	s0 =	sor.u32 s1, s0  }
0xbe: {  	s0 =	sadd.s32 $0x8F2B, s0  }
0xbf: {  	[sflag:s0] =	ssyncadd.remote.s32 $0x1  }
0xc0: {  	_ =	sfence.sel $0xFFFF  }
0xc1: {  	[dreg:$0x0] =	wrdreg $0xFFFFFFFF;
	(pc) =	sbr.abs _section_cstart, $3  }
0xc2: {  	[dreg:$0x1] =	wrdreg $0xFFFFFFFF  }
0xc3: {  	_ =	task.clear_ibuf [dreg:s7], $0x2FFFF;
	_ =	strace $0x9FFFFFFF  }
0xc4: {  	(tm) =	ssettm $0x7FFFFFFF  }
0xc5: {  	_ =	shalt  }
tec
execute0_lowered:
.L_overlay_start_1:
0x0: {  	(tag) =	ssettag $0x1  }
0x1: {  	s0 =	rddreg [dreg:$0x0]  }
0x2: {  	s2 =	rddreg [dreg:$0x1]  }
0x3: {  	s1 =	rddreg [dreg:$0x2]  }
0x4: {  	s3 =	rddreg [dreg:$0x3];
	s4 =	simm.s32 $0x0;
	s5 =	srdreg.scid  }
0x5: {  	s12 =	stileid.u32;
	s28 =	simm.s32 $0x3800;
	s29 =	simm.s32 $0x100  }
0x6: {  	s30 =	simm.s32 $0x4800;
	s31 =	simm.s32 $0x180;
	[smem:$0x7FF] =	sst s4  }
0x7: {  	s5 =	sand.u32 $0x1, s5;
	s6 =	smul.u32 $0x4F000, s12;
	s8 =	sadd.s32 $0xCE00, s2  }
0x8: {  	s9 =	sadd.s32 $0x2E00, s2;
	s11 =	smul.u32 $0x13880, s12;
	s13 =	sadd.s32 $0x600, s2  }
0x9: {  	s17 =	smul.u32 $0x5000, s12;
	s18 =	sshll.u32 s12, $0x6;
	_ =	strace $0x80000047  }
0xa: {  	s7 =	sshll.u32 s5, $0x6;
	s5 =	ssub.s32 $0x2, s5;
	[dreg:$0x5] =	wrdreg s13  }
0xb: {  	s13 =	simm.s32 $0x8;
	s10 =	sor.u32 s7, s6;
	s15 =	sshrl.u32 s5, $0x1  }
0xc: {  	s7 =	sor.u32 s7, s11;
	s16 =	sshrl.u32 s11, $0x2;
	s6 =	sshrl.u32 s6, $0x2  }
0xd: {  	s20 =	sshrl.u32 s17, $0x3;
	s11 =	simm.s32 $0x0;
	s10 =	sshrl.u32 s10, $0x4  }
0xe: {  	s5 =	ssub.s32 s5, s15;
	s7 =	sshrl.u32 s7, $0x4;
	s19 =	sadd.s32 s6, s3  }
0xf: {  	s21 =	sadd.s32 s8, s20;
	s22 =	sadd.s32 s9, s20;
	s23 =	sadd.s32 $0x280, s20  }
0x10: {  	s25 =	sadd.s32 $0x500, s20;
	s2 =	sadd.s32 s10, s2;
	[dreg:$0x7] =	wrdreg s19  }
0x11: {  	s10 =	sadd.s32 s16, s1;
	s0 =	sadd.s32 s0, s7;
	[dreg:$0x8] =	wrdreg s21  }
0x12: {  	s7 =	sor.u32 $0x1C05, s18;
	[dreg:$0x9] =	wrdreg s22;
	s24 =	sadd.s32 s8, s23  }
0x13: {  	s6 =	sadd.s32 s9, s23;
	s26 =	sadd.s32 s8, s25;
	[dreg:$0x6] =	wrdreg s0  }
0x14: {  	s18 =	smax.u32 s5, $0x1;
	s21 =	simm.s32 $0x4;
	[dreg:$0xa] =	wrdreg s24  }
0x15: {  	s23 =	simm.s32 $0x5;
	s5 =	simm.s32 $0x3;
	[dreg:$0xb] =	wrdreg s6  }
0x16: {  	[dreg:$0xc] =	wrdreg s26;
	s6 =	sadd.s32 s9, s25;
	s0 =	sadd.s32 $0x780, s20  }
0x17: {  	s17 =	sadd.s32 $0x16E00, s2;
	s19 =	sshrl.u32 s10, $0x3;
	s20 =	simm.s32 $0x1  }
0x18: {  	s24 =	simm.s32 $0x1400;
	s25 =	simm.s32 $0x80;
	s26 =	simm.s32 $0x2800  }
0x19: {  	s2 =	simm.s32 $0x2;
	s10 =	simm.s32 $0x2780;
	[dreg:$0xd] =	wrdreg s6  }
0x1a: {  	s15 =	sadd.s32 s8, s0;
	s16 =	sadd.s32 s9, s0;
	s0 =	simm.s32 $0x5800  }
0x1b: {  	s6 =	simm.s32 $0x2600;
	s8 =	simm.s32 $0x2680;
	s9 =	simm.s32 $0x2700  }
.LBB2_1:
0x1c: {  	s12 =	rddreg [dreg:$0x6]  }
0x1d: {  	[spmem:s19@s21], [sflag:s7] =	dma.strided [hbm:s12@s13], $0x9C4, s20, $0x4   }
0x1e: {  	_ =	swait.ge [sflag:s23], $0x9C4  }
0x1f: {  	[sflag:s23] =	ssyncset.done $0x0;
	s13 =	rddreg [dreg:$0x7]  }
0x20: {  	s14 =	rddreg [dreg:$0x5];
	[sflag:s23] =	ssyncadd.s32 $0xFFFFF63C;
	s12 =	sshrl.u32 s13, $0x3  }
0x21: {  	[spmem:s12], [sflag:s7] =	dma.local [hbm:s14], $0x2780  }
0x22: {  	_ =	swait.ge [sflag:s23], $0x2780  }
0x23: {  	[sflag:s23] =	ssyncset.done $0x0  }
0x24: {  	[sflag:s23] =	ssyncadd.s32 $0xFFFFD880  }
0x25: {  	[bflag:$0x0] =	sbarrier.arrive $0xFFFF  }
0x26: {  	s22 =	rddreg [dreg:$0x8]  }
0x27: {  	[tilespmem:s4], [sflag:$0x5] =	stream.linear.gather [hbm4b:s22+s4], $0x1400, $0x38;
	[tilespmem:$0x1F220] =	vst v63  }
0x28: {  	_ =	swait.ge [sflag:s23], $0x1400  }
0x29: {  	[sflag:s23] =	ssyncset.done $0x0  }
0x2a: {  	s14 =	rddreg [dreg:$0x9];
	[sflag:s23] =	ssyncadd.s32 $0xFFFFEC00  }
0x2b: {  	[tilespmem:s24], [sflag:$0x5] =	stream.linear.gather [hbm4b:s14+s4], $0x1400, $0x38;
	[tilespmem:$0x1F220] =	vst v63  }
0x2c: {  	_ =	swait.ge [sflag:s23], $0x1400  }
0x2d: {  	[sflag:s23] =	ssyncset.done $0x0  }
0x2e: {  	[sflag:s23] =	ssyncadd.s32 $0xFFFFEC00  }
0x2f: {  	[tilespmem:s26], [sflag:$0x1] =	stream.indirect.gather [spmem:s1], $0x20, s4, s25, $0xb8;
	[tilespmem:$0x1F220] =	vst v63  }
0x30: {  	_ = 	snop  }
0x31: {  	[tilespmem:s28], [sflag:$0x2] =	stream.indirect.gather [spmem:s1], $0x20, s25, s25, $0xb8;
	[tilespmem:$0x1F220] =	vst v63  }
0x32: {  	_ = 	snop  }
0x33: {  	[tilespmem:s30], [sflag:$0x3] =	stream.indirect.gather [spmem:s1], $0x20, s29, s25, $0xb8;
	[tilespmem:$0x1F220] =	vst v63  }
0x34: {  	_ = 	snop  }
0x35: {  	[tilespmem:s0], [sflag:$0x4] =	stream.indirect.gather [spmem:s1], $0x20, s31, s25, $0xb8;
	[tilespmem:$0x1F220] =	vst v63  }
0x36: {  	_ =	swait.ge [sflag:s20], $0x1000  }
0x37: {  	[sflag:s20] =	ssyncset.done $0x0  }
0x38: {  	s22 =	simm.s32 $0x1400;
	[sflag:s20] =	ssyncadd.s32 $0xFFFFF000  }
0x39: {  	[spmem:s3] =	stream.indirect.scatter.add.bf16 [tilespmem:s26], [sflag:$0x5], $0x20, s22, s25, $0xb8;
	[tilespmem:$0x1F220] =	vst v63  }
0x3a: {  	_ =	swait.ge [sflag:s23], $0x1000  }
0x3b: {  	[sflag:s23] =	ssyncset.done $0x0  }
0x3c: {  	s14 =	simm.s32 $0x200;
	[sflag:s23] =	ssyncadd.s32 $0xFFFFF000  }
0x3d: {  	[tilespmem:s26], [sflag:$0x1] =	stream.indirect.gather [spmem:s1], $0x20, s14, s25, $0xb8;
	[tilespmem:$0x1F220] =	vst v63  }
0x3e: {  	_ =	swait.ge [sflag:s2], $0x1000  }
0x3f: {  	[sflag:s2] =	ssyncset.done $0x0  }
0x40: {  	s22 =	simm.s32 $0x1480;
	[sflag:s2] =	ssyncadd.s32 $0xFFFFF000  }
0x41: {  	[spmem:s3] =	stream.indirect.scatter.add.bf16 [tilespmem:s28], [sflag:$0x5], $0x20, s22, s25, $0xb8;
	[tilespmem:$0x1F220] =	vst v63  }
0x42: {  	_ =	swait.ge [sflag:s23], $0x1000  }
0x43: {  	[sflag:s23] =	ssyncset.done $0x0  }
0x44: {  	s14 =	simm.s32 $0x280;
	[sflag:s23] =	ssyncadd.s32 $0xFFFFF000  }
0x45: {  	[tilespmem:s28], [sflag:$0x2] =	stream.indirect.gather [spmem:s1], $0x20, s14, s25, $0xb8;
	[tilespmem:$0x1F220] =	vst v63  }
0x46: {  	_ =	swait.ge [sflag:s5], $0x1000  }
0x47: {  	[sflag:s5] =	ssyncset.done $0x0  }
0x48: {  	s22 =	simm.s32 $0x1500;
	[sflag:s5] =	ssyncadd.s32 $0xFFFFF000  }
0x49: {  	[spmem:s3] =	stream.indirect.scatter.add.bf16 [tilespmem:s30], [sflag:$0x5], $0x20, s22, s25, $0xb8;
	[tilespmem:$0x1F220] =	vst v63  }
0x4a: {  	_ =	swait.ge [sflag:s23], $0x1000  }
0x4b: {  	[sflag:s23] =	ssyncset.done $0x0  }
0x4c: {  	s14 =	simm.s32 $0x300;
	[sflag:s23] =	ssyncadd.s32 $0xFFFFF000  }
0x4d: {  	[tilespmem:s30], [sflag:$0x3] =	stream.indirect.gather [spmem:s1], $0x20, s14, s25, $0xb8;
	[tilespmem:$0x1F220] =	vst v63  }
0x4e: {  	_ =	swait.ge [sflag:s21], $0x1000  }
0x4f: {  	[sflag:s21] =	ssyncset.done $0x0  }
0x50: {  	s22 =	simm.s32 $0x1580;
	[sflag:s21] =	ssyncadd.s32 $0xFFFFF000  }
0x51: {  	[spmem:s3] =	stream.indirect.scatter.add.bf16 [tilespmem:s0], [sflag:$0x5], $0x20, s22, s25, $0xb8;
	[tilespmem:$0x1F220] =	vst v63  }
0x52: {  	_ =	swait.ge [sflag:s23], $0x1000  }
0x53: {  	[sflag:s23] =	ssyncset.done $0x0  }
0x54: {  	s13 =	simm.s32 $0x380;
	s22 =	simm.s32 $0x800;
	[sflag:s23] =	ssyncadd.s32 $0xFFFFF000  }
.LBB2_2:
0x55: {  	[tilespmem:s0], [sflag:$0x4] =	stream.indirect.gather [spmem:s1], $0x20, s13, s25, $0xb8;
	[tilespmem:$0x1F220] =	vst v63  }
0x56: {  	s13 =	smov.u32 s22  }
0x57: {  	p0 =	sne.s32 s22, $0x4000;
	s22 =	sadd.s32 $0x800, s22;
	_ =	swait.ge [sflag:s20], $0x1000  }
0x58: {  	s13 =	sshra.s32 s13, $0x2;
	[sflag:s20] =	ssyncset.done $0x0  }
0x59: {  	s14 =	sadd.s32 $0x1400, s13;
	[sflag:s20] =	ssyncadd.s32 $0xFFFFF000  }
0x5a: {  	[spmem:s3] =	stream.indirect.scatter.add.bf16 [tilespmem:s26], [sflag:$0x5], $0x20, s14, s25, $0xb8;
	[tilespmem:$0x1F220] =	vst v63  }
0x5b: {  	_ =	swait.ge [sflag:s23], $0x1000  }
0x5c: {  	[sflag:s23] =	ssyncset.done $0x0  }
0x5d: {  	s14 =	sadd.s32 $0x200, s13;
	[sflag:s23] =	ssyncadd.s32 $0xFFFFF000  }
0x5e: {  	[tilespmem:s26], [sflag:$0x1] =	stream.indirect.gather [spmem:s1], $0x20, s14, s25, $0xb8;
	[tilespmem:$0x1F220] =	vst v63  }
0x5f: {  	_ =	swait.ge [sflag:s2], $0x1000  }
0x60: {  	[sflag:s2] =	ssyncset.done $0x0  }
0x61: {  	s14 =	sadd.s32 $0x1480, s13;
	[sflag:s2] =	ssyncadd.s32 $0xFFFFF000  }
0x62: {  	[spmem:s3] =	stream.indirect.scatter.add.bf16 [tilespmem:s28], [sflag:$0x5], $0x20, s14, s25, $0xb8;
	[tilespmem:$0x1F220] =	vst v63  }
0x63: {  	_ =	swait.ge [sflag:s23], $0x1000  }
0x64: {  	[sflag:s23] =	ssyncset.done $0x0  }
0x65: {  	s14 =	sadd.s32 $0x280, s13;
	[sflag:s23] =	ssyncadd.s32 $0xFFFFF000  }
0x66: {  	[tilespmem:s28], [sflag:$0x2] =	stream.indirect.gather [spmem:s1], $0x20, s14, s25, $0xb8;
	[tilespmem:$0x1F220] =	vst v63  }
0x67: {  	_ =	swait.ge [sflag:s5], $0x1000  }
0x68: {  	[sflag:s5] =	ssyncset.done $0x0  }
0x69: {  	s14 =	sadd.s32 $0x1500, s13;
	[sflag:s5] =	ssyncadd.s32 $0xFFFFF000  }
0x6a: {  	[spmem:s3] =	stream.indirect.scatter.add.bf16 [tilespmem:s30], [sflag:$0x5], $0x20, s14, s25, $0xb8;
	[tilespmem:$0x1F220] =	vst v63  }
0x6b: {  	_ =	swait.ge [sflag:s23], $0x1000  }
0x6c: {  	[sflag:s23] =	ssyncset.done $0x0  }
0x6d: {  	s14 =	sadd.s32 $0x300, s13;
	[sflag:s23] =	ssyncadd.s32 $0xFFFFF000  }
0x6e: {  	[tilespmem:s30], [sflag:$0x3] =	stream.indirect.gather [spmem:s1], $0x20, s14, s25, $0xb8;
	[tilespmem:$0x1F220] =	vst v63  }
0x6f: {  	_ =	swait.ge [sflag:s21], $0x1000  }
0x70: {  	[sflag:s21] =	ssyncset.done $0x0  }
.Ltmp0:
0x71: {  	s14 =	sadd.s32 $0x1580, s13;
	[sflag:s21] =	ssyncadd.s32 $0xFFFFF000;
	(pc) =	sbr.rel @p0 .LBB2_2-.Ltmp0, $4  }
0x72: {  	[spmem:s3] =	stream.indirect.scatter.add.bf16 [tilespmem:s0], [sflag:$0x5], $0x20, s14, s25, $0xb8;
	[tilespmem:$0x1F220] =	vst v63  }
0x73: {  	_ =	swait.ge [sflag:s23], $0x1000  }
0x74: {  	[sflag:s23] =	ssyncset.done $0x0  }
0x75: {  	s13 =	sadd.s32 $0x380, s13;
	[sflag:s23] =	ssyncadd.s32 $0xFFFFF000  }
0x76: {  	[tilespmem:s0], [sflag:$0x4] =	stream.indirect.gather [spmem:s1], $0x20, s13, s25, $0xb8;
	[tilespmem:$0x1F220] =	vst v63  }
0x77: {  	_ =	swait.ge [sflag:s20], $0x1000  }
0x78: {  	[sflag:s20] =	ssyncset.done $0x0  }
0x79: {  	[sflag:s20] =	ssyncadd.s32 $0xFFFFF000  }
0x7a: {  	[spmem:s3] =	stream.indirect.scatter.add.bf16 [tilespmem:s26], [sflag:$0x5], $0x20, s6, s25, $0xb8;
	[tilespmem:$0x1F220] =	vst v63  }
0x7b: {  	_ =	swait.ge [sflag:s23], $0x1000  }
0x7c: {  	[sflag:s23] =	ssyncset.done $0x0  }
0x7d: {  	[sflag:s23] =	ssyncadd.s32 $0xFFFFF000  }
0x7e: {  	_ =	swait.ge [sflag:s2], $0x1000  }
0x7f: {  	[sflag:s2] =	ssyncset.done $0x0  }
0x80: {  	[sflag:s2] =	ssyncadd.s32 $0xFFFFF000  }
0x81: {  	[spmem:s3] =	stream.indirect.scatter.add.bf16 [tilespmem:s28], [sflag:$0x5], $0x20, s8, s25, $0xb8;
	[tilespmem:$0x1F220] =	vst v63  }
0x82: {  	_ =	swait.ge [sflag:s23], $0x1000  }
0x83: {  	[sflag:s23] =	ssyncset.done $0x0  }
0x84: {  	[sflag:s23] =	ssyncadd.s32 $0xFFFFF000  }
0x85: {  	_ =	swait.ge [sflag:s5], $0x1000  }
0x86: {  	[sflag:s5] =	ssyncset.done $0x0  }
0x87: {  	[sflag:s5] =	ssyncadd.s32 $0xFFFFF000  }
0x88: {  	[spmem:s3] =	stream.indirect.scatter.add.bf16 [tilespmem:s30], [sflag:$0x5], $0x20, s9, s25, $0xb8;
	[tilespmem:$0x1F220] =	vst v63  }
0x89: {  	_ =	swait.ge [sflag:s23], $0x1000  }
0x8a: {  	[sflag:s23] =	ssyncset.done $0x0  }
0x8b: {  	[sflag:s23] =	ssyncadd.s32 $0xFFFFF000  }
0x8c: {  	_ =	swait.ge [sflag:s21], $0x1000  }
0x8d: {  	[sflag:s21] =	ssyncset.done $0x0  }
0x8e: {  	[sflag:s21] =	ssyncadd.s32 $0xFFFFF000  }
0x8f: {  	[spmem:s3] =	stream.indirect.scatter.add.bf16 [tilespmem:s0], [sflag:$0x5], $0x20, s10, s25, $0xb8;
	[tilespmem:$0x1F220] =	vst v63  }
0x90: {  	_ =	swait.ge [sflag:s23], $0x1000  }
0x91: {  	[sflag:s23] =	ssyncset.done $0x0  }
0x92: {  	s13 =	simm.s32 $0x0;
	s14 =	rddreg [dreg:$0xa];
	[sflag:s23] =	ssyncadd.s32 $0xFFFFF000  }
0x93: {  	[tilespmem:s13], [sflag:$0x5] =	stream.linear.gather [hbm4b:s14+s13], $0x1400, $0x38;
	[tilespmem:$0x1F220] =	vst v63  }
0x94: {  	_ =	swait.ge [sflag:s23], $0x1400  }
0x95: {  	[sflag:s23] =	ssyncset.done $0x0  }
0x96: {  	s22 =	rddreg [dreg:$0xb];
	[sflag:s23] =	ssyncadd.s32 $0xFFFFEC00  }
0x97: {  	[tilespmem:s24], [sflag:$0x5] =	stream.linear.gather [hbm4b:s22+s13], $0x1400, $0x38;
	[tilespmem:$0x1F220] =	vst v63  }
0x98: {  	_ =	swait.ge [sflag:s23], $0x1400  }
0x99: {  	[sflag:s23] =	ssyncset.done $0x0  }
0x9a: {  	[sflag:s23] =	ssyncadd.s32 $0xFFFFEC00  }
0x9b: {  	[tilespmem:s26], [sflag:$0x1] =	stream.indirect.gather [spmem:s1], $0x20, s13, s25, $0xb8;
	[tilespmem:$0x1F220] =	vst v63  }
0x9c: {  	_ = 	snop  }
0x9d: {  	[tilespmem:s28], [sflag:$0x2] =	stream.indirect.gather [spmem:s1], $0x20, s25, s25, $0xb8;
	[tilespmem:$0x1F220] =	vst v63  }
0x9e: {  	_ = 	snop  }
0x9f: {  	[tilespmem:s30], [sflag:$0x3] =	stream.indirect.gather [spmem:s1], $0x20, s29, s25, $0xb8;
	[tilespmem:$0x1F220] =	vst v63  }
0xa0: {  	_ = 	snop  }
0xa1: {  	[tilespmem:s0], [sflag:$0x4] =	stream.indirect.gather [spmem:s1], $0x20, s31, s25, $0xb8;
	[tilespmem:$0x1F220] =	vst v63  }
0xa2: {  	_ =	swait.ge [sflag:s20], $0x1000  }
0xa3: {  	[sflag:s20] =	ssyncset.done $0x0  }
0xa4: {  	s22 =	simm.s32 $0x1400;
	[sflag:s20] =	ssyncadd.s32 $0xFFFFF000  }
0xa5: {  	[spmem:s3] =	stream.indirect.scatter.add.bf16 [tilespmem:s26], [sflag:$0x5], $0x20, s22, s25, $0xb8;
	[tilespmem:$0x1F220] =	vst v63  }
0xa6: {  	_ =	swait.ge [sflag:s23], $0x1000  }
0xa7: {  	[sflag:s23] =	ssyncset.done $0x0  }
0xa8: {  	s14 =	simm.s32 $0x200;
	[sflag:s23] =	ssyncadd.s32 $0xFFFFF000  }
0xa9: {  	[tilespmem:s26], [sflag:$0x1] =	stream.indirect.gather [spmem:s1], $0x20, s14, s25, $0xb8;
	[tilespmem:$0x1F220] =	vst v63  }
0xaa: {  	_ =	swait.ge [sflag:s2], $0x1000  }
0xab: {  	[sflag:s2] =	ssyncset.done $0x0  }
0xac: {  	s22 =	simm.s32 $0x1480;
	[sflag:s2] =	ssyncadd.s32 $0xFFFFF000  }
0xad: {  	[spmem:s3] =	stream.indirect.scatter.add.bf16 [tilespmem:s28], [sflag:$0x5], $0x20, s22, s25, $0xb8;
	[tilespmem:$0x1F220] =	vst v63  }
0xae: {  	_ =	swait.ge [sflag:s23], $0x1000  }
0xaf: {  	[sflag:s23] =	ssyncset.done $0x0  }
0xb0: {  	s14 =	simm.s32 $0x280;
	[sflag:s23] =	ssyncadd.s32 $0xFFFFF000  }
0xb1: {  	[tilespmem:s28], [sflag:$0x2] =	stream.indirect.gather [spmem:s1], $0x20, s14, s25, $0xb8;
	[tilespmem:$0x1F220] =	vst v63  }
0xb2: {  	_ =	swait.ge [sflag:s5], $0x1000  }
0xb3: {  	[sflag:s5] =	ssyncset.done $0x0  }
0xb4: {  	s22 =	simm.s32 $0x1500;
	[sflag:s5] =	ssyncadd.s32 $0xFFFFF000  }
0xb5: {  	[spmem:s3] =	stream.indirect.scatter.add.bf16 [tilespmem:s30], [sflag:$0x5], $0x20, s22, s25, $0xb8;
	[tilespmem:$0x1F220] =	vst v63  }
0xb6: {  	_ =	swait.ge [sflag:s23], $0x1000  }
0xb7: {  	[sflag:s23] =	ssyncset.done $0x0  }
0xb8: {  	s14 =	simm.s32 $0x300;
	[sflag:s23] =	ssyncadd.s32 $0xFFFFF000  }
0xb9: {  	[tilespmem:s30], [sflag:$0x3] =	stream.indirect.gather [spmem:s1], $0x20, s14, s25, $0xb8;
	[tilespmem:$0x1F220] =	vst v63  }
0xba: {  	_ =	swait.ge [sflag:s21], $0x1000  }
0xbb: {  	[sflag:s21] =	ssyncset.done $0x0  }
0xbc: {  	s22 =	simm.s32 $0x1580;
	[sflag:s21] =	ssyncadd.s32 $0xFFFFF000  }
0xbd: {  	[spmem:s3] =	stream.indirect.scatter.add.bf16 [tilespmem:s0], [sflag:$0x5], $0x20, s22, s25, $0xb8;
	[tilespmem:$0x1F220] =	vst v63  }
0xbe: {  	_ =	swait.ge [sflag:s23], $0x1000  }
0xbf: {  	[sflag:s23] =	ssyncset.done $0x0  }
0xc0: {  	s13 =	simm.s32 $0x380;
	s22 =	simm.s32 $0x800;
	[sflag:s23] =	ssyncadd.s32 $0xFFFFF000  }
.LBB2_4:
0xc1: {  	[tilespmem:s0], [sflag:$0x4] =	stream.indirect.gather [spmem:s1], $0x20, s13, s25, $0xb8;
	[tilespmem:$0x1F220] =	vst v63  }
0xc2: {  	s13 =	smov.u32 s22  }
0xc3: {  	p0 =	sne.s32 s22, $0x4000;
	s22 =	sadd.s32 $0x800, s22;
	_ =	swait.ge [sflag:s20], $0x1000  }
0xc4: {  	s13 =	sshra.s32 s13, $0x2;
	[sflag:s20] =	ssyncset.done $0x0  }
0xc5: {  	s14 =	sadd.s32 $0x1400, s13;
	[sflag:s20] =	ssyncadd.s32 $0xFFFFF000  }
0xc6: {  	[spmem:s3] =	stream.indirect.scatter.add.bf16 [tilespmem:s26], [sflag:$0x5], $0x20, s14, s25, $0xb8;
	[tilespmem:$0x1F220] =	vst v63  }
0xc7: {  	_ =	swait.ge [sflag:s23], $0x1000  }
0xc8: {  	[sflag:s23] =	ssyncset.done $0x0  }
0xc9: {  	s14 =	sadd.s32 $0x200, s13;
	[sflag:s23] =	ssyncadd.s32 $0xFFFFF000  }
0xca: {  	[tilespmem:s26], [sflag:$0x1] =	stream.indirect.gather [spmem:s1], $0x20, s14, s25, $0xb8;
	[tilespmem:$0x1F220] =	vst v63  }
0xcb: {  	_ =	swait.ge [sflag:s2], $0x1000  }
0xcc: {  	[sflag:s2] =	ssyncset.done $0x0  }
0xcd: {  	s14 =	sadd.s32 $0x1480, s13;
	[sflag:s2] =	ssyncadd.s32 $0xFFFFF000  }
0xce: {  	[spmem:s3] =	stream.indirect.scatter.add.bf16 [tilespmem:s28], [sflag:$0x5], $0x20, s14, s25, $0xb8;
	[tilespmem:$0x1F220] =	vst v63  }
0xcf: {  	_ =	swait.ge [sflag:s23], $0x1000  }
0xd0: {  	[sflag:s23] =	ssyncset.done $0x0  }
0xd1: {  	s14 =	sadd.s32 $0x280, s13;
	[sflag:s23] =	ssyncadd.s32 $0xFFFFF000  }
0xd2: {  	[tilespmem:s28], [sflag:$0x2] =	stream.indirect.gather [spmem:s1], $0x20, s14, s25, $0xb8;
	[tilespmem:$0x1F220] =	vst v63  }
0xd3: {  	_ =	swait.ge [sflag:s5], $0x1000  }
0xd4: {  	[sflag:s5] =	ssyncset.done $0x0  }
0xd5: {  	s14 =	sadd.s32 $0x1500, s13;
	[sflag:s5] =	ssyncadd.s32 $0xFFFFF000  }
0xd6: {  	[spmem:s3] =	stream.indirect.scatter.add.bf16 [tilespmem:s30], [sflag:$0x5], $0x20, s14, s25, $0xb8;
	[tilespmem:$0x1F220] =	vst v63  }
0xd7: {  	_ =	swait.ge [sflag:s23], $0x1000  }
0xd8: {  	[sflag:s23] =	ssyncset.done $0x0  }
0xd9: {  	s14 =	sadd.s32 $0x300, s13;
	[sflag:s23] =	ssyncadd.s32 $0xFFFFF000  }
0xda: {  	[tilespmem:s30], [sflag:$0x3] =	stream.indirect.gather [spmem:s1], $0x20, s14, s25, $0xb8;
	[tilespmem:$0x1F220] =	vst v63  }
0xdb: {  	_ =	swait.ge [sflag:s21], $0x1000  }
0xdc: {  	[sflag:s21] =	ssyncset.done $0x0  }
.Ltmp1:
0xdd: {  	s14 =	sadd.s32 $0x1580, s13;
	[sflag:s21] =	ssyncadd.s32 $0xFFFFF000;
	(pc) =	sbr.rel @p0 .LBB2_4-.Ltmp1, $4  }
0xde: {  	[spmem:s3] =	stream.indirect.scatter.add.bf16 [tilespmem:s0], [sflag:$0x5], $0x20, s14, s25, $0xb8;
	[tilespmem:$0x1F220] =	vst v63  }
0xdf: {  	_ =	swait.ge [sflag:s23], $0x1000  }
0xe0: {  	[sflag:s23] =	ssyncset.done $0x0  }
0xe1: {  	s13 =	sadd.s32 $0x380, s13;
	[sflag:s23] =	ssyncadd.s32 $0xFFFFF000  }
0xe2: {  	[tilespmem:s0], [sflag:$0x4] =	stream.indirect.gather [spmem:s1], $0x20, s13, s25, $0xb8;
	[tilespmem:$0x1F220] =	vst v63  }
0xe3: {  	_ =	swait.ge [sflag:s20], $0x1000  }
0xe4: {  	[sflag:s20] =	ssyncset.done $0x0  }
0xe5: {  	[sflag:s20] =	ssyncadd.s32 $0xFFFFF000  }
0xe6: {  	[spmem:s3] =	stream.indirect.scatter.add.bf16 [tilespmem:s26], [sflag:$0x5], $0x20, s6, s25, $0xb8;
	[tilespmem:$0x1F220] =	vst v63  }
0xe7: {  	_ =	swait.ge [sflag:s23], $0x1000  }
0xe8: {  	[sflag:s23] =	ssyncset.done $0x0  }
0xe9: {  	[sflag:s23] =	ssyncadd.s32 $0xFFFFF000  }
0xea: {  	_ =	swait.ge [sflag:s2], $0x1000  }
0xeb: {  	[sflag:s2] =	ssyncset.done $0x0  }
0xec: {  	[sflag:s2] =	ssyncadd.s32 $0xFFFFF000  }
0xed: {  	[spmem:s3] =	stream.indirect.scatter.add.bf16 [tilespmem:s28], [sflag:$0x5], $0x20, s8, s25, $0xb8;
	[tilespmem:$0x1F220] =	vst v63  }
0xee: {  	_ =	swait.ge [sflag:s23], $0x1000  }
0xef: {  	[sflag:s23] =	ssyncset.done $0x0  }
0xf0: {  	[sflag:s23] =	ssyncadd.s32 $0xFFFFF000  }
0xf1: {  	_ =	swait.ge [sflag:s5], $0x1000  }
0xf2: {  	[sflag:s5] =	ssyncset.done $0x0  }
0xf3: {  	[sflag:s5] =	ssyncadd.s32 $0xFFFFF000  }
0xf4: {  	[spmem:s3] =	stream.indirect.scatter.add.bf16 [tilespmem:s30], [sflag:$0x5], $0x20, s9, s25, $0xb8;
	[tilespmem:$0x1F220] =	vst v63  }
0xf5: {  	_ =	swait.ge [sflag:s23], $0x1000  }
0xf6: {  	[sflag:s23] =	ssyncset.done $0x0  }
0xf7: {  	[sflag:s23] =	ssyncadd.s32 $0xFFFFF000  }
0xf8: {  	_ =	swait.ge [sflag:s21], $0x1000  }
0xf9: {  	[sflag:s21] =	ssyncset.done $0x0  }
0xfa: {  	[sflag:s21] =	ssyncadd.s32 $0xFFFFF000  }
0xfb: {  	[spmem:s3] =	stream.indirect.scatter.add.bf16 [tilespmem:s0], [sflag:$0x5], $0x20, s10, s25, $0xb8;
	[tilespmem:$0x1F220] =	vst v63  }
0xfc: {  	_ =	swait.ge [sflag:s23], $0x1000  }
0xfd: {  	[sflag:s23] =	ssyncset.done $0x0  }
0xfe: {  	s13 =	simm.s32 $0x0;
	s14 =	rddreg [dreg:$0xc];
	[sflag:s23] =	ssyncadd.s32 $0xFFFFF000  }
0xff: {  	[tilespmem:s13], [sflag:$0x5] =	stream.linear.gather [hbm4b:s14+s13], $0x1400, $0x38;
	[tilespmem:$0x1F220] =	vst v63  }
0x100: {  	_ =	swait.ge [sflag:s23], $0x1400  }
0x101: {  	[sflag:s23] =	ssyncset.done $0x0  }
0x102: {  	s22 =	rddreg [dreg:$0xd];
	[sflag:s23] =	ssyncadd.s32 $0xFFFFEC00  }
0x103: {  	[tilespmem:s24], [sflag:$0x5] =	stream.linear.gather [hbm4b:s22+s13], $0x1400, $0x38;
	[tilespmem:$0x1F220] =	vst v63  }
0x104: {  	_ =	swait.ge [sflag:s23], $0x1400  }
0x105: {  	[sflag:s23] =	ssyncset.done $0x0  }
0x106: {  	[sflag:s23] =	ssyncadd.s32 $0xFFFFEC00  }
0x107: {  	[tilespmem:s26], [sflag:$0x1] =	stream.indirect.gather [spmem:s1], $0x20, s13, s25, $0xb8;
	[tilespmem:$0x1F220] =	vst v63  }
0x108: {  	_ = 	snop  }
0x109: {  	[tilespmem:s28], [sflag:$0x2] =	stream.indirect.gather [spmem:s1], $0x20, s25, s25, $0xb8;
	[tilespmem:$0x1F220] =	vst v63  }
0x10a: {  	_ = 	snop  }
0x10b: {  	[tilespmem:s30], [sflag:$0x3] =	stream.indirect.gather [spmem:s1], $0x20, s29, s25, $0xb8;
	[tilespmem:$0x1F220] =	vst v63  }
0x10c: {  	_ = 	snop  }
0x10d: {  	[tilespmem:s0], [sflag:$0x4] =	stream.indirect.gather [spmem:s1], $0x20, s31, s25, $0xb8;
	[tilespmem:$0x1F220] =	vst v63  }
0x10e: {  	_ =	swait.ge [sflag:s20], $0x1000  }
0x10f: {  	[sflag:s20] =	ssyncset.done $0x0  }
0x110: {  	s22 =	simm.s32 $0x1400;
	[sflag:s20] =	ssyncadd.s32 $0xFFFFF000  }
0x111: {  	[spmem:s3] =	stream.indirect.scatter.add.bf16 [tilespmem:s26], [sflag:$0x5], $0x20, s22, s25, $0xb8;
	[tilespmem:$0x1F220] =	vst v63  }
0x112: {  	_ =	swait.ge [sflag:s23], $0x1000  }
0x113: {  	[sflag:s23] =	ssyncset.done $0x0  }
0x114: {  	s14 =	simm.s32 $0x200;
	[sflag:s23] =	ssyncadd.s32 $0xFFFFF000  }
0x115: {  	[tilespmem:s26], [sflag:$0x1] =	stream.indirect.gather [spmem:s1], $0x20, s14, s25, $0xb8;
	[tilespmem:$0x1F220] =	vst v63  }
0x116: {  	_ =	swait.ge [sflag:s2], $0x1000  }
0x117: {  	[sflag:s2] =	ssyncset.done $0x0  }
0x118: {  	s22 =	simm.s32 $0x1480;
	[sflag:s2] =	ssyncadd.s32 $0xFFFFF000  }
0x119: {  	[spmem:s3] =	stream.indirect.scatter.add.bf16 [tilespmem:s28], [sflag:$0x5], $0x20, s22, s25, $0xb8;
	[tilespmem:$0x1F220] =	vst v63  }
0x11a: {  	_ =	swait.ge [sflag:s23], $0x1000  }
0x11b: {  	[sflag:s23] =	ssyncset.done $0x0  }
0x11c: {  	s14 =	simm.s32 $0x280;
	[sflag:s23] =	ssyncadd.s32 $0xFFFFF000  }
0x11d: {  	[tilespmem:s28], [sflag:$0x2] =	stream.indirect.gather [spmem:s1], $0x20, s14, s25, $0xb8;
	[tilespmem:$0x1F220] =	vst v63  }
0x11e: {  	_ =	swait.ge [sflag:s5], $0x1000  }
0x11f: {  	[sflag:s5] =	ssyncset.done $0x0  }
0x120: {  	s22 =	simm.s32 $0x1500;
	[sflag:s5] =	ssyncadd.s32 $0xFFFFF000  }
0x121: {  	[spmem:s3] =	stream.indirect.scatter.add.bf16 [tilespmem:s30], [sflag:$0x5], $0x20, s22, s25, $0xb8;
	[tilespmem:$0x1F220] =	vst v63  }
0x122: {  	_ =	swait.ge [sflag:s23], $0x1000  }
0x123: {  	[sflag:s23] =	ssyncset.done $0x0  }
0x124: {  	s14 =	simm.s32 $0x300;
	[sflag:s23] =	ssyncadd.s32 $0xFFFFF000  }
0x125: {  	[tilespmem:s30], [sflag:$0x3] =	stream.indirect.gather [spmem:s1], $0x20, s14, s25, $0xb8;
	[tilespmem:$0x1F220] =	vst v63  }
0x126: {  	_ =	swait.ge [sflag:s21], $0x1000  }
0x127: {  	[sflag:s21] =	ssyncset.done $0x0  }
0x128: {  	s22 =	simm.s32 $0x1580;
	[sflag:s21] =	ssyncadd.s32 $0xFFFFF000  }
0x129: {  	[spmem:s3] =	stream.indirect.scatter.add.bf16 [tilespmem:s0], [sflag:$0x5], $0x20, s22, s25, $0xb8;
	[tilespmem:$0x1F220] =	vst v63  }
0x12a: {  	_ =	swait.ge [sflag:s23], $0x1000  }
0x12b: {  	[sflag:s23] =	ssyncset.done $0x0  }
0x12c: {  	s13 =	simm.s32 $0x380;
	s22 =	simm.s32 $0x800;
	[sflag:s23] =	ssyncadd.s32 $0xFFFFF000  }
.LBB2_6:
0x12d: {  	[tilespmem:s0], [sflag:$0x4] =	stream.indirect.gather [spmem:s1], $0x20, s13, s25, $0xb8;
	[tilespmem:$0x1F220] =	vst v63  }
0x12e: {  	s13 =	smov.u32 s22  }
0x12f: {  	p0 =	sne.s32 s22, $0x4000;
	s22 =	sadd.s32 $0x800, s22;
	_ =	swait.ge [sflag:s20], $0x1000  }
0x130: {  	s13 =	sshra.s32 s13, $0x2;
	[sflag:s20] =	ssyncset.done $0x0  }
0x131: {  	s14 =	sadd.s32 $0x1400, s13;
	[sflag:s20] =	ssyncadd.s32 $0xFFFFF000  }
0x132: {  	[spmem:s3] =	stream.indirect.scatter.add.bf16 [tilespmem:s26], [sflag:$0x5], $0x20, s14, s25, $0xb8;
	[tilespmem:$0x1F220] =	vst v63  }
0x133: {  	_ =	swait.ge [sflag:s23], $0x1000  }
0x134: {  	[sflag:s23] =	ssyncset.done $0x0  }
0x135: {  	s14 =	sadd.s32 $0x200, s13;
	[sflag:s23] =	ssyncadd.s32 $0xFFFFF000  }
0x136: {  	[tilespmem:s26], [sflag:$0x1] =	stream.indirect.gather [spmem:s1], $0x20, s14, s25, $0xb8;
	[tilespmem:$0x1F220] =	vst v63  }
0x137: {  	_ =	swait.ge [sflag:s2], $0x1000  }
0x138: {  	[sflag:s2] =	ssyncset.done $0x0  }
0x139: {  	s14 =	sadd.s32 $0x1480, s13;
	[sflag:s2] =	ssyncadd.s32 $0xFFFFF000  }
0x13a: {  	[spmem:s3] =	stream.indirect.scatter.add.bf16 [tilespmem:s28], [sflag:$0x5], $0x20, s14, s25, $0xb8;
	[tilespmem:$0x1F220] =	vst v63  }
0x13b: {  	_ =	swait.ge [sflag:s23], $0x1000  }
0x13c: {  	[sflag:s23] =	ssyncset.done $0x0  }
0x13d: {  	s14 =	sadd.s32 $0x280, s13;
	[sflag:s23] =	ssyncadd.s32 $0xFFFFF000  }
0x13e: {  	[tilespmem:s28], [sflag:$0x2] =	stream.indirect.gather [spmem:s1], $0x20, s14, s25, $0xb8;
	[tilespmem:$0x1F220] =	vst v63  }
0x13f: {  	_ =	swait.ge [sflag:s5], $0x1000  }
0x140: {  	[sflag:s5] =	ssyncset.done $0x0  }
0x141: {  	s14 =	sadd.s32 $0x1500, s13;
	[sflag:s5] =	ssyncadd.s32 $0xFFFFF000  }
0x142: {  	[spmem:s3] =	stream.indirect.scatter.add.bf16 [tilespmem:s30], [sflag:$0x5], $0x20, s14, s25, $0xb8;
	[tilespmem:$0x1F220] =	vst v63  }
0x143: {  	_ =	swait.ge [sflag:s23], $0x1000  }
0x144: {  	[sflag:s23] =	ssyncset.done $0x0  }
0x145: {  	s14 =	sadd.s32 $0x300, s13;
	[sflag:s23] =	ssyncadd.s32 $0xFFFFF000  }
0x146: {  	[tilespmem:s30], [sflag:$0x3] =	stream.indirect.gather [spmem:s1], $0x20, s14, s25, $0xb8;
	[tilespmem:$0x1F220] =	vst v63  }
0x147: {  	_ =	swait.ge [sflag:s21], $0x1000  }
0x148: {  	[sflag:s21] =	ssyncset.done $0x0  }
.Ltmp2:
0x149: {  	s14 =	sadd.s32 $0x1580, s13;
	[sflag:s21] =	ssyncadd.s32 $0xFFFFF000;
	(pc) =	sbr.rel @p0 .LBB2_6-.Ltmp2, $4  }
0x14a: {  	[spmem:s3] =	stream.indirect.scatter.add.bf16 [tilespmem:s0], [sflag:$0x5], $0x20, s14, s25, $0xb8;
	[tilespmem:$0x1F220] =	vst v63  }
0x14b: {  	_ =	swait.ge [sflag:s23], $0x1000  }
0x14c: {  	[sflag:s23] =	ssyncset.done $0x0  }
0x14d: {  	s13 =	sadd.s32 $0x380, s13;
	[sflag:s23] =	ssyncadd.s32 $0xFFFFF000  }
0x14e: {  	[tilespmem:s0], [sflag:$0x4] =	stream.indirect.gather [spmem:s1], $0x20, s13, s25, $0xb8;
	[tilespmem:$0x1F220] =	vst v63  }
0x14f: {  	_ =	swait.ge [sflag:s20], $0x1000  }
0x150: {  	[sflag:s20] =	ssyncset.done $0x0  }
0x151: {  	[sflag:s20] =	ssyncadd.s32 $0xFFFFF000  }
0x152: {  	[spmem:s3] =	stream.indirect.scatter.add.bf16 [tilespmem:s26], [sflag:$0x5], $0x20, s6, s25, $0xb8;
	[tilespmem:$0x1F220] =	vst v63  }
0x153: {  	_ =	swait.ge [sflag:s23], $0x1000  }
0x154: {  	[sflag:s23] =	ssyncset.done $0x0  }
0x155: {  	[sflag:s23] =	ssyncadd.s32 $0xFFFFF000  }
0x156: {  	_ =	swait.ge [sflag:s2], $0x1000  }
0x157: {  	[sflag:s2] =	ssyncset.done $0x0  }
0x158: {  	[sflag:s2] =	ssyncadd.s32 $0xFFFFF000  }
0x159: {  	[spmem:s3] =	stream.indirect.scatter.add.bf16 [tilespmem:s28], [sflag:$0x5], $0x20, s8, s25, $0xb8;
	[tilespmem:$0x1F220] =	vst v63  }
0x15a: {  	_ =	swait.ge [sflag:s23], $0x1000  }
0x15b: {  	[sflag:s23] =	ssyncset.done $0x0  }
0x15c: {  	[sflag:s23] =	ssyncadd.s32 $0xFFFFF000  }
0x15d: {  	_ =	swait.ge [sflag:s5], $0x1000  }
0x15e: {  	[sflag:s5] =	ssyncset.done $0x0  }
0x15f: {  	[sflag:s5] =	ssyncadd.s32 $0xFFFFF000  }
0x160: {  	[spmem:s3] =	stream.indirect.scatter.add.bf16 [tilespmem:s30], [sflag:$0x5], $0x20, s9, s25, $0xb8;
	[tilespmem:$0x1F220] =	vst v63  }
0x161: {  	_ =	swait.ge [sflag:s23], $0x1000  }
0x162: {  	[sflag:s23] =	ssyncset.done $0x0  }
0x163: {  	[sflag:s23] =	ssyncadd.s32 $0xFFFFF000  }
0x164: {  	_ =	swait.ge [sflag:s21], $0x1000  }
0x165: {  	[sflag:s21] =	ssyncset.done $0x0  }
0x166: {  	[sflag:s21] =	ssyncadd.s32 $0xFFFFF000  }
0x167: {  	[spmem:s3] =	stream.indirect.scatter.add.bf16 [tilespmem:s0], [sflag:$0x5], $0x20, s10, s25, $0xb8;
	[tilespmem:$0x1F220] =	vst v63  }
0x168: {  	_ =	swait.ge [sflag:s23], $0x1000  }
0x169: {  	[sflag:s23] =	ssyncset.done $0x0  }
0x16a: {  	s14 =	simm.s32 $0x0;
	[sflag:s23] =	ssyncadd.s32 $0xFFFFF000  }
0x16b: {  	[tilespmem:s14], [sflag:$0x5] =	stream.linear.gather [hbm4b:s15+s14], $0x1400, $0x38;
	[tilespmem:$0x1F220] =	vst v63  }
0x16c: {  	_ =	swait.ge [sflag:s23], $0x1400  }
0x16d: {  	[sflag:s23] =	ssyncset.done $0x0  }
0x16e: {  	[sflag:s23] =	ssyncadd.s32 $0xFFFFEC00  }
0x16f: {  	[tilespmem:s24], [sflag:$0x5] =	stream.linear.gather [hbm4b:s16+s14], $0x1400, $0x38;
	[tilespmem:$0x1F220] =	vst v63  }
0x170: {  	_ =	swait.ge [sflag:s23], $0x1400  }
0x171: {  	[sflag:s23] =	ssyncset.done $0x0  }
0x172: {  	[sflag:s23] =	ssyncadd.s32 $0xFFFFEC00  }
0x173: {  	[tilespmem:s26], [sflag:$0x1] =	stream.indirect.gather [spmem:s1], $0x20, s14, s25, $0xb8;
	[tilespmem:$0x1F220] =	vst v63  }
0x174: {  	_ = 	snop  }
0x175: {  	[tilespmem:s28], [sflag:$0x2] =	stream.indirect.gather [spmem:s1], $0x20, s25, s25, $0xb8;
	[tilespmem:$0x1F220] =	vst v63  }
0x176: {  	_ = 	snop  }
0x177: {  	[tilespmem:s30], [sflag:$0x3] =	stream.indirect.gather [spmem:s1], $0x20, s29, s25, $0xb8;
	[tilespmem:$0x1F220] =	vst v63  }
0x178: {  	_ = 	snop  }
0x179: {  	[tilespmem:s0], [sflag:$0x4] =	stream.indirect.gather [spmem:s1], $0x20, s31, s25, $0xb8;
	[tilespmem:$0x1F220] =	vst v63  }
0x17a: {  	_ =	swait.ge [sflag:s20], $0x1000  }
0x17b: {  	[sflag:s20] =	ssyncset.done $0x0  }
0x17c: {  	s22 =	simm.s32 $0x1400;
	[sflag:s20] =	ssyncadd.s32 $0xFFFFF000  }
0x17d: {  	[spmem:s3] =	stream.indirect.scatter.add.bf16 [tilespmem:s26], [sflag:$0x5], $0x20, s22, s25, $0xb8;
	[tilespmem:$0x1F220] =	vst v63  }
0x17e: {  	_ =	swait.ge [sflag:s23], $0x1000  }
0x17f: {  	[sflag:s23] =	ssyncset.done $0x0  }
0x180: {  	s14 =	simm.s32 $0x200;
	[sflag:s23] =	ssyncadd.s32 $0xFFFFF000  }
0x181: {  	[tilespmem:s26], [sflag:$0x1] =	stream.indirect.gather [spmem:s1], $0x20, s14, s25, $0xb8;
	[tilespmem:$0x1F220] =	vst v63  }
0x182: {  	_ =	swait.ge [sflag:s2], $0x1000  }
0x183: {  	[sflag:s2] =	ssyncset.done $0x0  }
0x184: {  	s22 =	simm.s32 $0x1480;
	[sflag:s2] =	ssyncadd.s32 $0xFFFFF000  }
0x185: {  	[spmem:s3] =	stream.indirect.scatter.add.bf16 [tilespmem:s28], [sflag:$0x5], $0x20, s22, s25, $0xb8;
	[tilespmem:$0x1F220] =	vst v63  }
0x186: {  	_ =	swait.ge [sflag:s23], $0x1000  }
0x187: {  	[sflag:s23] =	ssyncset.done $0x0  }
0x188: {  	s14 =	simm.s32 $0x280;
	[sflag:s23] =	ssyncadd.s32 $0xFFFFF000  }
0x189: {  	[tilespmem:s28], [sflag:$0x2] =	stream.indirect.gather [spmem:s1], $0x20, s14, s25, $0xb8;
	[tilespmem:$0x1F220] =	vst v63  }
0x18a: {  	_ =	swait.ge [sflag:s5], $0x1000  }
0x18b: {  	[sflag:s5] =	ssyncset.done $0x0  }
0x18c: {  	s22 =	simm.s32 $0x1500;
	[sflag:s5] =	ssyncadd.s32 $0xFFFFF000  }
0x18d: {  	[spmem:s3] =	stream.indirect.scatter.add.bf16 [tilespmem:s30], [sflag:$0x5], $0x20, s22, s25, $0xb8;
	[tilespmem:$0x1F220] =	vst v63  }
0x18e: {  	_ =	swait.ge [sflag:s23], $0x1000  }
0x18f: {  	[sflag:s23] =	ssyncset.done $0x0  }
0x190: {  	s14 =	simm.s32 $0x300;
	[sflag:s23] =	ssyncadd.s32 $0xFFFFF000  }
0x191: {  	[tilespmem:s30], [sflag:$0x3] =	stream.indirect.gather [spmem:s1], $0x20, s14, s25, $0xb8;
	[tilespmem:$0x1F220] =	vst v63  }
0x192: {  	_ =	swait.ge [sflag:s21], $0x1000  }
0x193: {  	[sflag:s21] =	ssyncset.done $0x0  }
0x194: {  	s22 =	simm.s32 $0x1580;
	[sflag:s21] =	ssyncadd.s32 $0xFFFFF000  }
0x195: {  	[spmem:s3] =	stream.indirect.scatter.add.bf16 [tilespmem:s0], [sflag:$0x5], $0x20, s22, s25, $0xb8;
	[tilespmem:$0x1F220] =	vst v63  }
0x196: {  	_ =	swait.ge [sflag:s23], $0x1000  }
0x197: {  	[sflag:s23] =	ssyncset.done $0x0  }
0x198: {  	s13 =	simm.s32 $0x380;
	s22 =	simm.s32 $0x800;
	[sflag:s23] =	ssyncadd.s32 $0xFFFFF000  }
.LBB2_8:
0x199: {  	[tilespmem:s0], [sflag:$0x4] =	stream.indirect.gather [spmem:s1], $0x20, s13, s25, $0xb8;
	[tilespmem:$0x1F220] =	vst v63  }
0x19a: {  	s13 =	smov.u32 s22  }
0x19b: {  	p0 =	sne.s32 s22, $0x4000;
	s22 =	sadd.s32 $0x800, s22;
	_ =	swait.ge [sflag:s20], $0x1000  }
0x19c: {  	s13 =	sshra.s32 s13, $0x2;
	[sflag:s20] =	ssyncset.done $0x0  }
0x19d: {  	s14 =	sadd.s32 $0x1400, s13;
	[sflag:s20] =	ssyncadd.s32 $0xFFFFF000  }
0x19e: {  	[spmem:s3] =	stream.indirect.scatter.add.bf16 [tilespmem:s26], [sflag:$0x5], $0x20, s14, s25, $0xb8;
	[tilespmem:$0x1F220] =	vst v63  }
0x19f: {  	_ =	swait.ge [sflag:s23], $0x1000  }
0x1a0: {  	[sflag:s23] =	ssyncset.done $0x0  }
0x1a1: {  	s14 =	sadd.s32 $0x200, s13;
	[sflag:s23] =	ssyncadd.s32 $0xFFFFF000  }
0x1a2: {  	[tilespmem:s26], [sflag:$0x1] =	stream.indirect.gather [spmem:s1], $0x20, s14, s25, $0xb8;
	[tilespmem:$0x1F220] =	vst v63  }
0x1a3: {  	_ =	swait.ge [sflag:s2], $0x1000  }
0x1a4: {  	[sflag:s2] =	ssyncset.done $0x0  }
0x1a5: {  	s14 =	sadd.s32 $0x1480, s13;
	[sflag:s2] =	ssyncadd.s32 $0xFFFFF000  }
0x1a6: {  	[spmem:s3] =	stream.indirect.scatter.add.bf16 [tilespmem:s28], [sflag:$0x5], $0x20, s14, s25, $0xb8;
	[tilespmem:$0x1F220] =	vst v63  }
0x1a7: {  	_ =	swait.ge [sflag:s23], $0x1000  }
0x1a8: {  	[sflag:s23] =	ssyncset.done $0x0  }
0x1a9: {  	s14 =	sadd.s32 $0x280, s13;
	[sflag:s23] =	ssyncadd.s32 $0xFFFFF000  }
0x1aa: {  	[tilespmem:s28], [sflag:$0x2] =	stream.indirect.gather [spmem:s1], $0x20, s14, s25, $0xb8;
	[tilespmem:$0x1F220] =	vst v63  }
0x1ab: {  	_ =	swait.ge [sflag:s5], $0x1000  }
0x1ac: {  	[sflag:s5] =	ssyncset.done $0x0  }
0x1ad: {  	s14 =	sadd.s32 $0x1500, s13;
	[sflag:s5] =	ssyncadd.s32 $0xFFFFF000  }
0x1ae: {  	[spmem:s3] =	stream.indirect.scatter.add.bf16 [tilespmem:s30], [sflag:$0x5], $0x20, s14, s25, $0xb8;
	[tilespmem:$0x1F220] =	vst v63  }
0x1af: {  	_ =	swait.ge [sflag:s23], $0x1000  }
0x1b0: {  	[sflag:s23] =	ssyncset.done $0x0  }
0x1b1: {  	s14 =	sadd.s32 $0x300, s13;
	[sflag:s23] =	ssyncadd.s32 $0xFFFFF000  }
0x1b2: {  	[tilespmem:s30], [sflag:$0x3] =	stream.indirect.gather [spmem:s1], $0x20, s14, s25, $0xb8;
	[tilespmem:$0x1F220] =	vst v63  }
0x1b3: {  	_ =	swait.ge [sflag:s21], $0x1000  }
0x1b4: {  	[sflag:s21] =	ssyncset.done $0x0  }
.Ltmp3:
0x1b5: {  	s14 =	sadd.s32 $0x1580, s13;
	[sflag:s21] =	ssyncadd.s32 $0xFFFFF000;
	(pc) =	sbr.rel @p0 .LBB2_8-.Ltmp3, $4  }
0x1b6: {  	[spmem:s3] =	stream.indirect.scatter.add.bf16 [tilespmem:s0], [sflag:$0x5], $0x20, s14, s25, $0xb8;
	[tilespmem:$0x1F220] =	vst v63  }
0x1b7: {  	_ =	swait.ge [sflag:s23], $0x1000  }
0x1b8: {  	[sflag:s23] =	ssyncset.done $0x0  }
0x1b9: {  	s13 =	sadd.s32 $0x380, s13;
	[sflag:s23] =	ssyncadd.s32 $0xFFFFF000  }
0x1ba: {  	[tilespmem:s0], [sflag:$0x4] =	stream.indirect.gather [spmem:s1], $0x20, s13, s25, $0xb8;
	[tilespmem:$0x1F220] =	vst v63  }
0x1bb: {  	_ =	swait.ge [sflag:s20], $0x1000  }
0x1bc: {  	[sflag:s20] =	ssyncset.done $0x0  }
0x1bd: {  	[sflag:s20] =	ssyncadd.s32 $0xFFFFF000  }
0x1be: {  	[spmem:s3] =	stream.indirect.scatter.add.bf16 [tilespmem:s26], [sflag:$0x5], $0x20, s6, s25, $0xb8;
	[tilespmem:$0x1F220] =	vst v63  }
0x1bf: {  	_ =	swait.ge [sflag:s23], $0x1000  }
0x1c0: {  	[sflag:s23] =	ssyncset.done $0x0  }
0x1c1: {  	[sflag:s23] =	ssyncadd.s32 $0xFFFFF000  }
0x1c2: {  	_ =	swait.ge [sflag:s2], $0x1000  }
0x1c3: {  	[sflag:s2] =	ssyncset.done $0x0  }
0x1c4: {  	[sflag:s2] =	ssyncadd.s32 $0xFFFFF000  }
0x1c5: {  	[spmem:s3] =	stream.indirect.scatter.add.bf16 [tilespmem:s28], [sflag:$0x5], $0x20, s8, s25, $0xb8;
	[tilespmem:$0x1F220] =	vst v63  }
0x1c6: {  	_ =	swait.ge [sflag:s23], $0x1000  }
0x1c7: {  	[sflag:s23] =	ssyncset.done $0x0  }
0x1c8: {  	[sflag:s23] =	ssyncadd.s32 $0xFFFFF000  }
0x1c9: {  	_ =	swait.ge [sflag:s5], $0x1000  }
0x1ca: {  	[sflag:s5] =	ssyncset.done $0x0  }
0x1cb: {  	[sflag:s5] =	ssyncadd.s32 $0xFFFFF000  }
0x1cc: {  	[spmem:s3] =	stream.indirect.scatter.add.bf16 [tilespmem:s30], [sflag:$0x5], $0x20, s9, s25, $0xb8;
	[tilespmem:$0x1F220] =	vst v63  }
0x1cd: {  	_ =	swait.ge [sflag:s23], $0x1000  }
0x1ce: {  	[sflag:s23] =	ssyncset.done $0x0  }
0x1cf: {  	[sflag:s23] =	ssyncadd.s32 $0xFFFFF000  }
0x1d0: {  	_ =	swait.ge [sflag:s21], $0x1000  }
0x1d1: {  	[sflag:s21] =	ssyncset.done $0x0  }
0x1d2: {  	[sflag:s21] =	ssyncadd.s32 $0xFFFFF000  }
0x1d3: {  	[spmem:s3] =	stream.indirect.scatter.add.bf16 [tilespmem:s0], [sflag:$0x5], $0x20, s10, s25, $0xb8;
	[tilespmem:$0x1F220] =	vst v63  }
0x1d4: {  	_ =	swait.ge [sflag:s23], $0x1000  }
0x1d5: {  	s11 =	sadd.s32 $0x1, s11;
	[sflag:s23] =	ssyncset.done $0x0  }
0x1d6: {  	p0 =	sne.s32 s11, s18;
	[sflag:s23] =	ssyncadd.s32 $0xFFFFF000  }
.Ltmp4:
0x1d7: {  	s13 =	simm.s32 $0x8;
	[bflag:$0x0] =	sbarrier.arrive $0xFFFF;
	(pc) =	sbr.rel @p0 .LBB2_1-.Ltmp4, $4  }
0x1d8: {  	[hbm:s17@s13], [sflag:s7] =	dma.strided [spmem:s12@s21], $0x2780, s20, $0x4   }
0x1d9: {  	_ =	swait.ge [sflag:s23], $0x2780  }
0x1da: {  	[sflag:s23] =	ssyncset.done $0x0  }
0x1db: {  	[sflag:s23] =	ssyncadd.s32 $0xFFFFD880  }
0x1dc: {  	_ =	sfence.sel $0x180000  }
0x1dd: {  	[bflag:$0x0] =	sbarrier.arrive $0xFFFF  }
0x1de: {  	_ =	strace $0x90000047  }
0x1df: {  	s0 =	stileid.u32;
	[bflag:$0x2] =	sbarrier.arrive $0xFFFF  }
0x1e0: {  	p0 =	sne.s32 s0, $0x0;
	s0 =	rddreg [dreg:$0x4]  }
0x1e1: {  	s0 =	sadd.s32 @!p0 $0x100000, s0  }
0x1e2: {  	[sflag:s0] =	ssyncadd.tile.s32 @!p0 $0x1;
	_ =	shalt  }
.Lfunc_end2:
_tile_overlayer_lowered:
.L_overlay_start_2:
0x1e3: {  	(tag) =	ssettag $0x2  }
0x1e4: {  	s0 =	rddreg [dreg:$0x0];
	s2 =	stileid.u32  }
0x1e5: {  	s1 =	rddreg [dreg:$0x1];
	p0 =	sne.s32 s2, $0x0  }
0x1e6: {  	s3 =	rddreg [dreg:$0x2];
	[bflag:$0x3] =	sbarrier.arrive $0xFFFF;
	s2 =	simm.s32 @!p0 $0x1C05  }
0x1e7: {  	[timem:s3], [sflag:s2] =	dma.local @!p0 [hbm:s0], s1  }
0x1e8: {  	s0 =	simm.s32 @!p0 $0x5  }
0x1e9: {  	_ =	swait.ge @!p0 [sflag:s0], s1  }
0x1ea: {  	s1 =	ssub.s32 @!p0 $0x0, s1;
	[sflag:s0] =	ssyncset.done @!p0 $0x0  }
0x1eb: {  	[sflag:s0] =	ssyncadd.s32 @!p0 s1  }
0x1ec: {  	[bflag:$0x3] =	sbarrier.arrive $0xFFFF  }
0x1ed: {  	_ =	shalt  }

</sc_bundles>
